<compile_context>
chip_gen: v7x
topology: tpu7x:2x2x1
jax: 0.10.2.dev20260603
libtpu: 0.0.44.dev20260713+nightly
codegen_flags: <defaults>
</compile_context>

<pallas_src>
import functools

import jax
import jax.numpy as jnp
from jax import lax
from jax.experimental import pallas as pl
from jax.experimental.pallas import tpu as pltpu
from jax.experimental.pallas import tpu_sc as plsc

N_NODES = 10000
D_FEAT = 128
D_HID = 64
NC, NS = 2, 16
NW = NC * NS
N_PAD = 10240
RPT = N_PAD // NS
CHUNK = 128
NB = 8
NBD = 8

MB = 1280
GRID_M = N_PAD // MB


def _sc_degree(dst2):
    total_chunks = dst2.shape[0]
    k_ch = total_chunks // NW
    n_grp = k_ch // NBD
    mesh = plsc.VectorSubcoreMesh(core_axis_name="c", subcore_axis_name="s")

    @functools.partial(
        pl.kernel,
        out_type=jax.ShapeDtypeStruct((NC, N_PAD), jnp.float32),
        mesh=mesh,
        scratch_types=[
            pltpu.VMEM((k_ch, CHUNK), jnp.int32),
            pltpu.VMEM((CHUNK,), jnp.float32),
            pltpu.VMEM_SHARED((N_PAD,), jnp.float32),
            pltpu.VMEM((RPT,), jnp.float32),
        ] + [pltpu.SemaphoreType.DMA] * NBD,
    )
    def deg_kernel(dst_hbm, out_hbm, idx_all, ones_v, deg_sh, zero_v, *sems):
        c = lax.axis_index("c")
        s = lax.axis_index("s")
        ch0 = (c * NS + s) * k_ch
        r0 = s * RPT
        for i in range(CHUNK // 16):
            ones_v[pl.ds(i * 16, 16)] = jnp.ones((16,), jnp.float32)
        for i in range(RPT // 16):
            zero_v[pl.ds(i * 16, 16)] = jnp.zeros((16,), jnp.float32)
        pltpu.sync_copy(dst_hbm.at[pl.ds(ch0, k_ch)], idx_all)
        pltpu.sync_copy(zero_v, deg_sh.at[pl.ds(r0, RPT)])
        plsc.subcore_barrier()

        def scat(k, b):
            pltpu.async_copy(ones_v, deg_sh.at[idx_all.at[k]], sems[b],
                             add=True)

        def grp(g, carry):
            for b in range(NBD):
                @pl.when(g > 0)
                def _():
                    pltpu.make_async_copy(
                        ones_v, deg_sh.at[idx_all.at[0]], sems[b]).wait()
                scat(g * NBD + b, b)
            return carry

        lax.fori_loop(0, n_grp, grp, 0)
        for b in range(NBD):
            pltpu.make_async_copy(
                ones_v, deg_sh.at[idx_all.at[0]], sems[b]).wait()
        plsc.subcore_barrier()
        pltpu.sync_copy(deg_sh.at[pl.ds(r0, RPT)],
                        out_hbm.at[c, pl.ds(r0, RPT)])

    return deg_kernel(dst2)


def _sc_propagate(hs_pad, src2, dst2, zeros2):
    total_chunks = src2.shape[0]
    k_ch = total_chunks // NW
    n_grp = k_ch // NB
    mesh = plsc.VectorSubcoreMesh(core_axis_name="c", subcore_axis_name="s")

    @functools.partial(
        pl.kernel,
        out_type=jax.ShapeDtypeStruct((NC, N_PAD, D_HID), jnp.float32),
        mesh=mesh,
        scratch_types=[
            pltpu.VMEM((k_ch, CHUNK), jnp.int32),
            pltpu.VMEM((k_ch, CHUNK), jnp.int32),
            pltpu.VMEM((NB, CHUNK, D_HID), jnp.float32),
            pltpu.VMEM_SHARED((N_PAD, D_HID), jnp.float32),
        ] + [pltpu.SemaphoreType.DMA] * (2 * NB),
        compiler_params=pltpu.CompilerParams(use_tc_tiling_on_sc=False),
    )
    def prop_kernel(hs_hbm, src_hbm, dst_hbm, zeros_hbm, out_hbm,
                    sidx, didx, rows, acc_sh, *sems):
        gsem = sems[:NB]
        ssem = sems[NB:]
        c = lax.axis_index("c")
        s = lax.axis_index("s")
        ch0 = (c * NS + s) * k_ch
        r0 = s * RPT
        pltpu.sync_copy(src_hbm.at[pl.ds(ch0, k_ch)], sidx)
        pltpu.sync_copy(dst_hbm.at[pl.ds(ch0, k_ch)], didx)
        pltpu.sync_copy(zeros_hbm.at[pl.ds(r0, RPT)], acc_sh.at[pl.ds(r0, RPT)])
        plsc.subcore_barrier()

        def start_gather(k, b):
            pltpu.async_copy(hs_hbm.at[sidx.at[k]], rows.at[b], gsem[b])

        def wait_gather(b):
            pltpu.make_async_copy(
                hs_hbm.at[sidx.at[0]], rows.at[b], gsem[b]).wait()

        def start_scatter(k, b):
            pltpu.async_copy(rows.at[b], acc_sh.at[didx.at[k]], ssem[b],
                             add=True)

        def wait_scatter(b):
            pltpu.make_async_copy(
                rows.at[b], acc_sh.at[didx.at[0]], ssem[b]).wait()

        for b in range(NB):
            start_gather(b, b)

        def grp(g, carry):
            for b in range(NB):
                wait_gather(b)
                start_scatter(g * NB + b, b)
            for b in range(NB):
                wait_scatter(b)

                @pl.when(g + 1 < n_grp)
                def _():
                    start_gather((g + 1) * NB + b, b)
            return carry

        lax.fori_loop(0, n_grp, grp, 0)
        plsc.subcore_barrier()
        pltpu.sync_copy(acc_sh.at[pl.ds(r0, RPT)],
                        out_hbm.at[c, pl.ds(r0, RPT)])

    return prop_kernel(hs_pad, src2, dst2, zeros2)


def _tc_first(deg_parts_t, x_pad, W1):
    def body(deg_ref, x_ref, w_ref, hs_ref, dinv_ref):
        deg = deg_ref[...]
        degt = deg[:, 0:1] + deg[:, 1:2] + 1.0
        dinv = lax.rsqrt(jnp.maximum(degt, 1e-12))
        h = jnp.dot(x_ref[...], w_ref[...], preferred_element_type=jnp.float32)
        hs_ref[...] = dinv * h
        dinv_ref[...] = dinv

    return pl.pallas_call(
        body,
        grid=(GRID_M,),
        in_specs=[
            pl.BlockSpec((MB, NC), lambda i: (i, 0)),
            pl.BlockSpec((MB, D_FEAT), lambda i: (i, 0)),
            pl.BlockSpec((D_FEAT, D_HID), lambda i: (0, 0)),
        ],
        out_specs=[
            pl.BlockSpec((MB, D_HID), lambda i: (i, 0)),
            pl.BlockSpec((MB, 1), lambda i: (i, 0)),
        ],
        out_shape=[
            jax.ShapeDtypeStruct((N_PAD, D_HID), jnp.float32),
            jax.ShapeDtypeStruct((N_PAD, 1), jnp.float32),
        ],
    )(deg_parts_t, x_pad, W1)


def _tc_mid(acc_parts, hs1, dinv, b1, W2):
    def body(acc_ref, hs_ref, dinv_ref, b_ref, w_ref, out_ref):
        agg = acc_ref[0] + acc_ref[1] + hs_ref[...]
        pre = dinv_ref[...] * agg + b_ref[...]
        h = jnp.maximum(pre, 0.0)
        h2 = jnp.dot(h, w_ref[...], preferred_element_type=jnp.float32)
        out_ref[...] = dinv_ref[...] * h2

    return pl.pallas_call(
        body,
        grid=(GRID_M,),
        in_specs=[
            pl.BlockSpec((NC, MB, D_HID), lambda i: (0, i, 0)),
            pl.BlockSpec((MB, D_HID), lambda i: (i, 0)),
            pl.BlockSpec((MB, 1), lambda i: (i, 0)),
            pl.BlockSpec((1, D_HID), lambda i: (0, 0)),
            pl.BlockSpec((D_HID, D_HID), lambda i: (0, 0)),
        ],
        out_specs=pl.BlockSpec((MB, D_HID), lambda i: (i, 0)),
        out_shape=jax.ShapeDtypeStruct((N_PAD, D_HID), jnp.float32),
    )(acc_parts, hs1, dinv, b1, W2)


def _tc_final(acc_parts, hs2, dinv, b2):
    def body(acc_ref, hs_ref, dinv_ref, b_ref, out_ref):
        agg = acc_ref[0] + acc_ref[1] + hs_ref[...]
        out_ref[...] = dinv_ref[...] * agg + b_ref[...]

    mf = 2000
    return pl.pallas_call(
        body,
        grid=(N_NODES // mf,),
        in_specs=[
            pl.BlockSpec((NC, mf, D_HID), lambda i: (0, i, 0)),
            pl.BlockSpec((mf, D_HID), lambda i: (i, 0)),
            pl.BlockSpec((mf, 1), lambda i: (i, 0)),
            pl.BlockSpec((1, D_HID), lambda i: (0, 0)),
        ],
        out_specs=pl.BlockSpec((mf, D_HID), lambda i: (i, 0)),
        out_shape=jax.ShapeDtypeStruct((N_NODES, D_HID), jnp.float32),
    )(acc_parts, hs2, dinv, b2)


def kernel(features, edge_index, W1, b1, W2, b2):
    src = edge_index[0].astype(jnp.int32)
    dst = edge_index[1].astype(jnp.int32)
    e = src.shape[0]
    quantum = NW * CHUNK
    k_ch = -(-e // quantum)
    k_ch = -(-k_ch // NB) * NB
    e_pad = k_ch * quantum
    fill = (N_NODES + jnp.arange(e_pad - e, dtype=jnp.int32)
            % (N_PAD - N_NODES))
    src2 = jnp.concatenate([src, fill]).reshape(NW * k_ch, CHUNK)
    dst2 = jnp.concatenate([dst, fill]).reshape(NW * k_ch, CHUNK)

    x_pad = jnp.pad(features, ((0, N_PAD - N_NODES), (0, 0)))
    zeros2 = jnp.zeros((N_PAD, D_HID), jnp.float32)
    b1r = b1.reshape(1, D_HID)
    b2r = b2.reshape(1, D_HID)

    deg_parts = _sc_degree(dst2)
    hs1, dinv = _tc_first(deg_parts.T, x_pad, W1)
    acc1 = _sc_propagate(hs1, src2, dst2, zeros2)
    hs2 = _tc_mid(acc1, hs1, dinv, b1r, W2)
    acc2 = _sc_propagate(hs2, src2, dst2, zeros2)
    return _tc_final(acc2, hs2, dinv, b2r)

# --- scband reference (transcript-rebuilt; emitter-appended) ---
"""Pipeline reference for scband-estimate-adj-82119774699766 (READ-ONLY COPY).

The authoritative reference and input builder live on the scoring server;
editing this copy changes nothing except your own understanding.
"""

import jax, jax.numpy as jnp
import numpy as np

N_NODES = 10000
N_EDGES = 320000
D_FEAT = 128
D_HID = 64


def setup_inputs(seed: int = 0) -> dict:
    key = jax.random.key(seed)
    k1, k2, k3, k4, k5, k6 = jax.random.split(key, 6)
    features = jax.random.normal(k1, (N_NODES, D_FEAT), dtype=jnp.float32)
    edge_index = jax.random.randint(k2, (2, N_EDGES), 0, N_NODES, dtype=jnp.int64)
    # learned params of the 2-layer GCN estimator (nfea -> edge_hidden -> edge_hidden)
    W1 = jax.random.normal(k3, (D_FEAT, D_HID), dtype=jnp.float32) * (1.0 / np.sqrt(D_FEAT))
    b1 = jnp.zeros((D_HID,), dtype=jnp.float32)
    W2 = jax.random.normal(k4, (D_HID, D_HID), dtype=jnp.float32) * (1.0 / np.sqrt(D_HID))
    b2 = jnp.zeros((D_HID,), dtype=jnp.float32)
    return {"features": features, "edge_index": edge_index, "W1": W1, "b1": b1, "W2": W2, "b2": b2}


def _gcn_conv(x, src, dst, norm, W, b, num_nodes):
    # PyG-style GCNConv: x' = D^{-1/2} (A + I) D^{-1/2} (x W) + b
    h = x @ W
    msgs = jnp.take(h, src, axis=0) * norm[:, None]
    agg = jnp.zeros((num_nodes, h.shape[1]), dtype=h.dtype).at[dst].add(msgs)
    return agg + b


def reference(features, edge_index, W1, b1, W2, b2):
    num_nodes = features.shape[0]
    # add self-loops
    loops = jnp.arange(num_nodes, dtype=edge_index.dtype)
    src = jnp.concatenate([edge_index[0], loops])
    dst = jnp.concatenate([edge_index[1], loops])
    # symmetric normalization
    deg = jnp.zeros((num_nodes,), dtype=jnp.float32).at[dst].add(1.0)
    dinv = jax.lax.rsqrt(jnp.maximum(deg, 1e-12))
    norm = jnp.take(dinv, src) * jnp.take(dinv, dst)
    # 2-layer GCN, dropout=0.0
    h = _gcn_conv(features, src, dst, norm, W1, b1, num_nodes)
    h = jax.nn.relu(h)
    out = _gcn_conv(h, src, dst, norm, W2, b2, num_nodes)
    return out

if __name__ == "__main__":
    import jax
    _d = setup_inputs()
    print(jax.jit(kernel)(*tuple(_d.values())))

</pallas_src>

<mosaic_0001>
#map = affine_map<(d0, d1) -> (0, 0)>
#map1 = affine_map<(d0, d1) -> (0, 0, 0)>
module attributes {stable_mosaic.version = 14 : i64} {
  func.func @prop_kernel(%arg0: i32, %arg1: i32, %arg2: memref<10240x64xf32, #tpu.memory_space<hbm>>, %arg3: memref<2560x128xi32, #tpu.memory_space<hbm>>, %arg4: memref<2560x128xi32, #tpu.memory_space<hbm>>, %arg5: memref<10240x64xf32, #tpu.memory_space<hbm>>, %arg6: memref<2x10240x64xf32, #tpu.memory_space<hbm>>, %arg7: memref<80x128xi32, #tpu.memory_space<vmem>>, %arg8: memref<80x128xi32, #tpu.memory_space<vmem>>, %arg9: memref<8x128x64xf32, #tpu.memory_space<vmem>>, %arg10: memref<10240x64xf32, #tpu.memory_space<vmem_shared>>, %arg11: memref<!tpu.dma_semaphore, #tpu.memory_space<semaphore_mem>>, %arg12: memref<!tpu.dma_semaphore, #tpu.memory_space<semaphore_mem>>, %arg13: memref<!tpu.dma_semaphore, #tpu.memory_space<semaphore_mem>>, %arg14: memref<!tpu.dma_semaphore, #tpu.memory_space<semaphore_mem>>, %arg15: memref<!tpu.dma_semaphore, #tpu.memory_space<semaphore_mem>>, %arg16: memref<!tpu.dma_semaphore, #tpu.memory_space<semaphore_mem>>, %arg17: memref<!tpu.dma_semaphore, #tpu.memory_space<semaphore_mem>>, %arg18: memref<!tpu.dma_semaphore, #tpu.memory_space<semaphore_mem>>, %arg19: memref<!tpu.dma_semaphore, #tpu.memory_space<semaphore_mem>>, %arg20: memref<!tpu.dma_semaphore, #tpu.memory_space<semaphore_mem>>, %arg21: memref<!tpu.dma_semaphore, #tpu.memory_space<semaphore_mem>>, %arg22: memref<!tpu.dma_semaphore, #tpu.memory_space<semaphore_mem>>, %arg23: memref<!tpu.dma_semaphore, #tpu.memory_space<semaphore_mem>>, %arg24: memref<!tpu.dma_semaphore, #tpu.memory_space<semaphore_mem>>, %arg25: memref<!tpu.dma_semaphore, #tpu.memory_space<semaphore_mem>>, %arg26: memref<!tpu.dma_semaphore, #tpu.memory_space<semaphore_mem>>) attributes {dimension_semantics = [#tpu.dimension_semantics<core_parallel>, #tpu.dimension_semantics<subcore_parallel>], iteration_bounds = array<i64: 2, 16>, scalar_prefetch = 0 : i64, scratch_operands = 20 : i64, tpu.core_type = #tpu.core_type<sc_vector_subcore>, window_params = [{transform_indices = #map}, {transform_indices = #map}, {transform_indices = #map}, {transform_indices = #map}, {transform_indices = #map1}]} {
    %mul3A = arith.constant 16 : i32
    %mul3A_0 = arith.muli %arg0, %mul3A : i32
    %add3A = arith.addi %mul3A_0, %arg1 : i32
    %mul3A_1 = arith.constant 80 : i32
    %mul3A_2 = arith.muli %add3A, %mul3A_1 : i32
    %mul3A_3 = arith.constant 640 : i32
    %mul3A_4 = arith.muli %arg1, %mul3A_3 : i32
    "tpu.region"() ({
      %run_scoped3A = tpu.sem_alloc : memref<!tpu.dma_semaphore, #tpu.memory_space<semaphore_mem>>
      %dma_start3A_106 = arith.constant 0 : i32
      %dma_start3A_107 = tpu.memref_slice %arg3[%mul3A_2, %dma_start3A_106] : memref<2560x128xi32, #tpu.memory_space<hbm>> -> memref<80x128xi32, #tpu.memory_space<hbm>>
      %dma_start3A_108 = arith.constant 0 : i32
      %dma_start3A_109 = tpu.memref_slice %arg3[%mul3A_2, %dma_start3A_108] : memref<2560x128xi32, #tpu.memory_space<hbm>> -> memref<80x128xi32, #tpu.memory_space<hbm>>
      tpu.enqueue_dma source(%dma_start3A_109 : memref<80x128xi32, #tpu.memory_space<hbm>>) target(%arg7 : memref<80x128xi32, #tpu.memory_space<vmem>>) target_semaphore(%run_scoped3A : memref<!tpu.dma_semaphore, #tpu.memory_space<semaphore_mem>>)
      %dma_wait3A = arith.constant 0 : i32
      %dma_wait3A_110 = tpu.memref_slice %arg3[%mul3A_2, %dma_wait3A] : memref<2560x128xi32, #tpu.memory_space<hbm>> -> memref<80x128xi32, #tpu.memory_space<hbm>>
      %dma_wait3A_111 = arith.constant 0 : i32
      %dma_wait3A_112 = tpu.memref_slice %arg3[%mul3A_2, %dma_wait3A_111] : memref<2560x128xi32, #tpu.memory_space<hbm>> -> memref<80x128xi32, #tpu.memory_space<hbm>>
      tpu.wait_dma2 semaphore(%run_scoped3A : memref<!tpu.dma_semaphore, #tpu.memory_space<semaphore_mem>>) src(%dma_wait3A_112 : memref<80x128xi32, #tpu.memory_space<hbm>>) dst(%arg7 : memref<80x128xi32, #tpu.memory_space<vmem>>)
      tpu.yield
    }) : () -> ()
    "tpu.region"() ({
      %run_scoped3A = tpu.sem_alloc : memref<!tpu.dma_semaphore, #tpu.memory_space<semaphore_mem>>
      %dma_start3A_106 = arith.constant 0 : i32
      %dma_start3A_107 = tpu.memref_slice %arg4[%mul3A_2, %dma_start3A_106] : memref<2560x128xi32, #tpu.memory_space<hbm>> -> memref<80x128xi32, #tpu.memory_space<hbm>>
      %dma_start3A_108 = arith.constant 0 : i32
      %dma_start3A_109 = tpu.memref_slice %arg4[%mul3A_2, %dma_start3A_108] : memref<2560x128xi32, #tpu.memory_space<hbm>> -> memref<80x128xi32, #tpu.memory_space<hbm>>
      tpu.enqueue_dma source(%dma_start3A_109 : memref<80x128xi32, #tpu.memory_space<hbm>>) target(%arg8 : memref<80x128xi32, #tpu.memory_space<vmem>>) target_semaphore(%run_scoped3A : memref<!tpu.dma_semaphore, #tpu.memory_space<semaphore_mem>>)
      %dma_wait3A = arith.constant 0 : i32
      %dma_wait3A_110 = tpu.memref_slice %arg4[%mul3A_2, %dma_wait3A] : memref<2560x128xi32, #tpu.memory_space<hbm>> -> memref<80x128xi32, #tpu.memory_space<hbm>>
      %dma_wait3A_111 = arith.constant 0 : i32
      %dma_wait3A_112 = tpu.memref_slice %arg4[%mul3A_2, %dma_wait3A_111] : memref<2560x128xi32, #tpu.memory_space<hbm>> -> memref<80x128xi32, #tpu.memory_space<hbm>>
      tpu.wait_dma2 semaphore(%run_scoped3A : memref<!tpu.dma_semaphore, #tpu.memory_space<semaphore_mem>>) src(%dma_wait3A_112 : memref<80x128xi32, #tpu.memory_space<hbm>>) dst(%arg8 : memref<80x128xi32, #tpu.memory_space<vmem>>)
      tpu.yield
    }) : () -> ()
    "tpu.region"() ({
      %run_scoped3A = tpu.sem_alloc : memref<!tpu.dma_semaphore, #tpu.memory_space<semaphore_mem>>
      %dma_start3A_106 = arith.constant 0 : i32
      %dma_start3A_107 = tpu.memref_slice %arg10[%mul3A_4, %dma_start3A_106] : memref<10240x64xf32, #tpu.memory_space<vmem_shared>> -> memref<640x64xf32, #tpu.memory_space<vmem_shared>>
      %dma_start3A_108 = arith.constant 0 : i32
      %dma_start3A_109 = tpu.memref_slice %arg5[%mul3A_4, %dma_start3A_108] : memref<10240x64xf32, #tpu.memory_space<hbm>> -> memref<640x64xf32, #tpu.memory_space<hbm>>
      tpu.enqueue_dma source(%dma_start3A_109 : memref<640x64xf32, #tpu.memory_space<hbm>>) target(%dma_start3A_107 : memref<640x64xf32, #tpu.memory_space<vmem_shared>>) target_semaphore(%run_scoped3A : memref<!tpu.dma_semaphore, #tpu.memory_space<semaphore_mem>>)
      %dma_wait3A = arith.constant 0 : i32
      %dma_wait3A_110 = tpu.memref_slice %arg10[%mul3A_4, %dma_wait3A] : memref<10240x64xf32, #tpu.memory_space<vmem_shared>> -> memref<640x64xf32, #tpu.memory_space<vmem_shared>>
      %dma_wait3A_111 = arith.constant 0 : i32
      %dma_wait3A_112 = tpu.memref_slice %arg5[%mul3A_4, %dma_wait3A_111] : memref<10240x64xf32, #tpu.memory_space<hbm>> -> memref<640x64xf32, #tpu.memory_space<hbm>>
      tpu.wait_dma2 semaphore(%run_scoped3A : memref<!tpu.dma_semaphore, #tpu.memory_space<semaphore_mem>>) src(%dma_wait3A_112 : memref<640x64xf32, #tpu.memory_space<hbm>>) dst(%dma_wait3A_110 : memref<640x64xf32, #tpu.memory_space<vmem_shared>>)
      tpu.yield
    }) : () -> ()
    %barrier3A = arith.constant 0 : index
    tpu.barrier barrier_id(%barrier3A)
    %dma_start3A = arith.constant 0 : i32
    %dma_start3A_5 = arith.constant 0 : i32
    %dma_start3A_6 = arith.constant 0 : i32
    %dma_start3A_7 = arith.constant 0 : i32
    %dma_start3A_8 = tpu.memref_slice %arg9[%dma_start3A_5, %dma_start3A_6, %dma_start3A_7] : memref<8x128x64xf32, #tpu.memory_space<vmem>> -> memref<1x128x64xf32, #tpu.memory_space<vmem>>
    %dma_start3A_9 = tpu.memref_squeeze %dma_start3A_8 : memref<1x128x64xf32, #tpu.memory_space<vmem>> -> memref<128x64xf32, #tpu.memory_space<vmem>>
    %dma_start3A_10 = arith.constant 0 : i32
    %dma_start3A_11 = tpu.memref_slice %arg7[%dma_start3A, %dma_start3A_10] : memref<80x128xi32, #tpu.memory_space<vmem>> -> memref<1x128xi32, #tpu.memory_space<vmem>>
    %dma_start3A_12 = tpu.memref_squeeze %dma_start3A_11 : memref<1x128xi32, #tpu.memory_space<vmem>> -> memref<128xi32, #tpu.memory_space<vmem>>
    %dma_start3A_13 = arith.constant 0 : i32
    %dma_start3A_14 = arith.constant 0 : i32
    %dma_start3A_15 = tpu.memref_slice %arg2[%dma_start3A_13, %dma_start3A_14] : memref<10240x64xf32, #tpu.memory_space<hbm>> -> memref<10240x64xf32, #tpu.memory_space<hbm>>
    tpu.enqueue_indirect_dma source(%dma_start3A_15 : memref<10240x64xf32, #tpu.memory_space<hbm>>) target(%dma_start3A_9 : memref<128x64xf32, #tpu.memory_space<vmem>>) offsets(%dma_start3A_12 : memref<128xi32, #tpu.memory_space<vmem>>) semaphore(%arg11 : memref<!tpu.dma_semaphore, #tpu.memory_space<semaphore_mem>>)
    %dma_start3A_16 = arith.constant 1 : i32
    %dma_start3A_17 = arith.constant 1 : i32
    %dma_start3A_18 = arith.constant 0 : i32
    %dma_start3A_19 = arith.constant 0 : i32
    %dma_start3A_20 = tpu.memref_slice %arg9[%dma_start3A_17, %dma_start3A_18, %dma_start3A_19] : memref<8x128x64xf32, #tpu.memory_space<vmem>> -> memref<1x128x64xf32, #tpu.memory_space<vmem>>
    %dma_start3A_21 = tpu.memref_squeeze %dma_start3A_20 : memref<1x128x64xf32, #tpu.memory_space<vmem>> -> memref<128x64xf32, #tpu.memory_space<vmem>>
    %dma_start3A_22 = arith.constant 0 : i32
    %dma_start3A_23 = tpu.memref_slice %arg7[%dma_start3A_16, %dma_start3A_22] : memref<80x128xi32, #tpu.memory_space<vmem>> -> memref<1x128xi32, #tpu.memory_space<vmem>>
    %dma_start3A_24 = tpu.memref_squeeze %dma_start3A_23 : memref<1x128xi32, #tpu.memory_space<vmem>> -> memref<128xi32, #tpu.memory_space<vmem>>
    %dma_start3A_25 = arith.constant 0 : i32
    %dma_start3A_26 = arith.constant 0 : i32
    %dma_start3A_27 = tpu.memref_slice %arg2[%dma_start3A_25, %dma_start3A_26] : memref<10240x64xf32, #tpu.memory_space<hbm>> -> memref<10240x64xf32, #tpu.memory_space<hbm>>
    tpu.enqueue_indirect_dma source(%dma_start3A_27 : memref<10240x64xf32, #tpu.memory_space<hbm>>) target(%dma_start3A_21 : memref<128x64xf32, #tpu.memory_space<vmem>>) offsets(%dma_start3A_24 : memref<128xi32, #tpu.memory_space<vmem>>) semaphore(%arg12 : memref<!tpu.dma_semaphore, #tpu.memory_space<semaphore_mem>>)
    %dma_start3A_28 = arith.constant 2 : i32
    %dma_start3A_29 = arith.constant 2 : i32
    %dma_start3A_30 = arith.constant 0 : i32
    %dma_start3A_31 = arith.constant 0 : i32
    %dma_start3A_32 = tpu.memref_slice %arg9[%dma_start3A_29, %dma_start3A_30, %dma_start3A_31] : memref<8x128x64xf32, #tpu.memory_space<vmem>> -> memref<1x128x64xf32, #tpu.memory_space<vmem>>
    %dma_start3A_33 = tpu.memref_squeeze %dma_start3A_32 : memref<1x128x64xf32, #tpu.memory_space<vmem>> -> memref<128x64xf32, #tpu.memory_space<vmem>>
    %dma_start3A_34 = arith.constant 0 : i32
    %dma_start3A_35 = tpu.memref_slice %arg7[%dma_start3A_28, %dma_start3A_34] : memref<80x128xi32, #tpu.memory_space<vmem>> -> memref<1x128xi32, #tpu.memory_space<vmem>>
    %dma_start3A_36 = tpu.memref_squeeze %dma_start3A_35 : memref<1x128xi32, #tpu.memory_space<vmem>> -> memref<128xi32, #tpu.memory_space<vmem>>
    %dma_start3A_37 = arith.constant 0 : i32
    %dma_start3A_38 = arith.constant 0 : i32
    %dma_start3A_39 = tpu.memref_slice %arg2[%dma_start3A_37, %dma_start3A_38] : memref<10240x64xf32, #tpu.memory_space<hbm>> -> memref<10240x64xf32, #tpu.memory_space<hbm>>
    tpu.enqueue_indirect_dma source(%dma_start3A_39 : memref<10240x64xf32, #tpu.memory_space<hbm>>) target(%dma_start3A_33 : memref<128x64xf32, #tpu.memory_space<vmem>>) offsets(%dma_start3A_36 : memref<128xi32, #tpu.memory_space<vmem>>) semaphore(%arg13 : memref<!tpu.dma_semaphore, #tpu.memory_space<semaphore_mem>>)
    %dma_start3A_40 = arith.constant 3 : i32
    %dma_start3A_41 = arith.constant 3 : i32
    %dma_start3A_42 = arith.constant 0 : i32
    %dma_start3A_43 = arith.constant 0 : i32
    %dma_start3A_44 = tpu.memref_slice %arg9[%dma_start3A_41, %dma_start3A_42, %dma_start3A_43] : memref<8x128x64xf32, #tpu.memory_space<vmem>> -> memref<1x128x64xf32, #tpu.memory_space<vmem>>
    %dma_start3A_45 = tpu.memref_squeeze %dma_start3A_44 : memref<1x128x64xf32, #tpu.memory_space<vmem>> -> memref<128x64xf32, #tpu.memory_space<vmem>>
    %dma_start3A_46 = arith.constant 0 : i32
    %dma_start3A_47 = tpu.memref_slice %arg7[%dma_start3A_40, %dma_start3A_46] : memref<80x128xi32, #tpu.memory_space<vmem>> -> memref<1x128xi32, #tpu.memory_space<vmem>>
    %dma_start3A_48 = tpu.memref_squeeze %dma_start3A_47 : memref<1x128xi32, #tpu.memory_space<vmem>> -> memref<128xi32, #tpu.memory_space<vmem>>
    %dma_start3A_49 = arith.constant 0 : i32
    %dma_start3A_50 = arith.constant 0 : i32
    %dma_start3A_51 = tpu.memref_slice %arg2[%dma_start3A_49, %dma_start3A_50] : memref<10240x64xf32, #tpu.memory_space<hbm>> -> memref<10240x64xf32, #tpu.memory_space<hbm>>
    tpu.enqueue_indirect_dma source(%dma_start3A_51 : memref<10240x64xf32, #tpu.memory_space<hbm>>) target(%dma_start3A_45 : memref<128x64xf32, #tpu.memory_space<vmem>>) offsets(%dma_start3A_48 : memref<128xi32, #tpu.memory_space<vmem>>) semaphore(%arg14 : memref<!tpu.dma_semaphore, #tpu.memory_space<semaphore_mem>>)
    %dma_start3A_52 = arith.constant 4 : i32
    %dma_start3A_53 = arith.constant 4 : i32
    %dma_start3A_54 = arith.constant 0 : i32
    %dma_start3A_55 = arith.constant 0 : i32
    %dma_start3A_56 = tpu.memref_slice %arg9[%dma_start3A_53, %dma_start3A_54, %dma_start3A_55] : memref<8x128x64xf32, #tpu.memory_space<vmem>> -> memref<1x128x64xf32, #tpu.memory_space<vmem>>
    %dma_start3A_57 = tpu.memref_squeeze %dma_start3A_56 : memref<1x128x64xf32, #tpu.memory_space<vmem>> -> memref<128x64xf32, #tpu.memory_space<vmem>>
    %dma_start3A_58 = arith.constant 0 : i32
    %dma_start3A_59 = tpu.memref_slice %arg7[%dma_start3A_52, %dma_start3A_58] : memref<80x128xi32, #tpu.memory_space<vmem>> -> memref<1x128xi32, #tpu.memory_space<vmem>>
    %dma_start3A_60 = tpu.memref_squeeze %dma_start3A_59 : memref<1x128xi32, #tpu.memory_space<vmem>> -> memref<128xi32, #tpu.memory_space<vmem>>
    %dma_start3A_61 = arith.constant 0 : i32
    %dma_start3A_62 = arith.constant 0 : i32
    %dma_start3A_63 = tpu.memref_slice %arg2[%dma_start3A_61, %dma_start3A_62] : memref<10240x64xf32, #tpu.memory_space<hbm>> -> memref<10240x64xf32, #tpu.memory_space<hbm>>
    tpu.enqueue_indirect_dma source(%dma_start3A_63 : memref<10240x64xf32, #tpu.memory_space<hbm>>) target(%dma_start3A_57 : memref<128x64xf32, #tpu.memory_space<vmem>>) offsets(%dma_start3A_60 : memref<128xi32, #tpu.memory_space<vmem>>) semaphore(%arg15 : memref<!tpu.dma_semaphore, #tpu.memory_space<semaphore_mem>>)
    %dma_start3A_64 = arith.constant 5 : i32
    %dma_start3A_65 = arith.constant 5 : i32
    %dma_start3A_66 = arith.constant 0 : i32
    %dma_start3A_67 = arith.constant 0 : i32
    %dma_start3A_68 = tpu.memref_slice %arg9[%dma_start3A_65, %dma_start3A_66, %dma_start3A_67] : memref<8x128x64xf32, #tpu.memory_space<vmem>> -> memref<1x128x64xf32, #tpu.memory_space<vmem>>
    %dma_start3A_69 = tpu.memref_squeeze %dma_start3A_68 : memref<1x128x64xf32, #tpu.memory_space<vmem>> -> memref<128x64xf32, #tpu.memory_space<vmem>>
    %dma_start3A_70 = arith.constant 0 : i32
    %dma_start3A_71 = tpu.memref_slice %arg7[%dma_start3A_64, %dma_start3A_70] : memref<80x128xi32, #tpu.memory_space<vmem>> -> memref<1x128xi32, #tpu.memory_space<vmem>>
    %dma_start3A_72 = tpu.memref_squeeze %dma_start3A_71 : memref<1x128xi32, #tpu.memory_space<vmem>> -> memref<128xi32, #tpu.memory_space<vmem>>
    %dma_start3A_73 = arith.constant 0 : i32
    %dma_start3A_74 = arith.constant 0 : i32
    %dma_start3A_75 = tpu.memref_slice %arg2[%dma_start3A_73, %dma_start3A_74] : memref<10240x64xf32, #tpu.memory_space<hbm>> -> memref<10240x64xf32, #tpu.memory_space<hbm>>
    tpu.enqueue_indirect_dma source(%dma_start3A_75 : memref<10240x64xf32, #tpu.memory_space<hbm>>) target(%dma_start3A_69 : memref<128x64xf32, #tpu.memory_space<vmem>>) offsets(%dma_start3A_72 : memref<128xi32, #tpu.memory_space<vmem>>) semaphore(%arg16 : memref<!tpu.dma_semaphore, #tpu.memory_space<semaphore_mem>>)
    %dma_start3A_76 = arith.constant 6 : i32
    %dma_start3A_77 = arith.constant 6 : i32
    %dma_start3A_78 = arith.constant 0 : i32
    %dma_start3A_79 = arith.constant 0 : i32
    %dma_start3A_80 = tpu.memref_slice %arg9[%dma_start3A_77, %dma_start3A_78, %dma_start3A_79] : memref<8x128x64xf32, #tpu.memory_space<vmem>> -> memref<1x128x64xf32, #tpu.memory_space<vmem>>
    %dma_start3A_81 = tpu.memref_squeeze %dma_start3A_80 : memref<1x128x64xf32, #tpu.memory_space<vmem>> -> memref<128x64xf32, #tpu.memory_space<vmem>>
    %dma_start3A_82 = arith.constant 0 : i32
    %dma_start3A_83 = tpu.memref_slice %arg7[%dma_start3A_76, %dma_start3A_82] : memref<80x128xi32, #tpu.memory_space<vmem>> -> memref<1x128xi32, #tpu.memory_space<vmem>>
    %dma_start3A_84 = tpu.memref_squeeze %dma_start3A_83 : memref<1x128xi32, #tpu.memory_space<vmem>> -> memref<128xi32, #tpu.memory_space<vmem>>
    %dma_start3A_85 = arith.constant 0 : i32
    %dma_start3A_86 = arith.constant 0 : i32
    %dma_start3A_87 = tpu.memref_slice %arg2[%dma_start3A_85, %dma_start3A_86] : memref<10240x64xf32, #tpu.memory_space<hbm>> -> memref<10240x64xf32, #tpu.memory_space<hbm>>
    tpu.enqueue_indirect_dma source(%dma_start3A_87 : memref<10240x64xf32, #tpu.memory_space<hbm>>) target(%dma_start3A_81 : memref<128x64xf32, #tpu.memory_space<vmem>>) offsets(%dma_start3A_84 : memref<128xi32, #tpu.memory_space<vmem>>) semaphore(%arg17 : memref<!tpu.dma_semaphore, #tpu.memory_space<semaphore_mem>>)
    %dma_start3A_88 = arith.constant 7 : i32
    %dma_start3A_89 = arith.constant 7 : i32
    %dma_start3A_90 = arith.constant 0 : i32
    %dma_start3A_91 = arith.constant 0 : i32
    %dma_start3A_92 = tpu.memref_slice %arg9[%dma_start3A_89, %dma_start3A_90, %dma_start3A_91] : memref<8x128x64xf32, #tpu.memory_space<vmem>> -> memref<1x128x64xf32, #tpu.memory_space<vmem>>
    %dma_start3A_93 = tpu.memref_squeeze %dma_start3A_92 : memref<1x128x64xf32, #tpu.memory_space<vmem>> -> memref<128x64xf32, #tpu.memory_space<vmem>>
    %dma_start3A_94 = arith.constant 0 : i32
    %dma_start3A_95 = tpu.memref_slice %arg7[%dma_start3A_88, %dma_start3A_94] : memref<80x128xi32, #tpu.memory_space<vmem>> -> memref<1x128xi32, #tpu.memory_space<vmem>>
    %dma_start3A_96 = tpu.memref_squeeze %dma_start3A_95 : memref<1x128xi32, #tpu.memory_space<vmem>> -> memref<128xi32, #tpu.memory_space<vmem>>
    %dma_start3A_97 = arith.constant 0 : i32
    %dma_start3A_98 = arith.constant 0 : i32
    %dma_start3A_99 = tpu.memref_slice %arg2[%dma_start3A_97, %dma_start3A_98] : memref<10240x64xf32, #tpu.memory_space<hbm>> -> memref<10240x64xf32, #tpu.memory_space<hbm>>
    tpu.enqueue_indirect_dma source(%dma_start3A_99 : memref<10240x64xf32, #tpu.memory_space<hbm>>) target(%dma_start3A_93 : memref<128x64xf32, #tpu.memory_space<vmem>>) offsets(%dma_start3A_96 : memref<128xi32, #tpu.memory_space<vmem>>) semaphore(%arg18 : memref<!tpu.dma_semaphore, #tpu.memory_space<semaphore_mem>>)
    %scan3A = arith.constant 0 : i32
    %scan3A_100 = arith.constant 0 : i32
    %scan3A_101 = arith.constant 10 : i32
    %scan3A_102 = arith.addi %scan3A_100, %scan3A_101 : i32
    %scan3A_103 = arith.constant 1 : i32
    scf.for %scan3A_106 = %scan3A_100 to %scan3A_102 step %scan3A_103  : i32 {
      %dma_wait3A = arith.constant 0 : i32
      %dma_wait3A_107 = arith.constant 0 : i32
      %dma_wait3A_108 = arith.constant 0 : i32
      %dma_wait3A_109 = arith.constant 0 : i32
      %dma_wait3A_110 = tpu.memref_slice %arg9[%dma_wait3A_107, %dma_wait3A_108, %dma_wait3A_109] : memref<8x128x64xf32, #tpu.memory_space<vmem>> -> memref<1x128x64xf32, #tpu.memory_space<vmem>>
      %dma_wait3A_111 = tpu.memref_squeeze %dma_wait3A_110 : memref<1x128x64xf32, #tpu.memory_space<vmem>> -> memref<128x64xf32, #tpu.memory_space<vmem>>
      %dma_wait3A_112 = arith.constant 0 : i32
      %dma_wait3A_113 = tpu.memref_slice %arg7[%dma_wait3A, %dma_wait3A_112] : memref<80x128xi32, #tpu.memory_space<vmem>> -> memref<1x128xi32, #tpu.memory_space<vmem>>
      %dma_wait3A_114 = tpu.memref_squeeze %dma_wait3A_113 : memref<1x128xi32, #tpu.memory_space<vmem>> -> memref<128xi32, #tpu.memory_space<vmem>>
      %dma_wait3A_115 = arith.constant 0 : i32
      %dma_wait3A_116 = arith.constant 0 : i32
      %dma_wait3A_117 = tpu.memref_slice %arg2[%dma_wait3A_115, %dma_wait3A_116] : memref<10240x64xf32, #tpu.memory_space<hbm>> -> memref<10240x64xf32, #tpu.memory_space<hbm>>
      tpu.wait_indirect_dma semaphore(%arg11 : memref<!tpu.dma_semaphore, #tpu.memory_space<semaphore_mem>>) src(%dma_wait3A_117 : memref<10240x64xf32, #tpu.memory_space<hbm>>) dst(%dma_wait3A_111 : memref<128x64xf32, #tpu.memory_space<vmem>>)
      %mul3A_118 = arith.constant 8 : i32
      %mul3A_119 = arith.muli %scan3A_106, %mul3A_118 : i32
      %add3A_120 = arith.constant 0 : i32
      %add3A_121 = arith.addi %mul3A_119, %add3A_120 : i32
      %dma_start3A_122 = arith.constant 0 : i32
      %dma_start3A_123 = arith.constant 0 : i32
      %dma_start3A_124 = arith.constant 0 : i32
      %dma_start3A_125 = tpu.memref_slice %arg9[%dma_start3A_122, %dma_start3A_123, %dma_start3A_124] : memref<8x128x64xf32, #tpu.memory_space<vmem>> -> memref<1x128x64xf32, #tpu.memory_space<vmem>>
      %dma_start3A_126 = tpu.memref_squeeze %dma_start3A_125 : memref<1x128x64xf32, #tpu.memory_space<vmem>> -> memref<128x64xf32, #tpu.memory_space<vmem>>
      %dma_start3A_127 = arith.constant 0 : i32
      %dma_start3A_128 = tpu.memref_slice %arg8[%add3A_121, %dma_start3A_127] : memref<80x128xi32, #tpu.memory_space<vmem>> -> memref<1x128xi32, #tpu.memory_space<vmem>>
      %dma_start3A_129 = tpu.memref_squeeze %dma_start3A_128 : memref<1x128xi32, #tpu.memory_space<vmem>> -> memref<128xi32, #tpu.memory_space<vmem>>
      %dma_start3A_130 = arith.constant 0 : i32
      %dma_start3A_131 = arith.constant 0 : i32
      %dma_start3A_132 = tpu.memref_slice %arg10[%dma_start3A_130, %dma_start3A_131] : memref<10240x64xf32, #tpu.memory_space<vmem_shared>> -> memref<10240x64xf32, #tpu.memory_space<vmem_shared>>
      tpu.enqueue_indirect_dma source(%dma_start3A_126 : memref<128x64xf32, #tpu.memory_space<vmem>>) target(%dma_start3A_132 : memref<10240x64xf32, #tpu.memory_space<vmem_shared>>) offsets(%dma_start3A_129 : memref<128xi32, #tpu.memory_space<vmem>>) semaphore(%arg19 : memref<!tpu.dma_semaphore, #tpu.memory_space<semaphore_mem>>) {add = true}
      %dma_wait3A_133 = arith.constant 0 : i32
      %dma_wait3A_134 = arith.constant 1 : i32
      %dma_wait3A_135 = arith.constant 0 : i32
      %dma_wait3A_136 = arith.constant 0 : i32
      %dma_wait3A_137 = tpu.memref_slice %arg9[%dma_wait3A_134, %dma_wait3A_135, %dma_wait3A_136] : memref<8x128x64xf32, #tpu.memory_space<vmem>> -> memref<1x128x64xf32, #tpu.memory_space<vmem>>
      %dma_wait3A_138 = tpu.memref_squeeze %dma_wait3A_137 : memref<1x128x64xf32, #tpu.memory_space<vmem>> -> memref<128x64xf32, #tpu.memory_space<vmem>>
      %dma_wait3A_139 = arith.constant 0 : i32
      %dma_wait3A_140 = tpu.memref_slice %arg7[%dma_wait3A_133, %dma_wait3A_139] : memref<80x128xi32, #tpu.memory_space<vmem>> -> memref<1x128xi32, #tpu.memory_space<vmem>>
      %dma_wait3A_141 = tpu.memref_squeeze %dma_wait3A_140 : memref<1x128xi32, #tpu.memory_space<vmem>> -> memref<128xi32, #tpu.memory_space<vmem>>
      %dma_wait3A_142 = arith.constant 0 : i32
      %dma_wait3A_143 = arith.constant 0 : i32
      %dma_wait3A_144 = tpu.memref_slice %arg2[%dma_wait3A_142, %dma_wait3A_143] : memref<10240x64xf32, #tpu.memory_space<hbm>> -> memref<10240x64xf32, #tpu.memory_space<hbm>>
      tpu.wait_indirect_dma semaphore(%arg12 : memref<!tpu.dma_semaphore, #tpu.memory_space<semaphore_mem>>) src(%dma_wait3A_144 : memref<10240x64xf32, #tpu.memory_space<hbm>>) dst(%dma_wait3A_138 : memref<128x64xf32, #tpu.memory_space<vmem>>)
      %mul3A_145 = arith.constant 8 : i32
      %mul3A_146 = arith.muli %scan3A_106, %mul3A_145 : i32
      %add3A_147 = arith.constant 1 : i32
      %add3A_148 = arith.addi %mul3A_146, %add3A_147 : i32
      %dma_start3A_149 = arith.constant 1 : i32
      %dma_start3A_150 = arith.constant 0 : i32
      %dma_start3A_151 = arith.constant 0 : i32
      %dma_start3A_152 = tpu.memref_slice %arg9[%dma_start3A_149, %dma_start3A_150, %dma_start3A_151] : memref<8x128x64xf32, #tpu.memory_space<vmem>> -> memref<1x128x64xf32, #tpu.memory_space<vmem>>
      %dma_start3A_153 = tpu.memref_squeeze %dma_start3A_152 : memref<1x128x64xf32, #tpu.memory_space<vmem>> -> memref<128x64xf32, #tpu.memory_space<vmem>>
      %dma_start3A_154 = arith.constant 0 : i32
      %dma_start3A_155 = tpu.memref_slice %arg8[%add3A_148, %dma_start3A_154] : memref<80x128xi32, #tpu.memory_space<vmem>> -> memref<1x128xi32, #tpu.memory_space<vmem>>
      %dma_start3A_156 = tpu.memref_squeeze %dma_start3A_155 : memref<1x128xi32, #tpu.memory_space<vmem>> -> memref<128xi32, #tpu.memory_space<vmem>>
      %dma_start3A_157 = arith.constant 0 : i32
      %dma_start3A_158 = arith.constant 0 : i32
      %dma_start3A_159 = tpu.memref_slice %arg10[%dma_start3A_157, %dma_start3A_158] : memref<10240x64xf32, #tpu.memory_space<vmem_shared>> -> memref<10240x64xf32, #tpu.memory_space<vmem_shared>>
      tpu.enqueue_indirect_dma source(%dma_start3A_153 : memref<128x64xf32, #tpu.memory_space<vmem>>) target(%dma_start3A_159 : memref<10240x64xf32, #tpu.memory_space<vmem_shared>>) offsets(%dma_start3A_156 : memref<128xi32, #tpu.memory_space<vmem>>) semaphore(%arg20 : memref<!tpu.dma_semaphore, #tpu.memory_space<semaphore_mem>>) {add = true}
      %dma_wait3A_160 = arith.constant 0 : i32
      %dma_wait3A_161 = arith.constant 2 : i32
      %dma_wait3A_162 = arith.constant 0 : i32
      %dma_wait3A_163 = arith.constant 0 : i32
      %dma_wait3A_164 = tpu.memref_slice %arg9[%dma_wait3A_161, %dma_wait3A_162, %dma_wait3A_163] : memref<8x128x64xf32, #tpu.memory_space<vmem>> -> memref<1x128x64xf32, #tpu.memory_space<vmem>>
      %dma_wait3A_165 = tpu.memref_squeeze %dma_wait3A_164 : memref<1x128x64xf32, #tpu.memory_space<vmem>> -> memref<128x64xf32, #tpu.memory_space<vmem>>
      %dma_wait3A_166 = arith.constant 0 : i32
      %dma_wait3A_167 = tpu.memref_slice %arg7[%dma_wait3A_160, %dma_wait3A_166] : memref<80x128xi32, #tpu.memory_space<vmem>> -> memref<1x128xi32, #tpu.memory_space<vmem>>
      %dma_wait3A_168 = tpu.memref_squeeze %dma_wait3A_167 : memref<1x128xi32, #tpu.memory_space<vmem>> -> memref<128xi32, #tpu.memory_space<vmem>>
      %dma_wait3A_169 = arith.constant 0 : i32
      %dma_wait3A_170 = arith.constant 0 : i32
      %dma_wait3A_171 = tpu.memref_slice %arg2[%dma_wait3A_169, %dma_wait3A_170] : memref<10240x64xf32, #tpu.memory_space<hbm>> -> memref<10240x64xf32, #tpu.memory_space<hbm>>
      tpu.wait_indirect_dma semaphore(%arg13 : memref<!tpu.dma_semaphore, #tpu.memory_space<semaphore_mem>>) src(%dma_wait3A_171 : memref<10240x64xf32, #tpu.memory_space<hbm>>) dst(%dma_wait3A_165 : memref<128x64xf32, #tpu.memory_space<vmem>>)
      %mul3A_172 = arith.constant 8 : i32
      %mul3A_173 = arith.muli %scan3A_106, %mul3A_172 : i32
      %add3A_174 = arith.constant 2 : i32
      %add3A_175 = arith.addi %mul3A_173, %add3A_174 : i32
      %dma_start3A_176 = arith.constant 2 : i32
      %dma_start3A_177 = arith.constant 0 : i32
      %dma_start3A_178 = arith.constant 0 : i32
      %dma_start3A_179 = tpu.memref_slice %arg9[%dma_start3A_176, %dma_start3A_177, %dma_start3A_178] : memref<8x128x64xf32, #tpu.memory_space<vmem>> -> memref<1x128x64xf32, #tpu.memory_space<vmem>>
      %dma_start3A_180 = tpu.memref_squeeze %dma_start3A_179 : memref<1x128x64xf32, #tpu.memory_space<vmem>> -> memref<128x64xf32, #tpu.memory_space<vmem>>
      %dma_start3A_181 = arith.constant 0 : i32
      %dma_start3A_182 = tpu.memref_slice %arg8[%add3A_175, %dma_start3A_181] : memref<80x128xi32, #tpu.memory_space<vmem>> -> memref<1x128xi32, #tpu.memory_space<vmem>>
      %dma_start3A_183 = tpu.memref_squeeze %dma_start3A_182 : memref<1x128xi32, #tpu.memory_space<vmem>> -> memref<128xi32, #tpu.memory_space<vmem>>
      %dma_start3A_184 = arith.constant 0 : i32
      %dma_start3A_185 = arith.constant 0 : i32
      %dma_start3A_186 = tpu.memref_slice %arg10[%dma_start3A_184, %dma_start3A_185] : memref<10240x64xf32, #tpu.memory_space<vmem_shared>> -> memref<10240x64xf32, #tpu.memory_space<vmem_shared>>
      tpu.enqueue_indirect_dma source(%dma_start3A_180 : memref<128x64xf32, #tpu.memory_space<vmem>>) target(%dma_start3A_186 : memref<10240x64xf32, #tpu.memory_space<vmem_shared>>) offsets(%dma_start3A_183 : memref<128xi32, #tpu.memory_space<vmem>>) semaphore(%arg21 : memref<!tpu.dma_semaphore, #tpu.memory_space<semaphore_mem>>) {add = true}
      %dma_wait3A_187 = arith.constant 0 : i32
      %dma_wait3A_188 = arith.constant 3 : i32
      %dma_wait3A_189 = arith.constant 0 : i32
      %dma_wait3A_190 = arith.constant 0 : i32
      %dma_wait3A_191 = tpu.memref_slice %arg9[%dma_wait3A_188, %dma_wait3A_189, %dma_wait3A_190] : memref<8x128x64xf32, #tpu.memory_space<vmem>> -> memref<1x128x64xf32, #tpu.memory_space<vmem>>
      %dma_wait3A_192 = tpu.memref_squeeze %dma_wait3A_191 : memref<1x128x64xf32, #tpu.memory_space<vmem>> -> memref<128x64xf32, #tpu.memory_space<vmem>>
      %dma_wait3A_193 = arith.constant 0 : i32
      %dma_wait3A_194 = tpu.memref_slice %arg7[%dma_wait3A_187, %dma_wait3A_193] : memref<80x128xi32, #tpu.memory_space<vmem>> -> memref<1x128xi32, #tpu.memory_space<vmem>>
      %dma_wait3A_195 = tpu.memref_squeeze %dma_wait3A_194 : memref<1x128xi32, #tpu.memory_space<vmem>> -> memref<128xi32, #tpu.memory_space<vmem>>
      %dma_wait3A_196 = arith.constant 0 : i32
      %dma_wait3A_197 = arith.constant 0 : i32
      %dma_wait3A_198 = tpu.memref_slice %arg2[%dma_wait3A_196, %dma_wait3A_197] : memref<10240x64xf32, #tpu.memory_space<hbm>> -> memref<10240x64xf32, #tpu.memory_space<hbm>>
      tpu.wait_indirect_dma semaphore(%arg14 : memref<!tpu.dma_semaphore, #tpu.memory_space<semaphore_mem>>) src(%dma_wait3A_198 : memref<10240x64xf32, #tpu.memory_space<hbm>>) dst(%dma_wait3A_192 : memref<128x64xf32, #tpu.memory_space<vmem>>)
      %mul3A_199 = arith.constant 8 : i32
      %mul3A_200 = arith.muli %scan3A_106, %mul3A_199 : i32
      %add3A_201 = arith.constant 3 : i32
      %add3A_202 = arith.addi %mul3A_200, %add3A_201 : i32
      %dma_start3A_203 = arith.constant 3 : i32
      %dma_start3A_204 = arith.constant 0 : i32
      %dma_start3A_205 = arith.constant 0 : i32
      %dma_start3A_206 = tpu.memref_slice %arg9[%dma_start3A_203, %dma_start3A_204, %dma_start3A_205] : memref<8x128x64xf32, #tpu.memory_space<vmem>> -> memref<1x128x64xf32, #tpu.memory_space<vmem>>
      %dma_start3A_207 = tpu.memref_squeeze %dma_start3A_206 : memref<1x128x64xf32, #tpu.memory_space<vmem>> -> memref<128x64xf32, #tpu.memory_space<vmem>>
      %dma_start3A_208 = arith.constant 0 : i32
      %dma_start3A_209 = tpu.memref_slice %arg8[%add3A_202, %dma_start3A_208] : memref<80x128xi32, #tpu.memory_space<vmem>> -> memref<1x128xi32, #tpu.memory_space<vmem>>
      %dma_start3A_210 = tpu.memref_squeeze %dma_start3A_209 : memref<1x128xi32, #tpu.memory_space<vmem>> -> memref<128xi32, #tpu.memory_space<vmem>>
      %dma_start3A_211 = arith.constant 0 : i32
      %dma_start3A_212 = arith.constant 0 : i32
      %dma_start3A_213 = tpu.memref_slice %arg10[%dma_start3A_211, %dma_start3A_212] : memref<10240x64xf32, #tpu.memory_space<vmem_shared>> -> memref<10240x64xf32, #tpu.memory_space<vmem_shared>>
      tpu.enqueue_indirect_dma source(%dma_start3A_207 : memref<128x64xf32, #tpu.memory_space<vmem>>) target(%dma_start3A_213 : memref<10240x64xf32, #tpu.memory_space<vmem_shared>>) offsets(%dma_start3A_210 : memref<128xi32, #tpu.memory_space<vmem>>) semaphore(%arg22 : memref<!tpu.dma_semaphore, #tpu.memory_space<semaphore_mem>>) {add = true}
      %dma_wait3A_214 = arith.constant 0 : i32
      %dma_wait3A_215 = arith.constant 4 : i32
      %dma_wait3A_216 = arith.constant 0 : i32
      %dma_wait3A_217 = arith.constant 0 : i32
      %dma_wait3A_218 = tpu.memref_slice %arg9[%dma_wait3A_215, %dma_wait3A_216, %dma_wait3A_217] : memref<8x128x64xf32, #tpu.memory_space<vmem>> -> memref<1x128x64xf32, #tpu.memory_space<vmem>>
      %dma_wait3A_219 = tpu.memref_squeeze %dma_wait3A_218 : memref<1x128x64xf32, #tpu.memory_space<vmem>> -> memref<128x64xf32, #tpu.memory_space<vmem>>
      %dma_wait3A_220 = arith.constant 0 : i32
      %dma_wait3A_221 = tpu.memref_slice %arg7[%dma_wait3A_214, %dma_wait3A_220] : memref<80x128xi32, #tpu.memory_space<vmem>> -> memref<1x128xi32, #tpu.memory_space<vmem>>
      %dma_wait3A_222 = tpu.memref_squeeze %dma_wait3A_221 : memref<1x128xi32, #tpu.memory_space<vmem>> -> memref<128xi32, #tpu.memory_space<vmem>>
      %dma_wait3A_223 = arith.constant 0 : i32
      %dma_wait3A_224 = arith.constant 0 : i32
      %dma_wait3A_225 = tpu.memref_slice %arg2[%dma_wait3A_223, %dma_wait3A_224] : memref<10240x64xf32, #tpu.memory_space<hbm>> -> memref<10240x64xf32, #tpu.memory_space<hbm>>
      tpu.wait_indirect_dma semaphore(%arg15 : memref<!tpu.dma_semaphore, #tpu.memory_space<semaphore_mem>>) src(%dma_wait3A_225 : memref<10240x64xf32, #tpu.memory_space<hbm>>) dst(%dma_wait3A_219 : memref<128x64xf32, #tpu.memory_space<vmem>>)
      %mul3A_226 = arith.constant 8 : i32
      %mul3A_227 = arith.muli %scan3A_106, %mul3A_226 : i32
      %add3A_228 = arith.constant 4 : i32
      %add3A_229 = arith.addi %mul3A_227, %add3A_228 : i32
      %dma_start3A_230 = arith.constant 4 : i32
      %dma_start3A_231 = arith.constant 0 : i32
      %dma_start3A_232 = arith.constant 0 : i32
      %dma_start3A_233 = tpu.memref_slice %arg9[%dma_start3A_230, %dma_start3A_231, %dma_start3A_232] : memref<8x128x64xf32, #tpu.memory_space<vmem>> -> memref<1x128x64xf32, #tpu.memory_space<vmem>>
      %dma_start3A_234 = tpu.memref_squeeze %dma_start3A_233 : memref<1x128x64xf32, #tpu.memory_space<vmem>> -> memref<128x64xf32, #tpu.memory_space<vmem>>
      %dma_start3A_235 = arith.constant 0 : i32
      %dma_start3A_236 = tpu.memref_slice %arg8[%add3A_229, %dma_start3A_235] : memref<80x128xi32, #tpu.memory_space<vmem>> -> memref<1x128xi32, #tpu.memory_space<vmem>>
      %dma_start3A_237 = tpu.memref_squeeze %dma_start3A_236 : memref<1x128xi32, #tpu.memory_space<vmem>> -> memref<128xi32, #tpu.memory_space<vmem>>
      %dma_start3A_238 = arith.constant 0 : i32
      %dma_start3A_239 = arith.constant 0 : i32
      %dma_start3A_240 = tpu.memref_slice %arg10[%dma_start3A_238, %dma_start3A_239] : memref<10240x64xf32, #tpu.memory_space<vmem_shared>> -> memref<10240x64xf32, #tpu.memory_space<vmem_shared>>
      tpu.enqueue_indirect_dma source(%dma_start3A_234 : memref<128x64xf32, #tpu.memory_space<vmem>>) target(%dma_start3A_240 : memref<10240x64xf32, #tpu.memory_space<vmem_shared>>) offsets(%dma_start3A_237 : memref<128xi32, #tpu.memory_space<vmem>>) semaphore(%arg23 : memref<!tpu.dma_semaphore, #tpu.memory_space<semaphore_mem>>) {add = true}
      %dma_wait3A_241 = arith.constant 0 : i32
      %dma_wait3A_242 = arith.constant 5 : i32
      %dma_wait3A_243 = arith.constant 0 : i32
      %dma_wait3A_244 = arith.constant 0 : i32
      %dma_wait3A_245 = tpu.memref_slice %arg9[%dma_wait3A_242, %dma_wait3A_243, %dma_wait3A_244] : memref<8x128x64xf32, #tpu.memory_space<vmem>> -> memref<1x128x64xf32, #tpu.memory_space<vmem>>
      %dma_wait3A_246 = tpu.memref_squeeze %dma_wait3A_245 : memref<1x128x64xf32, #tpu.memory_space<vmem>> -> memref<128x64xf32, #tpu.memory_space<vmem>>
      %dma_wait3A_247 = arith.constant 0 : i32
      %dma_wait3A_248 = tpu.memref_slice %arg7[%dma_wait3A_241, %dma_wait3A_247] : memref<80x128xi32, #tpu.memory_space<vmem>> -> memref<1x128xi32, #tpu.memory_space<vmem>>
      %dma_wait3A_249 = tpu.memref_squeeze %dma_wait3A_248 : memref<1x128xi32, #tpu.memory_space<vmem>> -> memref<128xi32, #tpu.memory_space<vmem>>
      %dma_wait3A_250 = arith.constant 0 : i32
      %dma_wait3A_251 = arith.constant 0 : i32
      %dma_wait3A_252 = tpu.memref_slice %arg2[%dma_wait3A_250, %dma_wait3A_251] : memref<10240x64xf32, #tpu.memory_space<hbm>> -> memref<10240x64xf32, #tpu.memory_space<hbm>>
      tpu.wait_indirect_dma semaphore(%arg16 : memref<!tpu.dma_semaphore, #tpu.memory_space<semaphore_mem>>) src(%dma_wait3A_252 : memref<10240x64xf32, #tpu.memory_space<hbm>>) dst(%dma_wait3A_246 : memref<128x64xf32, #tpu.memory_space<vmem>>)
      %mul3A_253 = arith.constant 8 : i32
      %mul3A_254 = arith.muli %scan3A_106, %mul3A_253 : i32
      %add3A_255 = arith.constant 5 : i32
      %add3A_256 = arith.addi %mul3A_254, %add3A_255 : i32
      %dma_start3A_257 = arith.constant 5 : i32
      %dma_start3A_258 = arith.constant 0 : i32
      %dma_start3A_259 = arith.constant 0 : i32
      %dma_start3A_260 = tpu.memref_slice %arg9[%dma_start3A_257, %dma_start3A_258, %dma_start3A_259] : memref<8x128x64xf32, #tpu.memory_space<vmem>> -> memref<1x128x64xf32, #tpu.memory_space<vmem>>
      %dma_start3A_261 = tpu.memref_squeeze %dma_start3A_260 : memref<1x128x64xf32, #tpu.memory_space<vmem>> -> memref<128x64xf32, #tpu.memory_space<vmem>>
      %dma_start3A_262 = arith.constant 0 : i32
      %dma_start3A_263 = tpu.memref_slice %arg8[%add3A_256, %dma_start3A_262] : memref<80x128xi32, #tpu.memory_space<vmem>> -> memref<1x128xi32, #tpu.memory_space<vmem>>
      %dma_start3A_264 = tpu.memref_squeeze %dma_start3A_263 : memref<1x128xi32, #tpu.memory_space<vmem>> -> memref<128xi32, #tpu.memory_space<vmem>>
      %dma_start3A_265 = arith.constant 0 : i32
      %dma_start3A_266 = arith.constant 0 : i32
      %dma_start3A_267 = tpu.memref_slice %arg10[%dma_start3A_265, %dma_start3A_266] : memref<10240x64xf32, #tpu.memory_space<vmem_shared>> -> memref<10240x64xf32, #tpu.memory_space<vmem_shared>>
      tpu.enqueue_indirect_dma source(%dma_start3A_261 : memref<128x64xf32, #tpu.memory_space<vmem>>) target(%dma_start3A_267 : memref<10240x64xf32, #tpu.memory_space<vmem_shared>>) offsets(%dma_start3A_264 : memref<128xi32, #tpu.memory_space<vmem>>) semaphore(%arg24 : memref<!tpu.dma_semaphore, #tpu.memory_space<semaphore_mem>>) {add = true}
      %dma_wait3A_268 = arith.constant 0 : i32
      %dma_wait3A_269 = arith.constant 6 : i32
      %dma_wait3A_270 = arith.constant 0 : i32
      %dma_wait3A_271 = arith.constant 0 : i32
      %dma_wait3A_272 = tpu.memref_slice %arg9[%dma_wait3A_269, %dma_wait3A_270, %dma_wait3A_271] : memref<8x128x64xf32, #tpu.memory_space<vmem>> -> memref<1x128x64xf32, #tpu.memory_space<vmem>>
      %dma_wait3A_273 = tpu.memref_squeeze %dma_wait3A_272 : memref<1x128x64xf32, #tpu.memory_space<vmem>> -> memref<128x64xf32, #tpu.memory_space<vmem>>
      %dma_wait3A_274 = arith.constant 0 : i32
      %dma_wait3A_275 = tpu.memref_slice %arg7[%dma_wait3A_268, %dma_wait3A_274] : memref<80x128xi32, #tpu.memory_space<vmem>> -> memref<1x128xi32, #tpu.memory_space<vmem>>
      %dma_wait3A_276 = tpu.memref_squeeze %dma_wait3A_275 : memref<1x128xi32, #tpu.memory_space<vmem>> -> memref<128xi32, #tpu.memory_space<vmem>>
      %dma_wait3A_277 = arith.constant 0 : i32
      %dma_wait3A_278 = arith.constant 0 : i32
      %dma_wait3A_279 = tpu.memref_slice %arg2[%dma_wait3A_277, %dma_wait3A_278] : memref<10240x64xf32, #tpu.memory_space<hbm>> -> memref<10240x64xf32, #tpu.memory_space<hbm>>
      tpu.wait_indirect_dma semaphore(%arg17 : memref<!tpu.dma_semaphore, #tpu.memory_space<semaphore_mem>>) src(%dma_wait3A_279 : memref<10240x64xf32, #tpu.memory_space<hbm>>) dst(%dma_wait3A_273 : memref<128x64xf32, #tpu.memory_space<vmem>>)
      %mul3A_280 = arith.constant 8 : i32
      %mul3A_281 = arith.muli %scan3A_106, %mul3A_280 : i32
      %add3A_282 = arith.constant 6 : i32
      %add3A_283 = arith.addi %mul3A_281, %add3A_282 : i32
      %dma_start3A_284 = arith.constant 6 : i32
      %dma_start3A_285 = arith.constant 0 : i32
      %dma_start3A_286 = arith.constant 0 : i32
      %dma_start3A_287 = tpu.memref_slice %arg9[%dma_start3A_284, %dma_start3A_285, %dma_start3A_286] : memref<8x128x64xf32, #tpu.memory_space<vmem>> -> memref<1x128x64xf32, #tpu.memory_space<vmem>>
      %dma_start3A_288 = tpu.memref_squeeze %dma_start3A_287 : memref<1x128x64xf32, #tpu.memory_space<vmem>> -> memref<128x64xf32, #tpu.memory_space<vmem>>
      %dma_start3A_289 = arith.constant 0 : i32
      %dma_start3A_290 = tpu.memref_slice %arg8[%add3A_283, %dma_start3A_289] : memref<80x128xi32, #tpu.memory_space<vmem>> -> memref<1x128xi32, #tpu.memory_space<vmem>>
      %dma_start3A_291 = tpu.memref_squeeze %dma_start3A_290 : memref<1x128xi32, #tpu.memory_space<vmem>> -> memref<128xi32, #tpu.memory_space<vmem>>
      %dma_start3A_292 = arith.constant 0 : i32
      %dma_start3A_293 = arith.constant 0 : i32
      %dma_start3A_294 = tpu.memref_slice %arg10[%dma_start3A_292, %dma_start3A_293] : memref<10240x64xf32, #tpu.memory_space<vmem_shared>> -> memref<10240x64xf32, #tpu.memory_space<vmem_shared>>
      tpu.enqueue_indirect_dma source(%dma_start3A_288 : memref<128x64xf32, #tpu.memory_space<vmem>>) target(%dma_start3A_294 : memref<10240x64xf32, #tpu.memory_space<vmem_shared>>) offsets(%dma_start3A_291 : memref<128xi32, #tpu.memory_space<vmem>>) semaphore(%arg25 : memref<!tpu.dma_semaphore, #tpu.memory_space<semaphore_mem>>) {add = true}
      %dma_wait3A_295 = arith.constant 0 : i32
      %dma_wait3A_296 = arith.constant 7 : i32
      %dma_wait3A_297 = arith.constant 0 : i32
      %dma_wait3A_298 = arith.constant 0 : i32
      %dma_wait3A_299 = tpu.memref_slice %arg9[%dma_wait3A_296, %dma_wait3A_297, %dma_wait3A_298] : memref<8x128x64xf32, #tpu.memory_space<vmem>> -> memref<1x128x64xf32, #tpu.memory_space<vmem>>
      %dma_wait3A_300 = tpu.memref_squeeze %dma_wait3A_299 : memref<1x128x64xf32, #tpu.memory_space<vmem>> -> memref<128x64xf32, #tpu.memory_space<vmem>>
      %dma_wait3A_301 = arith.constant 0 : i32
      %dma_wait3A_302 = tpu.memref_slice %arg7[%dma_wait3A_295, %dma_wait3A_301] : memref<80x128xi32, #tpu.memory_space<vmem>> -> memref<1x128xi32, #tpu.memory_space<vmem>>
      %dma_wait3A_303 = tpu.memref_squeeze %dma_wait3A_302 : memref<1x128xi32, #tpu.memory_space<vmem>> -> memref<128xi32, #tpu.memory_space<vmem>>
      %dma_wait3A_304 = arith.constant 0 : i32
      %dma_wait3A_305 = arith.constant 0 : i32
      %dma_wait3A_306 = tpu.memref_slice %arg2[%dma_wait3A_304, %dma_wait3A_305] : memref<10240x64xf32, #tpu.memory_space<hbm>> -> memref<10240x64xf32, #tpu.memory_space<hbm>>
      tpu.wait_indirect_dma semaphore(%arg18 : memref<!tpu.dma_semaphore, #tpu.memory_space<semaphore_mem>>) src(%dma_wait3A_306 : memref<10240x64xf32, #tpu.memory_space<hbm>>) dst(%dma_wait3A_300 : memref<128x64xf32, #tpu.memory_space<vmem>>)
      %mul3A_307 = arith.constant 8 : i32
      %mul3A_308 = arith.muli %scan3A_106, %mul3A_307 : i32
      %add3A_309 = arith.constant 7 : i32
      %add3A_310 = arith.addi %mul3A_308, %add3A_309 : i32
      %dma_start3A_311 = arith.constant 7 : i32
      %dma_start3A_312 = arith.constant 0 : i32
      %dma_start3A_313 = arith.constant 0 : i32
      %dma_start3A_314 = tpu.memref_slice %arg9[%dma_start3A_311, %dma_start3A_312, %dma_start3A_313] : memref<8x128x64xf32, #tpu.memory_space<vmem>> -> memref<1x128x64xf32, #tpu.memory_space<vmem>>
      %dma_start3A_315 = tpu.memref_squeeze %dma_start3A_314 : memref<1x128x64xf32, #tpu.memory_space<vmem>> -> memref<128x64xf32, #tpu.memory_space<vmem>>
      %dma_start3A_316 = arith.constant 0 : i32
      %dma_start3A_317 = tpu.memref_slice %arg8[%add3A_310, %dma_start3A_316] : memref<80x128xi32, #tpu.memory_space<vmem>> -> memref<1x128xi32, #tpu.memory_space<vmem>>
      %dma_start3A_318 = tpu.memref_squeeze %dma_start3A_317 : memref<1x128xi32, #tpu.memory_space<vmem>> -> memref<128xi32, #tpu.memory_space<vmem>>
      %dma_start3A_319 = arith.constant 0 : i32
      %dma_start3A_320 = arith.constant 0 : i32
      %dma_start3A_321 = tpu.memref_slice %arg10[%dma_start3A_319, %dma_start3A_320] : memref<10240x64xf32, #tpu.memory_space<vmem_shared>> -> memref<10240x64xf32, #tpu.memory_space<vmem_shared>>
      tpu.enqueue_indirect_dma source(%dma_start3A_315 : memref<128x64xf32, #tpu.memory_space<vmem>>) target(%dma_start3A_321 : memref<10240x64xf32, #tpu.memory_space<vmem_shared>>) offsets(%dma_start3A_318 : memref<128xi32, #tpu.memory_space<vmem>>) semaphore(%arg26 : memref<!tpu.dma_semaphore, #tpu.memory_space<semaphore_mem>>) {add = true}
      %dma_wait3A_322 = arith.constant 0 : i32
      %dma_wait3A_323 = arith.constant 0 : i32
      %dma_wait3A_324 = arith.constant 0 : i32
      %dma_wait3A_325 = arith.constant 0 : i32
      %dma_wait3A_326 = tpu.memref_slice %arg9[%dma_wait3A_322, %dma_wait3A_324, %dma_wait3A_325] : memref<8x128x64xf32, #tpu.memory_space<vmem>> -> memref<1x128x64xf32, #tpu.memory_space<vmem>>
      %dma_wait3A_327 = tpu.memref_squeeze %dma_wait3A_326 : memref<1x128x64xf32, #tpu.memory_space<vmem>> -> memref<128x64xf32, #tpu.memory_space<vmem>>
      %dma_wait3A_328 = arith.constant 0 : i32
      %dma_wait3A_329 = tpu.memref_slice %arg8[%dma_wait3A_323, %dma_wait3A_328] : memref<80x128xi32, #tpu.memory_space<vmem>> -> memref<1x128xi32, #tpu.memory_space<vmem>>
      %dma_wait3A_330 = tpu.memref_squeeze %dma_wait3A_329 : memref<1x128xi32, #tpu.memory_space<vmem>> -> memref<128xi32, #tpu.memory_space<vmem>>
      %dma_wait3A_331 = arith.constant 0 : i32
      %dma_wait3A_332 = arith.constant 0 : i32
      %dma_wait3A_333 = tpu.memref_slice %arg10[%dma_wait3A_331, %dma_wait3A_332] : memref<10240x64xf32, #tpu.memory_space<vmem_shared>> -> memref<10240x64xf32, #tpu.memory_space<vmem_shared>>
      tpu.wait_indirect_dma semaphore(%arg19 : memref<!tpu.dma_semaphore, #tpu.memory_space<semaphore_mem>>) src(%dma_wait3A_327 : memref<128x64xf32, #tpu.memory_space<vmem>>) dst(%dma_wait3A_333 : memref<10240x64xf32, #tpu.memory_space<vmem_shared>>)
      %add3A_334 = arith.constant 1 : i32
      %add3A_335 = arith.addi %scan3A_106, %add3A_334 : i32
      %lt3A = arith.constant 10 : i32
      %lt3A_336 = arith.cmpi slt, %add3A_335, %lt3A : i32
      %convert_element_type3A = arith.extui %lt3A_336 : i1 to i32
      %cond3A = arith.constant 0 : i32
      %cond3A_337 = arith.cmpi ne, %convert_element_type3A, %cond3A : i32
      scf.if %cond3A_337 {
        %add3A_471 = arith.constant 1 : i32
        %add3A_472 = arith.addi %scan3A_106, %add3A_471 : i32
        %mul3A_473 = arith.constant 8 : i32
        %mul3A_474 = arith.muli %add3A_472, %mul3A_473 : i32
        %add3A_475 = arith.constant 0 : i32
        %add3A_476 = arith.addi %mul3A_474, %add3A_475 : i32
        %dma_start3A_477 = arith.constant 0 : i32
        %dma_start3A_478 = arith.constant 0 : i32
        %dma_start3A_479 = arith.constant 0 : i32
        %dma_start3A_480 = tpu.memref_slice %arg9[%dma_start3A_477, %dma_start3A_478, %dma_start3A_479] : memref<8x128x64xf32, #tpu.memory_space<vmem>> -> memref<1x128x64xf32, #tpu.memory_space<vmem>>
        %dma_start3A_481 = tpu.memref_squeeze %dma_start3A_480 : memref<1x128x64xf32, #tpu.memory_space<vmem>> -> memref<128x64xf32, #tpu.memory_space<vmem>>
        %dma_start3A_482 = arith.constant 0 : i32
        %dma_start3A_483 = tpu.memref_slice %arg7[%add3A_476, %dma_start3A_482] : memref<80x128xi32, #tpu.memory_space<vmem>> -> memref<1x128xi32, #tpu.memory_space<vmem>>
        %dma_start3A_484 = tpu.memref_squeeze %dma_start3A_483 : memref<1x128xi32, #tpu.memory_space<vmem>> -> memref<128xi32, #tpu.memory_space<vmem>>
        %dma_start3A_485 = arith.constant 0 : i32
        %dma_start3A_486 = arith.constant 0 : i32
        %dma_start3A_487 = tpu.memref_slice %arg2[%dma_start3A_485, %dma_start3A_486] : memref<10240x64xf32, #tpu.memory_space<hbm>> -> memref<10240x64xf32, #tpu.memory_space<hbm>>
        tpu.enqueue_indirect_dma source(%dma_start3A_487 : memref<10240x64xf32, #tpu.memory_space<hbm>>) target(%dma_start3A_481 : memref<128x64xf32, #tpu.memory_space<vmem>>) offsets(%dma_start3A_484 : memref<128xi32, #tpu.memory_space<vmem>>) semaphore(%arg11 : memref<!tpu.dma_semaphore, #tpu.memory_space<semaphore_mem>>)
      } else {
      }
      %dma_wait3A_338 = arith.constant 1 : i32
      %dma_wait3A_339 = arith.constant 0 : i32
      %dma_wait3A_340 = arith.constant 0 : i32
      %dma_wait3A_341 = arith.constant 0 : i32
      %dma_wait3A_342 = tpu.memref_slice %arg9[%dma_wait3A_338, %dma_wait3A_340, %dma_wait3A_341] : memref<8x128x64xf32, #tpu.memory_space<vmem>> -> memref<1x128x64xf32, #tpu.memory_space<vmem>>
      %dma_wait3A_343 = tpu.memref_squeeze %dma_wait3A_342 : memref<1x128x64xf32, #tpu.memory_space<vmem>> -> memref<128x64xf32, #tpu.memory_space<vmem>>
      %dma_wait3A_344 = arith.constant 0 : i32
      %dma_wait3A_345 = tpu.memref_slice %arg8[%dma_wait3A_339, %dma_wait3A_344] : memref<80x128xi32, #tpu.memory_space<vmem>> -> memref<1x128xi32, #tpu.memory_space<vmem>>
      %dma_wait3A_346 = tpu.memref_squeeze %dma_wait3A_345 : memref<1x128xi32, #tpu.memory_space<vmem>> -> memref<128xi32, #tpu.memory_space<vmem>>
      %dma_wait3A_347 = arith.constant 0 : i32
      %dma_wait3A_348 = arith.constant 0 : i32
      %dma_wait3A_349 = tpu.memref_slice %arg10[%dma_wait3A_347, %dma_wait3A_348] : memref<10240x64xf32, #tpu.memory_space<vmem_shared>> -> memref<10240x64xf32, #tpu.memory_space<vmem_shared>>
      tpu.wait_indirect_dma semaphore(%arg20 : memref<!tpu.dma_semaphore, #tpu.memory_space<semaphore_mem>>) src(%dma_wait3A_343 : memref<128x64xf32, #tpu.memory_space<vmem>>) dst(%dma_wait3A_349 : memref<10240x64xf32, #tpu.memory_space<vmem_shared>>)
      %add3A_350 = arith.constant 1 : i32
      %add3A_351 = arith.addi %scan3A_106, %add3A_350 : i32
      %lt3A_352 = arith.constant 10 : i32
      %lt3A_353 = arith.cmpi slt, %add3A_351, %lt3A_352 : i32
      %convert_element_type3A_354 = arith.extui %lt3A_353 : i1 to i32
      %cond3A_355 = arith.constant 0 : i32
      %cond3A_356 = arith.cmpi ne, %convert_element_type3A_354, %cond3A_355 : i32
      scf.if %cond3A_356 {
        %add3A_471 = arith.constant 1 : i32
        %add3A_472 = arith.addi %scan3A_106, %add3A_471 : i32
        %mul3A_473 = arith.constant 8 : i32
        %mul3A_474 = arith.muli %add3A_472, %mul3A_473 : i32
        %add3A_475 = arith.constant 1 : i32
        %add3A_476 = arith.addi %mul3A_474, %add3A_475 : i32
        %dma_start3A_477 = arith.constant 1 : i32
        %dma_start3A_478 = arith.constant 0 : i32
        %dma_start3A_479 = arith.constant 0 : i32
        %dma_start3A_480 = tpu.memref_slice %arg9[%dma_start3A_477, %dma_start3A_478, %dma_start3A_479] : memref<8x128x64xf32, #tpu.memory_space<vmem>> -> memref<1x128x64xf32, #tpu.memory_space<vmem>>
        %dma_start3A_481 = tpu.memref_squeeze %dma_start3A_480 : memref<1x128x64xf32, #tpu.memory_space<vmem>> -> memref<128x64xf32, #tpu.memory_space<vmem>>
        %dma_start3A_482 = arith.constant 0 : i32
        %dma_start3A_483 = tpu.memref_slice %arg7[%add3A_476, %dma_start3A_482] : memref<80x128xi32, #tpu.memory_space<vmem>> -> memref<1x128xi32, #tpu.memory_space<vmem>>
        %dma_start3A_484 = tpu.memref_squeeze %dma_start3A_483 : memref<1x128xi32, #tpu.memory_space<vmem>> -> memref<128xi32, #tpu.memory_space<vmem>>
        %dma_start3A_485 = arith.constant 0 : i32
        %dma_start3A_486 = arith.constant 0 : i32
        %dma_start3A_487 = tpu.memref_slice %arg2[%dma_start3A_485, %dma_start3A_486] : memref<10240x64xf32, #tpu.memory_space<hbm>> -> memref<10240x64xf32, #tpu.memory_space<hbm>>
        tpu.enqueue_indirect_dma source(%dma_start3A_487 : memref<10240x64xf32, #tpu.memory_space<hbm>>) target(%dma_start3A_481 : memref<128x64xf32, #tpu.memory_space<vmem>>) offsets(%dma_start3A_484 : memref<128xi32, #tpu.memory_space<vmem>>) semaphore(%arg12 : memref<!tpu.dma_semaphore, #tpu.memory_space<semaphore_mem>>)
      } else {
      }
      %dma_wait3A_357 = arith.constant 2 : i32
      %dma_wait3A_358 = arith.constant 0 : i32
      %dma_wait3A_359 = arith.constant 0 : i32
      %dma_wait3A_360 = arith.constant 0 : i32
      %dma_wait3A_361 = tpu.memref_slice %arg9[%dma_wait3A_357, %dma_wait3A_359, %dma_wait3A_360] : memref<8x128x64xf32, #tpu.memory_space<vmem>> -> memref<1x128x64xf32, #tpu.memory_space<vmem>>
      %dma_wait3A_362 = tpu.memref_squeeze %dma_wait3A_361 : memref<1x128x64xf32, #tpu.memory_space<vmem>> -> memref<128x64xf32, #tpu.memory_space<vmem>>
      %dma_wait3A_363 = arith.constant 0 : i32
      %dma_wait3A_364 = tpu.memref_slice %arg8[%dma_wait3A_358, %dma_wait3A_363] : memref<80x128xi32, #tpu.memory_space<vmem>> -> memref<1x128xi32, #tpu.memory_space<vmem>>
      %dma_wait3A_365 = tpu.memref_squeeze %dma_wait3A_364 : memref<1x128xi32, #tpu.memory_space<vmem>> -> memref<128xi32, #tpu.memory_space<vmem>>
      %dma_wait3A_366 = arith.constant 0 : i32
      %dma_wait3A_367 = arith.constant 0 : i32
      %dma_wait3A_368 = tpu.memref_slice %arg10[%dma_wait3A_366, %dma_wait3A_367] : memref<10240x64xf32, #tpu.memory_space<vmem_shared>> -> memref<10240x64xf32, #tpu.memory_space<vmem_shared>>
      tpu.wait_indirect_dma semaphore(%arg21 : memref<!tpu.dma_semaphore, #tpu.memory_space<semaphore_mem>>) src(%dma_wait3A_362 : memref<128x64xf32, #tpu.memory_space<vmem>>) dst(%dma_wait3A_368 : memref<10240x64xf32, #tpu.memory_space<vmem_shared>>)
      %add3A_369 = arith.constant 1 : i32
      %add3A_370 = arith.addi %scan3A_106, %add3A_369 : i32
      %lt3A_371 = arith.constant 10 : i32
      %lt3A_372 = arith.cmpi slt, %add3A_370, %lt3A_371 : i32
      %convert_element_type3A_373 = arith.extui %lt3A_372 : i1 to i32
      %cond3A_374 = arith.constant 0 : i32
      %cond3A_375 = arith.cmpi ne, %convert_element_type3A_373, %cond3A_374 : i32
      scf.if %cond3A_375 {
        %add3A_471 = arith.constant 1 : i32
        %add3A_472 = arith.addi %scan3A_106, %add3A_471 : i32
        %mul3A_473 = arith.constant 8 : i32
        %mul3A_474 = arith.muli %add3A_472, %mul3A_473 : i32
        %add3A_475 = arith.constant 2 : i32
        %add3A_476 = arith.addi %mul3A_474, %add3A_475 : i32
        %dma_start3A_477 = arith.constant 2 : i32
        %dma_start3A_478 = arith.constant 0 : i32
        %dma_start3A_479 = arith.constant 0 : i32
        %dma_start3A_480 = tpu.memref_slice %arg9[%dma_start3A_477, %dma_start3A_478, %dma_start3A_479] : memref<8x128x64xf32, #tpu.memory_space<vmem>> -> memref<1x128x64xf32, #tpu.memory_space<vmem>>
        %dma_start3A_481 = tpu.memref_squeeze %dma_start3A_480 : memref<1x128x64xf32, #tpu.memory_space<vmem>> -> memref<128x64xf32, #tpu.memory_space<vmem>>
        %dma_start3A_482 = arith.constant 0 : i32
        %dma_start3A_483 = tpu.memref_slice %arg7[%add3A_476, %dma_start3A_482] : memref<80x128xi32, #tpu.memory_space<vmem>> -> memref<1x128xi32, #tpu.memory_space<vmem>>
        %dma_start3A_484 = tpu.memref_squeeze %dma_start3A_483 : memref<1x128xi32, #tpu.memory_space<vmem>> -> memref<128xi32, #tpu.memory_space<vmem>>
        %dma_start3A_485 = arith.constant 0 : i32
        %dma_start3A_486 = arith.constant 0 : i32
        %dma_start3A_487 = tpu.memref_slice %arg2[%dma_start3A_485, %dma_start3A_486] : memref<10240x64xf32, #tpu.memory_space<hbm>> -> memref<10240x64xf32, #tpu.memory_space<hbm>>
        tpu.enqueue_indirect_dma source(%dma_start3A_487 : memref<10240x64xf32, #tpu.memory_space<hbm>>) target(%dma_start3A_481 : memref<128x64xf32, #tpu.memory_space<vmem>>) offsets(%dma_start3A_484 : memref<128xi32, #tpu.memory_space<vmem>>) semaphore(%arg13 : memref<!tpu.dma_semaphore, #tpu.memory_space<semaphore_mem>>)
      } else {
      }
      %dma_wait3A_376 = arith.constant 3 : i32
      %dma_wait3A_377 = arith.constant 0 : i32
      %dma_wait3A_378 = arith.constant 0 : i32
      %dma_wait3A_379 = arith.constant 0 : i32
      %dma_wait3A_380 = tpu.memref_slice %arg9[%dma_wait3A_376, %dma_wait3A_378, %dma_wait3A_379] : memref<8x128x64xf32, #tpu.memory_space<vmem>> -> memref<1x128x64xf32, #tpu.memory_space<vmem>>
      %dma_wait3A_381 = tpu.memref_squeeze %dma_wait3A_380 : memref<1x128x64xf32, #tpu.memory_space<vmem>> -> memref<128x64xf32, #tpu.memory_space<vmem>>
      %dma_wait3A_382 = arith.constant 0 : i32
      %dma_wait3A_383 = tpu.memref_slice %arg8[%dma_wait3A_377, %dma_wait3A_382] : memref<80x128xi32, #tpu.memory_space<vmem>> -> memref<1x128xi32, #tpu.memory_space<vmem>>
      %dma_wait3A_384 = tpu.memref_squeeze %dma_wait3A_383 : memref<1x128xi32, #tpu.memory_space<vmem>> -> memref<128xi32, #tpu.memory_space<vmem>>
      %dma_wait3A_385 = arith.constant 0 : i32
      %dma_wait3A_386 = arith.constant 0 : i32
      %dma_wait3A_387 = tpu.memref_slice %arg10[%dma_wait3A_385, %dma_wait3A_386] : memref<10240x64xf32, #tpu.memory_space<vmem_shared>> -> memref<10240x64xf32, #tpu.memory_space<vmem_shared>>
      tpu.wait_indirect_dma semaphore(%arg22 : memref<!tpu.dma_semaphore, #tpu.memory_space<semaphore_mem>>) src(%dma_wait3A_381 : memref<128x64xf32, #tpu.memory_space<vmem>>) dst(%dma_wait3A_387 : memref<10240x64xf32, #tpu.memory_space<vmem_shared>>)
      %add3A_388 = arith.constant 1 : i32
      %add3A_389 = arith.addi %scan3A_106, %add3A_388 : i32
      %lt3A_390 = arith.constant 10 : i32
      %lt3A_391 = arith.cmpi slt, %add3A_389, %lt3A_390 : i32
      %convert_element_type3A_392 = arith.extui %lt3A_391 : i1 to i32
      %cond3A_393 = arith.constant 0 : i32
      %cond3A_394 = arith.cmpi ne, %convert_element_type3A_392, %cond3A_393 : i32
      scf.if %cond3A_394 {
        %add3A_471 = arith.constant 1 : i32
        %add3A_472 = arith.addi %scan3A_106, %add3A_471 : i32
        %mul3A_473 = arith.constant 8 : i32
        %mul3A_474 = arith.muli %add3A_472, %mul3A_473 : i32
        %add3A_475 = arith.constant 3 : i32
        %add3A_476 = arith.addi %mul3A_474, %add3A_475 : i32
        %dma_start3A_477 = arith.constant 3 : i32
        %dma_start3A_478 = arith.constant 0 : i32
        %dma_start3A_479 = arith.constant 0 : i32
        %dma_start3A_480 = tpu.memref_slice %arg9[%dma_start3A_477, %dma_start3A_478, %dma_start3A_479] : memref<8x128x64xf32, #tpu.memory_space<vmem>> -> memref<1x128x64xf32, #tpu.memory_space<vmem>>
        %dma_start3A_481 = tpu.memref_squeeze %dma_start3A_480 : memref<1x128x64xf32, #tpu.memory_space<vmem>> -> memref<128x64xf32, #tpu.memory_space<vmem>>
        %dma_start3A_482 = arith.constant 0 : i32
        %dma_start3A_483 = tpu.memref_slice %arg7[%add3A_476, %dma_start3A_482] : memref<80x128xi32, #tpu.memory_space<vmem>> -> memref<1x128xi32, #tpu.memory_space<vmem>>
        %dma_start3A_484 = tpu.memref_squeeze %dma_start3A_483 : memref<1x128xi32, #tpu.memory_space<vmem>> -> memref<128xi32, #tpu.memory_space<vmem>>
        %dma_start3A_485 = arith.constant 0 : i32
        %dma_start3A_486 = arith.constant 0 : i32
        %dma_start3A_487 = tpu.memref_slice %arg2[%dma_start3A_485, %dma_start3A_486] : memref<10240x64xf32, #tpu.memory_space<hbm>> -> memref<10240x64xf32, #tpu.memory_space<hbm>>
        tpu.enqueue_indirect_dma source(%dma_start3A_487 : memref<10240x64xf32, #tpu.memory_space<hbm>>) target(%dma_start3A_481 : memref<128x64xf32, #tpu.memory_space<vmem>>) offsets(%dma_start3A_484 : memref<128xi32, #tpu.memory_space<vmem>>) semaphore(%arg14 : memref<!tpu.dma_semaphore, #tpu.memory_space<semaphore_mem>>)
      } else {
      }
      %dma_wait3A_395 = arith.constant 4 : i32
      %dma_wait3A_396 = arith.constant 0 : i32
      %dma_wait3A_397 = arith.constant 0 : i32
      %dma_wait3A_398 = arith.constant 0 : i32
      %dma_wait3A_399 = tpu.memref_slice %arg9[%dma_wait3A_395, %dma_wait3A_397, %dma_wait3A_398] : memref<8x128x64xf32, #tpu.memory_space<vmem>> -> memref<1x128x64xf32, #tpu.memory_space<vmem>>
      %dma_wait3A_400 = tpu.memref_squeeze %dma_wait3A_399 : memref<1x128x64xf32, #tpu.memory_space<vmem>> -> memref<128x64xf32, #tpu.memory_space<vmem>>
      %dma_wait3A_401 = arith.constant 0 : i32
      %dma_wait3A_402 = tpu.memref_slice %arg8[%dma_wait3A_396, %dma_wait3A_401] : memref<80x128xi32, #tpu.memory_space<vmem>> -> memref<1x128xi32, #tpu.memory_space<vmem>>
      %dma_wait3A_403 = tpu.memref_squeeze %dma_wait3A_402 : memref<1x128xi32, #tpu.memory_space<vmem>> -> memref<128xi32, #tpu.memory_space<vmem>>
      %dma_wait3A_404 = arith.constant 0 : i32
      %dma_wait3A_405 = arith.constant 0 : i32
      %dma_wait3A_406 = tpu.memref_slice %arg10[%dma_wait3A_404, %dma_wait3A_405] : memref<10240x64xf32, #tpu.memory_space<vmem_shared>> -> memref<10240x64xf32, #tpu.memory_space<vmem_shared>>
      tpu.wait_indirect_dma semaphore(%arg23 : memref<!tpu.dma_semaphore, #tpu.memory_space<semaphore_mem>>) src(%dma_wait3A_400 : memref<128x64xf32, #tpu.memory_space<vmem>>) dst(%dma_wait3A_406 : memref<10240x64xf32, #tpu.memory_space<vmem_shared>>)
      %add3A_407 = arith.constant 1 : i32
      %add3A_408 = arith.addi %scan3A_106, %add3A_407 : i32
      %lt3A_409 = arith.constant 10 : i32
      %lt3A_410 = arith.cmpi slt, %add3A_408, %lt3A_409 : i32
      %convert_element_type3A_411 = arith.extui %lt3A_410 : i1 to i32
      %cond3A_412 = arith.constant 0 : i32
      %cond3A_413 = arith.cmpi ne, %convert_element_type3A_411, %cond3A_412 : i32
      scf.if %cond3A_413 {
        %add3A_471 = arith.constant 1 : i32
        %add3A_472 = arith.addi %scan3A_106, %add3A_471 : i32
        %mul3A_473 = arith.constant 8 : i32
        %mul3A_474 = arith.muli %add3A_472, %mul3A_473 : i32
        %add3A_475 = arith.constant 4 : i32
        %add3A_476 = arith.addi %mul3A_474, %add3A_475 : i32
        %dma_start3A_477 = arith.constant 4 : i32
        %dma_start3A_478 = arith.constant 0 : i32
        %dma_start3A_479 = arith.constant 0 : i32
        %dma_start3A_480 = tpu.memref_slice %arg9[%dma_start3A_477, %dma_start3A_478, %dma_start3A_479] : memref<8x128x64xf32, #tpu.memory_space<vmem>> -> memref<1x128x64xf32, #tpu.memory_space<vmem>>
        %dma_start3A_481 = tpu.memref_squeeze %dma_start3A_480 : memref<1x128x64xf32, #tpu.memory_space<vmem>> -> memref<128x64xf32, #tpu.memory_space<vmem>>
        %dma_start3A_482 = arith.constant 0 : i32
        %dma_start3A_483 = tpu.memref_slice %arg7[%add3A_476, %dma_start3A_482] : memref<80x128xi32, #tpu.memory_space<vmem>> -> memref<1x128xi32, #tpu.memory_space<vmem>>
        %dma_start3A_484 = tpu.memref_squeeze %dma_start3A_483 : memref<1x128xi32, #tpu.memory_space<vmem>> -> memref<128xi32, #tpu.memory_space<vmem>>
        %dma_start3A_485 = arith.constant 0 : i32
        %dma_start3A_486 = arith.constant 0 : i32
        %dma_start3A_487 = tpu.memref_slice %arg2[%dma_start3A_485, %dma_start3A_486] : memref<10240x64xf32, #tpu.memory_space<hbm>> -> memref<10240x64xf32, #tpu.memory_space<hbm>>
        tpu.enqueue_indirect_dma source(%dma_start3A_487 : memref<10240x64xf32, #tpu.memory_space<hbm>>) target(%dma_start3A_481 : memref<128x64xf32, #tpu.memory_space<vmem>>) offsets(%dma_start3A_484 : memref<128xi32, #tpu.memory_space<vmem>>) semaphore(%arg15 : memref<!tpu.dma_semaphore, #tpu.memory_space<semaphore_mem>>)
      } else {
      }
      %dma_wait3A_414 = arith.constant 5 : i32
      %dma_wait3A_415 = arith.constant 0 : i32
      %dma_wait3A_416 = arith.constant 0 : i32
      %dma_wait3A_417 = arith.constant 0 : i32
      %dma_wait3A_418 = tpu.memref_slice %arg9[%dma_wait3A_414, %dma_wait3A_416, %dma_wait3A_417] : memref<8x128x64xf32, #tpu.memory_space<vmem>> -> memref<1x128x64xf32, #tpu.memory_space<vmem>>
      %dma_wait3A_419 = tpu.memref_squeeze %dma_wait3A_418 : memref<1x128x64xf32, #tpu.memory_space<vmem>> -> memref<128x64xf32, #tpu.memory_space<vmem>>
      %dma_wait3A_420 = arith.constant 0 : i32
      %dma_wait3A_421 = tpu.memref_slice %arg8[%dma_wait3A_415, %dma_wait3A_420] : memref<80x128xi32, #tpu.memory_space<vmem>> -> memref<1x128xi32, #tpu.memory_space<vmem>>
      %dma_wait3A_422 = tpu.memref_squeeze %dma_wait3A_421 : memref<1x128xi32, #tpu.memory_space<vmem>> -> memref<128xi32, #tpu.memory_space<vmem>>
      %dma_wait3A_423 = arith.constant 0 : i32
      %dma_wait3A_424 = arith.constant 0 : i32
      %dma_wait3A_425 = tpu.memref_slice %arg10[%dma_wait3A_423, %dma_wait3A_424] : memref<10240x64xf32, #tpu.memory_space<vmem_shared>> -> memref<10240x64xf32, #tpu.memory_space<vmem_shared>>
      tpu.wait_indirect_dma semaphore(%arg24 : memref<!tpu.dma_semaphore, #tpu.memory_space<semaphore_mem>>) src(%dma_wait3A_419 : memref<128x64xf32, #tpu.memory_space<vmem>>) dst(%dma_wait3A_425 : memref<10240x64xf32, #tpu.memory_space<vmem_shared>>)
      %add3A_426 = arith.constant 1 : i32
      %add3A_427 = arith.addi %scan3A_106, %add3A_426 : i32
      %lt3A_428 = arith.constant 10 : i32
      %lt3A_429 = arith.cmpi slt, %add3A_427, %lt3A_428 : i32
      %convert_element_type3A_430 = arith.extui %lt3A_429 : i1 to i32
      %cond3A_431 = arith.constant 0 : i32
      %cond3A_432 = arith.cmpi ne, %convert_element_type3A_430, %cond3A_431 : i32
      scf.if %cond3A_432 {
        %add3A_471 = arith.constant 1 : i32
        %add3A_472 = arith.addi %scan3A_106, %add3A_471 : i32
        %mul3A_473 = arith.constant 8 : i32
        %mul3A_474 = arith.muli %add3A_472, %mul3A_473 : i32
        %add3A_475 = arith.constant 5 : i32
        %add3A_476 = arith.addi %mul3A_474, %add3A_475 : i32
        %dma_start3A_477 = arith.constant 5 : i32
        %dma_start3A_478 = arith.constant 0 : i32
        %dma_start3A_479 = arith.constant 0 : i32
        %dma_start3A_480 = tpu.memref_slice %arg9[%dma_start3A_477, %dma_start3A_478, %dma_start3A_479] : memref<8x128x64xf32, #tpu.memory_space<vmem>> -> memref<1x128x64xf32, #tpu.memory_space<vmem>>
        %dma_start3A_481 = tpu.memref_squeeze %dma_start3A_480 : memref<1x128x64xf32, #tpu.memory_space<vmem>> -> memref<128x64xf32, #tpu.memory_space<vmem>>
        %dma_start3A_482 = arith.constant 0 : i32
        %dma_start3A_483 = tpu.memref_slice %arg7[%add3A_476, %dma_start3A_482] : memref<80x128xi32, #tpu.memory_space<vmem>> -> memref<1x128xi32, #tpu.memory_space<vmem>>
        %dma_start3A_484 = tpu.memref_squeeze %dma_start3A_483 : memref<1x128xi32, #tpu.memory_space<vmem>> -> memref<128xi32, #tpu.memory_space<vmem>>
        %dma_start3A_485 = arith.constant 0 : i32
        %dma_start3A_486 = arith.constant 0 : i32
        %dma_start3A_487 = tpu.memref_slice %arg2[%dma_start3A_485, %dma_start3A_486] : memref<10240x64xf32, #tpu.memory_space<hbm>> -> memref<10240x64xf32, #tpu.memory_space<hbm>>
        tpu.enqueue_indirect_dma source(%dma_start3A_487 : memref<10240x64xf32, #tpu.memory_space<hbm>>) target(%dma_start3A_481 : memref<128x64xf32, #tpu.memory_space<vmem>>) offsets(%dma_start3A_484 : memref<128xi32, #tpu.memory_space<vmem>>) semaphore(%arg16 : memref<!tpu.dma_semaphore, #tpu.memory_space<semaphore_mem>>)
      } else {
      }
      %dma_wait3A_433 = arith.constant 6 : i32
      %dma_wait3A_434 = arith.constant 0 : i32
      %dma_wait3A_435 = arith.constant 0 : i32
      %dma_wait3A_436 = arith.constant 0 : i32
      %dma_wait3A_437 = tpu.memref_slice %arg9[%dma_wait3A_433, %dma_wait3A_435, %dma_wait3A_436] : memref<8x128x64xf32, #tpu.memory_space<vmem>> -> memref<1x128x64xf32, #tpu.memory_space<vmem>>
      %dma_wait3A_438 = tpu.memref_squeeze %dma_wait3A_437 : memref<1x128x64xf32, #tpu.memory_space<vmem>> -> memref<128x64xf32, #tpu.memory_space<vmem>>
      %dma_wait3A_439 = arith.constant 0 : i32
      %dma_wait3A_440 = tpu.memref_slice %arg8[%dma_wait3A_434, %dma_wait3A_439] : memref<80x128xi32, #tpu.memory_space<vmem>> -> memref<1x128xi32, #tpu.memory_space<vmem>>
      %dma_wait3A_441 = tpu.memref_squeeze %dma_wait3A_440 : memref<1x128xi32, #tpu.memory_space<vmem>> -> memref<128xi32, #tpu.memory_space<vmem>>
      %dma_wait3A_442 = arith.constant 0 : i32
      %dma_wait3A_443 = arith.constant 0 : i32
      %dma_wait3A_444 = tpu.memref_slice %arg10[%dma_wait3A_442, %dma_wait3A_443] : memref<10240x64xf32, #tpu.memory_space<vmem_shared>> -> memref<10240x64xf32, #tpu.memory_space<vmem_shared>>
      tpu.wait_indirect_dma semaphore(%arg25 : memref<!tpu.dma_semaphore, #tpu.memory_space<semaphore_mem>>) src(%dma_wait3A_438 : memref<128x64xf32, #tpu.memory_space<vmem>>) dst(%dma_wait3A_444 : memref<10240x64xf32, #tpu.memory_space<vmem_shared>>)
      %add3A_445 = arith.constant 1 : i32
      %add3A_446 = arith.addi %scan3A_106, %add3A_445 : i32
      %lt3A_447 = arith.constant 10 : i32
      %lt3A_448 = arith.cmpi slt, %add3A_446, %lt3A_447 : i32
      %convert_element_type3A_449 = arith.extui %lt3A_448 : i1 to i32
      %cond3A_450 = arith.constant 0 : i32
      %cond3A_451 = arith.cmpi ne, %convert_element_type3A_449, %cond3A_450 : i32
      scf.if %cond3A_451 {
        %add3A_471 = arith.constant 1 : i32
        %add3A_472 = arith.addi %scan3A_106, %add3A_471 : i32
        %mul3A_473 = arith.constant 8 : i32
        %mul3A_474 = arith.muli %add3A_472, %mul3A_473 : i32
        %add3A_475 = arith.constant 6 : i32
        %add3A_476 = arith.addi %mul3A_474, %add3A_475 : i32
        %dma_start3A_477 = arith.constant 6 : i32
        %dma_start3A_478 = arith.constant 0 : i32
        %dma_start3A_479 = arith.constant 0 : i32
        %dma_start3A_480 = tpu.memref_slice %arg9[%dma_start3A_477, %dma_start3A_478, %dma_start3A_479] : memref<8x128x64xf32, #tpu.memory_space<vmem>> -> memref<1x128x64xf32, #tpu.memory_space<vmem>>
        %dma_start3A_481 = tpu.memref_squeeze %dma_start3A_480 : memref<1x128x64xf32, #tpu.memory_space<vmem>> -> memref<128x64xf32, #tpu.memory_space<vmem>>
        %dma_start3A_482 = arith.constant 0 : i32
        %dma_start3A_483 = tpu.memref_slice %arg7[%add3A_476, %dma_start3A_482] : memref<80x128xi32, #tpu.memory_space<vmem>> -> memref<1x128xi32, #tpu.memory_space<vmem>>
        %dma_start3A_484 = tpu.memref_squeeze %dma_start3A_483 : memref<1x128xi32, #tpu.memory_space<vmem>> -> memref<128xi32, #tpu.memory_space<vmem>>
        %dma_start3A_485 = arith.constant 0 : i32
        %dma_start3A_486 = arith.constant 0 : i32
        %dma_start3A_487 = tpu.memref_slice %arg2[%dma_start3A_485, %dma_start3A_486] : memref<10240x64xf32, #tpu.memory_space<hbm>> -> memref<10240x64xf32, #tpu.memory_space<hbm>>
        tpu.enqueue_indirect_dma source(%dma_start3A_487 : memref<10240x64xf32, #tpu.memory_space<hbm>>) target(%dma_start3A_481 : memref<128x64xf32, #tpu.memory_space<vmem>>) offsets(%dma_start3A_484 : memref<128xi32, #tpu.memory_space<vmem>>) semaphore(%arg17 : memref<!tpu.dma_semaphore, #tpu.memory_space<semaphore_mem>>)
      } else {
      }
      %dma_wait3A_452 = arith.constant 7 : i32
      %dma_wait3A_453 = arith.constant 0 : i32
      %dma_wait3A_454 = arith.constant 0 : i32
      %dma_wait3A_455 = arith.constant 0 : i32
      %dma_wait3A_456 = tpu.memref_slice %arg9[%dma_wait3A_452, %dma_wait3A_454, %dma_wait3A_455] : memref<8x128x64xf32, #tpu.memory_space<vmem>> -> memref<1x128x64xf32, #tpu.memory_space<vmem>>
      %dma_wait3A_457 = tpu.memref_squeeze %dma_wait3A_456 : memref<1x128x64xf32, #tpu.memory_space<vmem>> -> memref<128x64xf32, #tpu.memory_space<vmem>>
      %dma_wait3A_458 = arith.constant 0 : i32
      %dma_wait3A_459 = tpu.memref_slice %arg8[%dma_wait3A_453, %dma_wait3A_458] : memref<80x128xi32, #tpu.memory_space<vmem>> -> memref<1x128xi32, #tpu.memory_space<vmem>>
      %dma_wait3A_460 = tpu.memref_squeeze %dma_wait3A_459 : memref<1x128xi32, #tpu.memory_space<vmem>> -> memref<128xi32, #tpu.memory_space<vmem>>
      %dma_wait3A_461 = arith.constant 0 : i32
      %dma_wait3A_462 = arith.constant 0 : i32
      %dma_wait3A_463 = tpu.memref_slice %arg10[%dma_wait3A_461, %dma_wait3A_462] : memref<10240x64xf32, #tpu.memory_space<vmem_shared>> -> memref<10240x64xf32, #tpu.memory_space<vmem_shared>>
      tpu.wait_indirect_dma semaphore(%arg26 : memref<!tpu.dma_semaphore, #tpu.memory_space<semaphore_mem>>) src(%dma_wait3A_457 : memref<128x64xf32, #tpu.memory_space<vmem>>) dst(%dma_wait3A_463 : memref<10240x64xf32, #tpu.memory_space<vmem_shared>>)
      %add3A_464 = arith.constant 1 : i32
      %add3A_465 = arith.addi %scan3A_106, %add3A_464 : i32
      %lt3A_466 = arith.constant 10 : i32
      %lt3A_467 = arith.cmpi slt, %add3A_465, %lt3A_466 : i32
      %convert_element_type3A_468 = arith.extui %lt3A_467 : i1 to i32
      %cond3A_469 = arith.constant 0 : i32
      %cond3A_470 = arith.cmpi ne, %convert_element_type3A_468, %cond3A_469 : i32
      scf.if %cond3A_470 {
        %add3A_471 = arith.constant 1 : i32
        %add3A_472 = arith.addi %scan3A_106, %add3A_471 : i32
        %mul3A_473 = arith.constant 8 : i32
        %mul3A_474 = arith.muli %add3A_472, %mul3A_473 : i32
        %add3A_475 = arith.constant 7 : i32
        %add3A_476 = arith.addi %mul3A_474, %add3A_475 : i32
        %dma_start3A_477 = arith.constant 7 : i32
        %dma_start3A_478 = arith.constant 0 : i32
        %dma_start3A_479 = arith.constant 0 : i32
        %dma_start3A_480 = tpu.memref_slice %arg9[%dma_start3A_477, %dma_start3A_478, %dma_start3A_479] : memref<8x128x64xf32, #tpu.memory_space<vmem>> -> memref<1x128x64xf32, #tpu.memory_space<vmem>>
        %dma_start3A_481 = tpu.memref_squeeze %dma_start3A_480 : memref<1x128x64xf32, #tpu.memory_space<vmem>> -> memref<128x64xf32, #tpu.memory_space<vmem>>
        %dma_start3A_482 = arith.constant 0 : i32
        %dma_start3A_483 = tpu.memref_slice %arg7[%add3A_476, %dma_start3A_482] : memref<80x128xi32, #tpu.memory_space<vmem>> -> memref<1x128xi32, #tpu.memory_space<vmem>>
        %dma_start3A_484 = tpu.memref_squeeze %dma_start3A_483 : memref<1x128xi32, #tpu.memory_space<vmem>> -> memref<128xi32, #tpu.memory_space<vmem>>
        %dma_start3A_485 = arith.constant 0 : i32
        %dma_start3A_486 = arith.constant 0 : i32
        %dma_start3A_487 = tpu.memref_slice %arg2[%dma_start3A_485, %dma_start3A_486] : memref<10240x64xf32, #tpu.memory_space<hbm>> -> memref<10240x64xf32, #tpu.memory_space<hbm>>
        tpu.enqueue_indirect_dma source(%dma_start3A_487 : memref<10240x64xf32, #tpu.memory_space<hbm>>) target(%dma_start3A_481 : memref<128x64xf32, #tpu.memory_space<vmem>>) offsets(%dma_start3A_484 : memref<128xi32, #tpu.memory_space<vmem>>) semaphore(%arg18 : memref<!tpu.dma_semaphore, #tpu.memory_space<semaphore_mem>>)
      } else {
      }
    }
    %scan3A_104 = arith.constant 10 : i32
    %barrier3A_105 = arith.constant 0 : index
    tpu.barrier barrier_id(%barrier3A_105)
    "tpu.region"() ({
      %run_scoped3A = tpu.sem_alloc : memref<!tpu.dma_semaphore, #tpu.memory_space<semaphore_mem>>
      %dma_start3A_106 = arith.constant 0 : i32
      %dma_start3A_107 = tpu.memref_slice %arg6[%arg0, %mul3A_4, %dma_start3A_106] : memref<2x10240x64xf32, #tpu.memory_space<hbm>> -> memref<1x640x64xf32, #tpu.memory_space<hbm>>
      %dma_start3A_108 = tpu.memref_squeeze %dma_start3A_107 : memref<1x640x64xf32, #tpu.memory_space<hbm>> -> memref<640x64xf32, #tpu.memory_space<hbm>>
      %dma_start3A_109 = arith.constant 0 : i32
      %dma_start3A_110 = tpu.memref_slice %arg10[%mul3A_4, %dma_start3A_109] : memref<10240x64xf32, #tpu.memory_space<vmem_shared>> -> memref<640x64xf32, #tpu.memory_space<vmem_shared>>
      tpu.enqueue_dma source(%dma_start3A_110 : memref<640x64xf32, #tpu.memory_space<vmem_shared>>) target(%dma_start3A_108 : memref<640x64xf32, #tpu.memory_space<hbm>>) target_semaphore(%run_scoped3A : memref<!tpu.dma_semaphore, #tpu.memory_space<semaphore_mem>>)
      %dma_wait3A = arith.constant 0 : i32
      %dma_wait3A_111 = tpu.memref_slice %arg6[%arg0, %mul3A_4, %dma_wait3A] : memref<2x10240x64xf32, #tpu.memory_space<hbm>> -> memref<1x640x64xf32, #tpu.memory_space<hbm>>
      %dma_wait3A_112 = tpu.memref_squeeze %dma_wait3A_111 : memref<1x640x64xf32, #tpu.memory_space<hbm>> -> memref<640x64xf32, #tpu.memory_space<hbm>>
      %dma_wait3A_113 = arith.constant 0 : i32
      %dma_wait3A_114 = tpu.memref_slice %arg10[%mul3A_4, %dma_wait3A_113] : memref<10240x64xf32, #tpu.memory_space<vmem_shared>> -> memref<640x64xf32, #tpu.memory_space<vmem_shared>>
      tpu.wait_dma2 semaphore(%run_scoped3A : memref<!tpu.dma_semaphore, #tpu.memory_space<semaphore_mem>>) src(%dma_wait3A_114 : memref<640x64xf32, #tpu.memory_space<vmem_shared>>) dst(%dma_wait3A_112 : memref<640x64xf32, #tpu.memory_space<hbm>>)
      tpu.yield
    }) : () -> ()
    return
  }
}

#map = affine_map<(d0, d1) -> (0, 0)>
module attributes {stable_mosaic.version = 14 : i64} {
  func.func @deg_kernel(%arg0: i32, %arg1: i32, %arg2: memref<2560x128xi32, #tpu.memory_space<hbm>>, %arg3: memref<2x10240xf32, #tpu.memory_space<hbm>>, %arg4: memref<80x128xi32, #tpu.memory_space<vmem>>, %arg5: memref<128xf32, #tpu.memory_space<vmem>>, %arg6: memref<10240xf32, #tpu.memory_space<vmem_shared>>, %arg7: memref<640xf32, #tpu.memory_space<vmem>>, %arg8: memref<!tpu.dma_semaphore, #tpu.memory_space<semaphore_mem>>, %arg9: memref<!tpu.dma_semaphore, #tpu.memory_space<semaphore_mem>>, %arg10: memref<!tpu.dma_semaphore, #tpu.memory_space<semaphore_mem>>, %arg11: memref<!tpu.dma_semaphore, #tpu.memory_space<semaphore_mem>>, %arg12: memref<!tpu.dma_semaphore, #tpu.memory_space<semaphore_mem>>, %arg13: memref<!tpu.dma_semaphore, #tpu.memory_space<semaphore_mem>>, %arg14: memref<!tpu.dma_semaphore, #tpu.memory_space<semaphore_mem>>, %arg15: memref<!tpu.dma_semaphore, #tpu.memory_space<semaphore_mem>>) attributes {dimension_semantics = [#tpu.dimension_semantics<core_parallel>, #tpu.dimension_semantics<subcore_parallel>], iteration_bounds = array<i64: 2, 16>, scalar_prefetch = 0 : i64, scratch_operands = 12 : i64, tpu.core_type = #tpu.core_type<sc_vector_subcore>, window_params = [{transform_indices = #map}, {transform_indices = #map}]} {
    %mul3A = arith.constant 16 : i32
    %mul3A_0 = arith.muli %arg0, %mul3A : i32
    %add3A = arith.addi %mul3A_0, %arg1 : i32
    %mul3A_1 = arith.constant 80 : i32
    %mul3A_2 = arith.muli %add3A, %mul3A_1 : i32
    %mul3A_3 = arith.constant 640 : i32
    %mul3A_4 = arith.muli %arg1, %mul3A_3 : i32
    %broadcast_in_dim3A = arith.constant 1.000000e+00 : f32
    %broadcast_in_dim3A_5 = vector.broadcast %broadcast_in_dim3A : f32 to vector<16xf32>
    %swap3A = arith.constant 0 : index
    %swap3A_6 = tpu.vector_load %arg5[%swap3A] {strides = array<i32>} : memref<128xf32, #tpu.memory_space<vmem>>, vector<16xf32>,
    %swap3A_7 = vector.shape_cast %swap3A_6 : vector<16xf32> to vector<16xf32>
    %swap3A_8 = vector.shape_cast %broadcast_in_dim3A_5 : vector<16xf32> to vector<16xf32>
    tpu.vector_store %arg5[%swap3A], %swap3A_8 {strides = array<i32>} : memref<128xf32, #tpu.memory_space<vmem>>, vector<16xf32>,
    %broadcast_in_dim3A_9 = arith.constant 1.000000e+00 : f32
    %broadcast_in_dim3A_10 = vector.broadcast %broadcast_in_dim3A_9 : f32 to vector<16xf32>
    %swap3A_11 = arith.constant 16 : index
    %swap3A_12 = tpu.vector_load %arg5[%swap3A_11] {strides = array<i32>} : memref<128xf32, #tpu.memory_space<vmem>>, vector<16xf32>,
    %swap3A_13 = vector.shape_cast %swap3A_12 : vector<16xf32> to vector<16xf32>
    %swap3A_14 = vector.shape_cast %broadcast_in_dim3A_10 : vector<16xf32> to vector<16xf32>
    tpu.vector_store %arg5[%swap3A_11], %swap3A_14 {strides = array<i32>} : memref<128xf32, #tpu.memory_space<vmem>>, vector<16xf32>,
    %broadcast_in_dim3A_15 = arith.constant 1.000000e+00 : f32
    %broadcast_in_dim3A_16 = vector.broadcast %broadcast_in_dim3A_15 : f32 to vector<16xf32>
    %swap3A_17 = arith.constant 32 : index
    %swap3A_18 = tpu.vector_load %arg5[%swap3A_17] {strides = array<i32>} : memref<128xf32, #tpu.memory_space<vmem>>, vector<16xf32>,
    %swap3A_19 = vector.shape_cast %swap3A_18 : vector<16xf32> to vector<16xf32>
    %swap3A_20 = vector.shape_cast %broadcast_in_dim3A_16 : vector<16xf32> to vector<16xf32>
    tpu.vector_store %arg5[%swap3A_17], %swap3A_20 {strides = array<i32>} : memref<128xf32, #tpu.memory_space<vmem>>, vector<16xf32>,
    %broadcast_in_dim3A_21 = arith.constant 1.000000e+00 : f32
    %broadcast_in_dim3A_22 = vector.broadcast %broadcast_in_dim3A_21 : f32 to vector<16xf32>
    %swap3A_23 = arith.constant 48 : index
    %swap3A_24 = tpu.vector_load %arg5[%swap3A_23] {strides = array<i32>} : memref<128xf32, #tpu.memory_space<vmem>>, vector<16xf32>,
    %swap3A_25 = vector.shape_cast %swap3A_24 : vector<16xf32> to vector<16xf32>
    %swap3A_26 = vector.shape_cast %broadcast_in_dim3A_22 : vector<16xf32> to vector<16xf32>
    tpu.vector_store %arg5[%swap3A_23], %swap3A_26 {strides = array<i32>} : memref<128xf32, #tpu.memory_space<vmem>>, vector<16xf32>,
    %broadcast_in_dim3A_27 = arith.constant 1.000000e+00 : f32
    %broadcast_in_dim3A_28 = vector.broadcast %broadcast_in_dim3A_27 : f32 to vector<16xf32>
    %swap3A_29 = arith.constant 64 : index
    %swap3A_30 = tpu.vector_load %arg5[%swap3A_29] {strides = array<i32>} : memref<128xf32, #tpu.memory_space<vmem>>, vector<16xf32>,
    %swap3A_31 = vector.shape_cast %swap3A_30 : vector<16xf32> to vector<16xf32>
    %swap3A_32 = vector.shape_cast %broadcast_in_dim3A_28 : vector<16xf32> to vector<16xf32>
    tpu.vector_store %arg5[%swap3A_29], %swap3A_32 {strides = array<i32>} : memref<128xf32, #tpu.memory_space<vmem>>, vector<16xf32>,
    %broadcast_in_dim3A_33 = arith.constant 1.000000e+00 : f32
    %broadcast_in_dim3A_34 = vector.broadcast %broadcast_in_dim3A_33 : f32 to vector<16xf32>
    %swap3A_35 = arith.constant 80 : index
    %swap3A_36 = tpu.vector_load %arg5[%swap3A_35] {strides = array<i32>} : memref<128xf32, #tpu.memory_space<vmem>>, vector<16xf32>,
    %swap3A_37 = vector.shape_cast %swap3A_36 : vector<16xf32> to vector<16xf32>
    %swap3A_38 = vector.shape_cast %broadcast_in_dim3A_34 : vector<16xf32> to vector<16xf32>
    tpu.vector_store %arg5[%swap3A_35], %swap3A_38 {strides = array<i32>} : memref<128xf32, #tpu.memory_space<vmem>>, vector<16xf32>,
    %broadcast_in_dim3A_39 = arith.constant 1.000000e+00 : f32
    %broadcast_in_dim3A_40 = vector.broadcast %broadcast_in_dim3A_39 : f32 to vector<16xf32>
    %swap3A_41 = arith.constant 96 : index
    %swap3A_42 = tpu.vector_load %arg5[%swap3A_41] {strides = array<i32>} : memref<128xf32, #tpu.memory_space<vmem>>, vector<16xf32>,
    %swap3A_43 = vector.shape_cast %swap3A_42 : vector<16xf32> to vector<16xf32>
    %swap3A_44 = vector.shape_cast %broadcast_in_dim3A_40 : vector<16xf32> to vector<16xf32>
    tpu.vector_store %arg5[%swap3A_41], %swap3A_44 {strides = array<i32>} : memref<128xf32, #tpu.memory_space<vmem>>, vector<16xf32>,
    %broadcast_in_dim3A_45 = arith.constant 1.000000e+00 : f32
    %broadcast_in_dim3A_46 = vector.broadcast %broadcast_in_dim3A_45 : f32 to vector<16xf32>
    %swap3A_47 = arith.constant 112 : index
    %swap3A_48 = tpu.vector_load %arg5[%swap3A_47] {strides = array<i32>} : memref<128xf32, #tpu.memory_space<vmem>>, vector<16xf32>,
    %swap3A_49 = vector.shape_cast %swap3A_48 : vector<16xf32> to vector<16xf32>
    %swap3A_50 = vector.shape_cast %broadcast_in_dim3A_46 : vector<16xf32> to vector<16xf32>
    tpu.vector_store %arg5[%swap3A_47], %swap3A_50 {strides = array<i32>} : memref<128xf32, #tpu.memory_space<vmem>>, vector<16xf32>,
    %broadcast_in_dim3A_51 = arith.constant 0.000000e+00 : f32
    %broadcast_in_dim3A_52 = vector.broadcast %broadcast_in_dim3A_51 : f32 to vector<16xf32>
    %swap3A_53 = arith.constant 0 : index
    %swap3A_54 = tpu.vector_load %arg7[%swap3A_53] {strides = array<i32>} : memref<640xf32, #tpu.memory_space<vmem>>, vector<16xf32>,
    %swap3A_55 = vector.shape_cast %swap3A_54 : vector<16xf32> to vector<16xf32>
    %swap3A_56 = vector.shape_cast %broadcast_in_dim3A_52 : vector<16xf32> to vector<16xf32>
    tpu.vector_store %arg7[%swap3A_53], %swap3A_56 {strides = array<i32>} : memref<640xf32, #tpu.memory_space<vmem>>, vector<16xf32>,
    %broadcast_in_dim3A_57 = arith.constant 0.000000e+00 : f32
    %broadcast_in_dim3A_58 = vector.broadcast %broadcast_in_dim3A_57 : f32 to vector<16xf32>
    %swap3A_59 = arith.constant 16 : index
    %swap3A_60 = tpu.vector_load %arg7[%swap3A_59] {strides = array<i32>} : memref<640xf32, #tpu.memory_space<vmem>>, vector<16xf32>,
    %swap3A_61 = vector.shape_cast %swap3A_60 : vector<16xf32> to vector<16xf32>
    %swap3A_62 = vector.shape_cast %broadcast_in_dim3A_58 : vector<16xf32> to vector<16xf32>
    tpu.vector_store %arg7[%swap3A_59], %swap3A_62 {strides = array<i32>} : memref<640xf32, #tpu.memory_space<vmem>>, vector<16xf32>,
    %broadcast_in_dim3A_63 = arith.constant 0.000000e+00 : f32
    %broadcast_in_dim3A_64 = vector.broadcast %broadcast_in_dim3A_63 : f32 to vector<16xf32>
    %swap3A_65 = arith.constant 32 : index
    %swap3A_66 = tpu.vector_load %arg7[%swap3A_65] {strides = array<i32>} : memref<640xf32, #tpu.memory_space<vmem>>, vector<16xf32>,
    %swap3A_67 = vector.shape_cast %swap3A_66 : vector<16xf32> to vector<16xf32>
    %swap3A_68 = vector.shape_cast %broadcast_in_dim3A_64 : vector<16xf32> to vector<16xf32>
    tpu.vector_store %arg7[%swap3A_65], %swap3A_68 {strides = array<i32>} : memref<640xf32, #tpu.memory_space<vmem>>, vector<16xf32>,
    %broadcast_in_dim3A_69 = arith.constant 0.000000e+00 : f32
    %broadcast_in_dim3A_70 = vector.broadcast %broadcast_in_dim3A_69 : f32 to vector<16xf32>
    %swap3A_71 = arith.constant 48 : index
    %swap3A_72 = tpu.vector_load %arg7[%swap3A_71] {strides = array<i32>} : memref<640xf32, #tpu.memory_space<vmem>>, vector<16xf32>,
    %swap3A_73 = vector.shape_cast %swap3A_72 : vector<16xf32> to vector<16xf32>
    %swap3A_74 = vector.shape_cast %broadcast_in_dim3A_70 : vector<16xf32> to vector<16xf32>
    tpu.vector_store %arg7[%swap3A_71], %swap3A_74 {strides = array<i32>} : memref<640xf32, #tpu.memory_space<vmem>>, vector<16xf32>,
    %broadcast_in_dim3A_75 = arith.constant 0.000000e+00 : f32
    %broadcast_in_dim3A_76 = vector.broadcast %broadcast_in_dim3A_75 : f32 to vector<16xf32>
    %swap3A_77 = arith.constant 64 : index
    %swap3A_78 = tpu.vector_load %arg7[%swap3A_77] {strides = array<i32>} : memref<640xf32, #tpu.memory_space<vmem>>, vector<16xf32>,
    %swap3A_79 = vector.shape_cast %swap3A_78 : vector<16xf32> to vector<16xf32>
    %swap3A_80 = vector.shape_cast %broadcast_in_dim3A_76 : vector<16xf32> to vector<16xf32>
    tpu.vector_store %arg7[%swap3A_77], %swap3A_80 {strides = array<i32>} : memref<640xf32, #tpu.memory_space<vmem>>, vector<16xf32>,
    %broadcast_in_dim3A_81 = arith.constant 0.000000e+00 : f32
    %broadcast_in_dim3A_82 = vector.broadcast %broadcast_in_dim3A_81 : f32 to vector<16xf32>
    %swap3A_83 = arith.constant 80 : index
    %swap3A_84 = tpu.vector_load %arg7[%swap3A_83] {strides = array<i32>} : memref<640xf32, #tpu.memory_space<vmem>>, vector<16xf32>,
    %swap3A_85 = vector.shape_cast %swap3A_84 : vector<16xf32> to vector<16xf32>
    %swap3A_86 = vector.shape_cast %broadcast_in_dim3A_82 : vector<16xf32> to vector<16xf32>
    tpu.vector_store %arg7[%swap3A_83], %swap3A_86 {strides = array<i32>} : memref<640xf32, #tpu.memory_space<vmem>>, vector<16xf32>,
    %broadcast_in_dim3A_87 = arith.constant 0.000000e+00 : f32
    %broadcast_in_dim3A_88 = vector.broadcast %broadcast_in_dim3A_87 : f32 to vector<16xf32>
    %swap3A_89 = arith.constant 96 : index
    %swap3A_90 = tpu.vector_load %arg7[%swap3A_89] {strides = array<i32>} : memref<640xf32, #tpu.memory_space<vmem>>, vector<16xf32>,
    %swap3A_91 = vector.shape_cast %swap3A_90 : vector<16xf32> to vector<16xf32>
    %swap3A_92 = vector.shape_cast %broadcast_in_dim3A_88 : vector<16xf32> to vector<16xf32>
    tpu.vector_store %arg7[%swap3A_89], %swap3A_92 {strides = array<i32>} : memref<640xf32, #tpu.memory_space<vmem>>, vector<16xf32>,
    %broadcast_in_dim3A_93 = arith.constant 0.000000e+00 : f32
    %broadcast_in_dim3A_94 = vector.broadcast %broadcast_in_dim3A_93 : f32 to vector<16xf32>
    %swap3A_95 = arith.constant 112 : index
    %swap3A_96 = tpu.vector_load %arg7[%swap3A_95] {strides = array<i32>} : memref<640xf32, #tpu.memory_space<vmem>>, vector<16xf32>,
    %swap3A_97 = vector.shape_cast %swap3A_96 : vector<16xf32> to vector<16xf32>
    %swap3A_98 = vector.shape_cast %broadcast_in_dim3A_94 : vector<16xf32> to vector<16xf32>
    tpu.vector_store %arg7[%swap3A_95], %swap3A_98 {strides = array<i32>} : memref<640xf32, #tpu.memory_space<vmem>>, vector<16xf32>,
    %broadcast_in_dim3A_99 = arith.constant 0.000000e+00 : f32
    %broadcast_in_dim3A_100 = vector.broadcast %broadcast_in_dim3A_99 : f32 to vector<16xf32>
    %swap3A_101 = arith.constant 128 : index
    %swap3A_102 = tpu.vector_load %arg7[%swap3A_101] {strides = array<i32>} : memref<640xf32, #tpu.memory_space<vmem>>, vector<16xf32>,
    %swap3A_103 = vector.shape_cast %swap3A_102 : vector<16xf32> to vector<16xf32>
    %swap3A_104 = vector.shape_cast %broadcast_in_dim3A_100 : vector<16xf32> to vector<16xf32>
    tpu.vector_store %arg7[%swap3A_101], %swap3A_104 {strides = array<i32>} : memref<640xf32, #tpu.memory_space<vmem>>, vector<16xf32>,
    %broadcast_in_dim3A_105 = arith.constant 0.000000e+00 : f32
    %broadcast_in_dim3A_106 = vector.broadcast %broadcast_in_dim3A_105 : f32 to vector<16xf32>
    %swap3A_107 = arith.constant 144 : index
    %swap3A_108 = tpu.vector_load %arg7[%swap3A_107] {strides = array<i32>} : memref<640xf32, #tpu.memory_space<vmem>>, vector<16xf32>,
    %swap3A_109 = vector.shape_cast %swap3A_108 : vector<16xf32> to vector<16xf32>
    %swap3A_110 = vector.shape_cast %broadcast_in_dim3A_106 : vector<16xf32> to vector<16xf32>
    tpu.vector_store %arg7[%swap3A_107], %swap3A_110 {strides = array<i32>} : memref<640xf32, #tpu.memory_space<vmem>>, vector<16xf32>,
    %broadcast_in_dim3A_111 = arith.constant 0.000000e+00 : f32
    %broadcast_in_dim3A_112 = vector.broadcast %broadcast_in_dim3A_111 : f32 to vector<16xf32>
    %swap3A_113 = arith.constant 160 : index
    %swap3A_114 = tpu.vector_load %arg7[%swap3A_113] {strides = array<i32>} : memref<640xf32, #tpu.memory_space<vmem>>, vector<16xf32>,
    %swap3A_115 = vector.shape_cast %swap3A_114 : vector<16xf32> to vector<16xf32>
    %swap3A_116 = vector.shape_cast %broadcast_in_dim3A_112 : vector<16xf32> to vector<16xf32>
    tpu.vector_store %arg7[%swap3A_113], %swap3A_116 {strides = array<i32>} : memref<640xf32, #tpu.memory_space<vmem>>, vector<16xf32>,
    %broadcast_in_dim3A_117 = arith.constant 0.000000e+00 : f32
    %broadcast_in_dim3A_118 = vector.broadcast %broadcast_in_dim3A_117 : f32 to vector<16xf32>
    %swap3A_119 = arith.constant 176 : index
    %swap3A_120 = tpu.vector_load %arg7[%swap3A_119] {strides = array<i32>} : memref<640xf32, #tpu.memory_space<vmem>>, vector<16xf32>,
    %swap3A_121 = vector.shape_cast %swap3A_120 : vector<16xf32> to vector<16xf32>
    %swap3A_122 = vector.shape_cast %broadcast_in_dim3A_118 : vector<16xf32> to vector<16xf32>
    tpu.vector_store %arg7[%swap3A_119], %swap3A_122 {strides = array<i32>} : memref<640xf32, #tpu.memory_space<vmem>>, vector<16xf32>,
    %broadcast_in_dim3A_123 = arith.constant 0.000000e+00 : f32
    %broadcast_in_dim3A_124 = vector.broadcast %broadcast_in_dim3A_123 : f32 to vector<16xf32>
    %swap3A_125 = arith.constant 192 : index
    %swap3A_126 = tpu.vector_load %arg7[%swap3A_125] {strides = array<i32>} : memref<640xf32, #tpu.memory_space<vmem>>, vector<16xf32>,
    %swap3A_127 = vector.shape_cast %swap3A_126 : vector<16xf32> to vector<16xf32>
    %swap3A_128 = vector.shape_cast %broadcast_in_dim3A_124 : vector<16xf32> to vector<16xf32>
    tpu.vector_store %arg7[%swap3A_125], %swap3A_128 {strides = array<i32>} : memref<640xf32, #tpu.memory_space<vmem>>, vector<16xf32>,
    %broadcast_in_dim3A_129 = arith.constant 0.000000e+00 : f32
    %broadcast_in_dim3A_130 = vector.broadcast %broadcast_in_dim3A_129 : f32 to vector<16xf32>
    %swap3A_131 = arith.constant 208 : index
    %swap3A_132 = tpu.vector_load %arg7[%swap3A_131] {strides = array<i32>} : memref<640xf32, #tpu.memory_space<vmem>>, vector<16xf32>,
    %swap3A_133 = vector.shape_cast %swap3A_132 : vector<16xf32> to vector<16xf32>
    %swap3A_134 = vector.shape_cast %broadcast_in_dim3A_130 : vector<16xf32> to vector<16xf32>
    tpu.vector_store %arg7[%swap3A_131], %swap3A_134 {strides = array<i32>} : memref<640xf32, #tpu.memory_space<vmem>>, vector<16xf32>,
    %broadcast_in_dim3A_135 = arith.constant 0.000000e+00 : f32
    %broadcast_in_dim3A_136 = vector.broadcast %broadcast_in_dim3A_135 : f32 to vector<16xf32>
    %swap3A_137 = arith.constant 224 : index
    %swap3A_138 = tpu.vector_load %arg7[%swap3A_137] {strides = array<i32>} : memref<640xf32, #tpu.memory_space<vmem>>, vector<16xf32>,
    %swap3A_139 = vector.shape_cast %swap3A_138 : vector<16xf32> to vector<16xf32>
    %swap3A_140 = vector.shape_cast %broadcast_in_dim3A_136 : vector<16xf32> to vector<16xf32>
    tpu.vector_store %arg7[%swap3A_137], %swap3A_140 {strides = array<i32>} : memref<640xf32, #tpu.memory_space<vmem>>, vector<16xf32>,
    %broadcast_in_dim3A_141 = arith.constant 0.000000e+00 : f32
    %broadcast_in_dim3A_142 = vector.broadcast %broadcast_in_dim3A_141 : f32 to vector<16xf32>
    %swap3A_143 = arith.constant 240 : index
    %swap3A_144 = tpu.vector_load %arg7[%swap3A_143] {strides = array<i32>} : memref<640xf32, #tpu.memory_space<vmem>>, vector<16xf32>,
    %swap3A_145 = vector.shape_cast %swap3A_144 : vector<16xf32> to vector<16xf32>
    %swap3A_146 = vector.shape_cast %broadcast_in_dim3A_142 : vector<16xf32> to vector<16xf32>
    tpu.vector_store %arg7[%swap3A_143], %swap3A_146 {strides = array<i32>} : memref<640xf32, #tpu.memory_space<vmem>>, vector<16xf32>,
    %broadcast_in_dim3A_147 = arith.constant 0.000000e+00 : f32
    %broadcast_in_dim3A_148 = vector.broadcast %broadcast_in_dim3A_147 : f32 to vector<16xf32>
    %swap3A_149 = arith.constant 256 : index
    %swap3A_150 = tpu.vector_load %arg7[%swap3A_149] {strides = array<i32>} : memref<640xf32, #tpu.memory_space<vmem>>, vector<16xf32>,
    %swap3A_151 = vector.shape_cast %swap3A_150 : vector<16xf32> to vector<16xf32>
    %swap3A_152 = vector.shape_cast %broadcast_in_dim3A_148 : vector<16xf32> to vector<16xf32>
    tpu.vector_store %arg7[%swap3A_149], %swap3A_152 {strides = array<i32>} : memref<640xf32, #tpu.memory_space<vmem>>, vector<16xf32>,
    %broadcast_in_dim3A_153 = arith.constant 0.000000e+00 : f32
    %broadcast_in_dim3A_154 = vector.broadcast %broadcast_in_dim3A_153 : f32 to vector<16xf32>
    %swap3A_155 = arith.constant 272 : index
    %swap3A_156 = tpu.vector_load %arg7[%swap3A_155] {strides = array<i32>} : memref<640xf32, #tpu.memory_space<vmem>>, vector<16xf32>,
    %swap3A_157 = vector.shape_cast %swap3A_156 : vector<16xf32> to vector<16xf32>
    %swap3A_158 = vector.shape_cast %broadcast_in_dim3A_154 : vector<16xf32> to vector<16xf32>
    tpu.vector_store %arg7[%swap3A_155], %swap3A_158 {strides = array<i32>} : memref<640xf32, #tpu.memory_space<vmem>>, vector<16xf32>,
    %broadcast_in_dim3A_159 = arith.constant 0.000000e+00 : f32
    %broadcast_in_dim3A_160 = vector.broadcast %broadcast_in_dim3A_159 : f32 to vector<16xf32>
    %swap3A_161 = arith.constant 288 : index
    %swap3A_162 = tpu.vector_load %arg7[%swap3A_161] {strides = array<i32>} : memref<640xf32, #tpu.memory_space<vmem>>, vector<16xf32>,
    %swap3A_163 = vector.shape_cast %swap3A_162 : vector<16xf32> to vector<16xf32>
    %swap3A_164 = vector.shape_cast %broadcast_in_dim3A_160 : vector<16xf32> to vector<16xf32>
    tpu.vector_store %arg7[%swap3A_161], %swap3A_164 {strides = array<i32>} : memref<640xf32, #tpu.memory_space<vmem>>, vector<16xf32>,
    %broadcast_in_dim3A_165 = arith.constant 0.000000e+00 : f32
    %broadcast_in_dim3A_166 = vector.broadcast %broadcast_in_dim3A_165 : f32 to vector<16xf32>
    %swap3A_167 = arith.constant 304 : index
    %swap3A_168 = tpu.vector_load %arg7[%swap3A_167] {strides = array<i32>} : memref<640xf32, #tpu.memory_space<vmem>>, vector<16xf32>,
    %swap3A_169 = vector.shape_cast %swap3A_168 : vector<16xf32> to vector<16xf32>
    %swap3A_170 = vector.shape_cast %broadcast_in_dim3A_166 : vector<16xf32> to vector<16xf32>
    tpu.vector_store %arg7[%swap3A_167], %swap3A_170 {strides = array<i32>} : memref<640xf32, #tpu.memory_space<vmem>>, vector<16xf32>,
    %broadcast_in_dim3A_171 = arith.constant 0.000000e+00 : f32
    %broadcast_in_dim3A_172 = vector.broadcast %broadcast_in_dim3A_171 : f32 to vector<16xf32>
    %swap3A_173 = arith.constant 320 : index
    %swap3A_174 = tpu.vector_load %arg7[%swap3A_173] {strides = array<i32>} : memref<640xf32, #tpu.memory_space<vmem>>, vector<16xf32>,
    %swap3A_175 = vector.shape_cast %swap3A_174 : vector<16xf32> to vector<16xf32>
    %swap3A_176 = vector.shape_cast %broadcast_in_dim3A_172 : vector<16xf32> to vector<16xf32>
    tpu.vector_store %arg7[%swap3A_173], %swap3A_176 {strides = array<i32>} : memref<640xf32, #tpu.memory_space<vmem>>, vector<16xf32>,
    %broadcast_in_dim3A_177 = arith.constant 0.000000e+00 : f32
    %broadcast_in_dim3A_178 = vector.broadcast %broadcast_in_dim3A_177 : f32 to vector<16xf32>
    %swap3A_179 = arith.constant 336 : index
    %swap3A_180 = tpu.vector_load %arg7[%swap3A_179] {strides = array<i32>} : memref<640xf32, #tpu.memory_space<vmem>>, vector<16xf32>,
    %swap3A_181 = vector.shape_cast %swap3A_180 : vector<16xf32> to vector<16xf32>
    %swap3A_182 = vector.shape_cast %broadcast_in_dim3A_178 : vector<16xf32> to vector<16xf32>
    tpu.vector_store %arg7[%swap3A_179], %swap3A_182 {strides = array<i32>} : memref<640xf32, #tpu.memory_space<vmem>>, vector<16xf32>,
    %broadcast_in_dim3A_183 = arith.constant 0.000000e+00 : f32
    %broadcast_in_dim3A_184 = vector.broadcast %broadcast_in_dim3A_183 : f32 to vector<16xf32>
    %swap3A_185 = arith.constant 352 : index
    %swap3A_186 = tpu.vector_load %arg7[%swap3A_185] {strides = array<i32>} : memref<640xf32, #tpu.memory_space<vmem>>, vector<16xf32>,
    %swap3A_187 = vector.shape_cast %swap3A_186 : vector<16xf32> to vector<16xf32>
    %swap3A_188 = vector.shape_cast %broadcast_in_dim3A_184 : vector<16xf32> to vector<16xf32>
    tpu.vector_store %arg7[%swap3A_185], %swap3A_188 {strides = array<i32>} : memref<640xf32, #tpu.memory_space<vmem>>, vector<16xf32>,
    %broadcast_in_dim3A_189 = arith.constant 0.000000e+00 : f32
    %broadcast_in_dim3A_190 = vector.broadcast %broadcast_in_dim3A_189 : f32 to vector<16xf32>
    %swap3A_191 = arith.constant 368 : index
    %swap3A_192 = tpu.vector_load %arg7[%swap3A_191] {strides = array<i32>} : memref<640xf32, #tpu.memory_space<vmem>>, vector<16xf32>,
    %swap3A_193 = vector.shape_cast %swap3A_192 : vector<16xf32> to vector<16xf32>
    %swap3A_194 = vector.shape_cast %broadcast_in_dim3A_190 : vector<16xf32> to vector<16xf32>
    tpu.vector_store %arg7[%swap3A_191], %swap3A_194 {strides = array<i32>} : memref<640xf32, #tpu.memory_space<vmem>>, vector<16xf32>,
    %broadcast_in_dim3A_195 = arith.constant 0.000000e+00 : f32
    %broadcast_in_dim3A_196 = vector.broadcast %broadcast_in_dim3A_195 : f32 to vector<16xf32>
    %swap3A_197 = arith.constant 384 : index
    %swap3A_198 = tpu.vector_load %arg7[%swap3A_197] {strides = array<i32>} : memref<640xf32, #tpu.memory_space<vmem>>, vector<16xf32>,
    %swap3A_199 = vector.shape_cast %swap3A_198 : vector<16xf32> to vector<16xf32>
    %swap3A_200 = vector.shape_cast %broadcast_in_dim3A_196 : vector<16xf32> to vector<16xf32>
    tpu.vector_store %arg7[%swap3A_197], %swap3A_200 {strides = array<i32>} : memref<640xf32, #tpu.memory_space<vmem>>, vector<16xf32>,
    %broadcast_in_dim3A_201 = arith.constant 0.000000e+00 : f32
    %broadcast_in_dim3A_202 = vector.broadcast %broadcast_in_dim3A_201 : f32 to vector<16xf32>
    %swap3A_203 = arith.constant 400 : index
    %swap3A_204 = tpu.vector_load %arg7[%swap3A_203] {strides = array<i32>} : memref<640xf32, #tpu.memory_space<vmem>>, vector<16xf32>,
    %swap3A_205 = vector.shape_cast %swap3A_204 : vector<16xf32> to vector<16xf32>
    %swap3A_206 = vector.shape_cast %broadcast_in_dim3A_202 : vector<16xf32> to vector<16xf32>
    tpu.vector_store %arg7[%swap3A_203], %swap3A_206 {strides = array<i32>} : memref<640xf32, #tpu.memory_space<vmem>>, vector<16xf32>,
    %broadcast_in_dim3A_207 = arith.constant 0.000000e+00 : f32
    %broadcast_in_dim3A_208 = vector.broadcast %broadcast_in_dim3A_207 : f32 to vector<16xf32>
    %swap3A_209 = arith.constant 416 : index
    %swap3A_210 = tpu.vector_load %arg7[%swap3A_209] {strides = array<i32>} : memref<640xf32, #tpu.memory_space<vmem>>, vector<16xf32>,
    %swap3A_211 = vector.shape_cast %swap3A_210 : vector<16xf32> to vector<16xf32>
    %swap3A_212 = vector.shape_cast %broadcast_in_dim3A_208 : vector<16xf32> to vector<16xf32>
    tpu.vector_store %arg7[%swap3A_209], %swap3A_212 {strides = array<i32>} : memref<640xf32, #tpu.memory_space<vmem>>, vector<16xf32>,
    %broadcast_in_dim3A_213 = arith.constant 0.000000e+00 : f32
    %broadcast_in_dim3A_214 = vector.broadcast %broadcast_in_dim3A_213 : f32 to vector<16xf32>
    %swap3A_215 = arith.constant 432 : index
    %swap3A_216 = tpu.vector_load %arg7[%swap3A_215] {strides = array<i32>} : memref<640xf32, #tpu.memory_space<vmem>>, vector<16xf32>,
    %swap3A_217 = vector.shape_cast %swap3A_216 : vector<16xf32> to vector<16xf32>
    %swap3A_218 = vector.shape_cast %broadcast_in_dim3A_214 : vector<16xf32> to vector<16xf32>
    tpu.vector_store %arg7[%swap3A_215], %swap3A_218 {strides = array<i32>} : memref<640xf32, #tpu.memory_space<vmem>>, vector<16xf32>,
    %broadcast_in_dim3A_219 = arith.constant 0.000000e+00 : f32
    %broadcast_in_dim3A_220 = vector.broadcast %broadcast_in_dim3A_219 : f32 to vector<16xf32>
    %swap3A_221 = arith.constant 448 : index
    %swap3A_222 = tpu.vector_load %arg7[%swap3A_221] {strides = array<i32>} : memref<640xf32, #tpu.memory_space<vmem>>, vector<16xf32>,
    %swap3A_223 = vector.shape_cast %swap3A_222 : vector<16xf32> to vector<16xf32>
    %swap3A_224 = vector.shape_cast %broadcast_in_dim3A_220 : vector<16xf32> to vector<16xf32>
    tpu.vector_store %arg7[%swap3A_221], %swap3A_224 {strides = array<i32>} : memref<640xf32, #tpu.memory_space<vmem>>, vector<16xf32>,
    %broadcast_in_dim3A_225 = arith.constant 0.000000e+00 : f32
    %broadcast_in_dim3A_226 = vector.broadcast %broadcast_in_dim3A_225 : f32 to vector<16xf32>
    %swap3A_227 = arith.constant 464 : index
    %swap3A_228 = tpu.vector_load %arg7[%swap3A_227] {strides = array<i32>} : memref<640xf32, #tpu.memory_space<vmem>>, vector<16xf32>,
    %swap3A_229 = vector.shape_cast %swap3A_228 : vector<16xf32> to vector<16xf32>
    %swap3A_230 = vector.shape_cast %broadcast_in_dim3A_226 : vector<16xf32> to vector<16xf32>
    tpu.vector_store %arg7[%swap3A_227], %swap3A_230 {strides = array<i32>} : memref<640xf32, #tpu.memory_space<vmem>>, vector<16xf32>,
    %broadcast_in_dim3A_231 = arith.constant 0.000000e+00 : f32
    %broadcast_in_dim3A_232 = vector.broadcast %broadcast_in_dim3A_231 : f32 to vector<16xf32>
    %swap3A_233 = arith.constant 480 : index
    %swap3A_234 = tpu.vector_load %arg7[%swap3A_233] {strides = array<i32>} : memref<640xf32, #tpu.memory_space<vmem>>, vector<16xf32>,
    %swap3A_235 = vector.shape_cast %swap3A_234 : vector<16xf32> to vector<16xf32>
    %swap3A_236 = vector.shape_cast %broadcast_in_dim3A_232 : vector<16xf32> to vector<16xf32>
    tpu.vector_store %arg7[%swap3A_233], %swap3A_236 {strides = array<i32>} : memref<640xf32, #tpu.memory_space<vmem>>, vector<16xf32>,
    %broadcast_in_dim3A_237 = arith.constant 0.000000e+00 : f32
    %broadcast_in_dim3A_238 = vector.broadcast %broadcast_in_dim3A_237 : f32 to vector<16xf32>
    %swap3A_239 = arith.constant 496 : index
    %swap3A_240 = tpu.vector_load %arg7[%swap3A_239] {strides = array<i32>} : memref<640xf32, #tpu.memory_space<vmem>>, vector<16xf32>,
    %swap3A_241 = vector.shape_cast %swap3A_240 : vector<16xf32> to vector<16xf32>
    %swap3A_242 = vector.shape_cast %broadcast_in_dim3A_238 : vector<16xf32> to vector<16xf32>
    tpu.vector_store %arg7[%swap3A_239], %swap3A_242 {strides = array<i32>} : memref<640xf32, #tpu.memory_space<vmem>>, vector<16xf32>,
    %broadcast_in_dim3A_243 = arith.constant 0.000000e+00 : f32
    %broadcast_in_dim3A_244 = vector.broadcast %broadcast_in_dim3A_243 : f32 to vector<16xf32>
    %swap3A_245 = arith.constant 512 : index
    %swap3A_246 = tpu.vector_load %arg7[%swap3A_245] {strides = array<i32>} : memref<640xf32, #tpu.memory_space<vmem>>, vector<16xf32>,
    %swap3A_247 = vector.shape_cast %swap3A_246 : vector<16xf32> to vector<16xf32>
    %swap3A_248 = vector.shape_cast %broadcast_in_dim3A_244 : vector<16xf32> to vector<16xf32>
    tpu.vector_store %arg7[%swap3A_245], %swap3A_248 {strides = array<i32>} : memref<640xf32, #tpu.memory_space<vmem>>, vector<16xf32>,
    %broadcast_in_dim3A_249 = arith.constant 0.000000e+00 : f32
    %broadcast_in_dim3A_250 = vector.broadcast %broadcast_in_dim3A_249 : f32 to vector<16xf32>
    %swap3A_251 = arith.constant 528 : index
    %swap3A_252 = tpu.vector_load %arg7[%swap3A_251] {strides = array<i32>} : memref<640xf32, #tpu.memory_space<vmem>>, vector<16xf32>,
    %swap3A_253 = vector.shape_cast %swap3A_252 : vector<16xf32> to vector<16xf32>
    %swap3A_254 = vector.shape_cast %broadcast_in_dim3A_250 : vector<16xf32> to vector<16xf32>
    tpu.vector_store %arg7[%swap3A_251], %swap3A_254 {strides = array<i32>} : memref<640xf32, #tpu.memory_space<vmem>>, vector<16xf32>,
    %broadcast_in_dim3A_255 = arith.constant 0.000000e+00 : f32
    %broadcast_in_dim3A_256 = vector.broadcast %broadcast_in_dim3A_255 : f32 to vector<16xf32>
    %swap3A_257 = arith.constant 544 : index
    %swap3A_258 = tpu.vector_load %arg7[%swap3A_257] {strides = array<i32>} : memref<640xf32, #tpu.memory_space<vmem>>, vector<16xf32>,
    %swap3A_259 = vector.shape_cast %swap3A_258 : vector<16xf32> to vector<16xf32>
    %swap3A_260 = vector.shape_cast %broadcast_in_dim3A_256 : vector<16xf32> to vector<16xf32>
    tpu.vector_store %arg7[%swap3A_257], %swap3A_260 {strides = array<i32>} : memref<640xf32, #tpu.memory_space<vmem>>, vector<16xf32>,
    %broadcast_in_dim3A_261 = arith.constant 0.000000e+00 : f32
    %broadcast_in_dim3A_262 = vector.broadcast %broadcast_in_dim3A_261 : f32 to vector<16xf32>
    %swap3A_263 = arith.constant 560 : index
    %swap3A_264 = tpu.vector_load %arg7[%swap3A_263] {strides = array<i32>} : memref<640xf32, #tpu.memory_space<vmem>>, vector<16xf32>,
    %swap3A_265 = vector.shape_cast %swap3A_264 : vector<16xf32> to vector<16xf32>
    %swap3A_266 = vector.shape_cast %broadcast_in_dim3A_262 : vector<16xf32> to vector<16xf32>
    tpu.vector_store %arg7[%swap3A_263], %swap3A_266 {strides = array<i32>} : memref<640xf32, #tpu.memory_space<vmem>>, vector<16xf32>,
    %broadcast_in_dim3A_267 = arith.constant 0.000000e+00 : f32
    %broadcast_in_dim3A_268 = vector.broadcast %broadcast_in_dim3A_267 : f32 to vector<16xf32>
    %swap3A_269 = arith.constant 576 : index
    %swap3A_270 = tpu.vector_load %arg7[%swap3A_269] {strides = array<i32>} : memref<640xf32, #tpu.memory_space<vmem>>, vector<16xf32>,
    %swap3A_271 = vector.shape_cast %swap3A_270 : vector<16xf32> to vector<16xf32>
    %swap3A_272 = vector.shape_cast %broadcast_in_dim3A_268 : vector<16xf32> to vector<16xf32>
    tpu.vector_store %arg7[%swap3A_269], %swap3A_272 {strides = array<i32>} : memref<640xf32, #tpu.memory_space<vmem>>, vector<16xf32>,
    %broadcast_in_dim3A_273 = arith.constant 0.000000e+00 : f32
    %broadcast_in_dim3A_274 = vector.broadcast %broadcast_in_dim3A_273 : f32 to vector<16xf32>
    %swap3A_275 = arith.constant 592 : index
    %swap3A_276 = tpu.vector_load %arg7[%swap3A_275] {strides = array<i32>} : memref<640xf32, #tpu.memory_space<vmem>>, vector<16xf32>,
    %swap3A_277 = vector.shape_cast %swap3A_276 : vector<16xf32> to vector<16xf32>
    %swap3A_278 = vector.shape_cast %broadcast_in_dim3A_274 : vector<16xf32> to vector<16xf32>
    tpu.vector_store %arg7[%swap3A_275], %swap3A_278 {strides = array<i32>} : memref<640xf32, #tpu.memory_space<vmem>>, vector<16xf32>,
    %broadcast_in_dim3A_279 = arith.constant 0.000000e+00 : f32
    %broadcast_in_dim3A_280 = vector.broadcast %broadcast_in_dim3A_279 : f32 to vector<16xf32>
    %swap3A_281 = arith.constant 608 : index
    %swap3A_282 = tpu.vector_load %arg7[%swap3A_281] {strides = array<i32>} : memref<640xf32, #tpu.memory_space<vmem>>, vector<16xf32>,
    %swap3A_283 = vector.shape_cast %swap3A_282 : vector<16xf32> to vector<16xf32>
    %swap3A_284 = vector.shape_cast %broadcast_in_dim3A_280 : vector<16xf32> to vector<16xf32>
    tpu.vector_store %arg7[%swap3A_281], %swap3A_284 {strides = array<i32>} : memref<640xf32, #tpu.memory_space<vmem>>, vector<16xf32>,
    %broadcast_in_dim3A_285 = arith.constant 0.000000e+00 : f32
    %broadcast_in_dim3A_286 = vector.broadcast %broadcast_in_dim3A_285 : f32 to vector<16xf32>
    %swap3A_287 = arith.constant 624 : index
    %swap3A_288 = tpu.vector_load %arg7[%swap3A_287] {strides = array<i32>} : memref<640xf32, #tpu.memory_space<vmem>>, vector<16xf32>,
    %swap3A_289 = vector.shape_cast %swap3A_288 : vector<16xf32> to vector<16xf32>
    %swap3A_290 = vector.shape_cast %broadcast_in_dim3A_286 : vector<16xf32> to vector<16xf32>
    tpu.vector_store %arg7[%swap3A_287], %swap3A_290 {strides = array<i32>} : memref<640xf32, #tpu.memory_space<vmem>>, vector<16xf32>,
    "tpu.region"() ({
      %run_scoped3A = tpu.sem_alloc : memref<!tpu.dma_semaphore, #tpu.memory_space<semaphore_mem>>
      %dma_start3A = arith.constant 0 : i32
      %dma_start3A_344 = tpu.memref_slice %arg2[%mul3A_2, %dma_start3A] : memref<2560x128xi32, #tpu.memory_space<hbm>> -> memref<80x128xi32, #tpu.memory_space<hbm>>
      %dma_start3A_345 = arith.constant 0 : i32
      %dma_start3A_346 = tpu.memref_slice %arg2[%mul3A_2, %dma_start3A_345] : memref<2560x128xi32, #tpu.memory_space<hbm>> -> memref<80x128xi32, #tpu.memory_space<hbm>>
      tpu.enqueue_dma source(%dma_start3A_346 : memref<80x128xi32, #tpu.memory_space<hbm>>) target(%arg4 : memref<80x128xi32, #tpu.memory_space<vmem>>) target_semaphore(%run_scoped3A : memref<!tpu.dma_semaphore, #tpu.memory_space<semaphore_mem>>)
      %dma_wait3A_347 = arith.constant 0 : i32
      %dma_wait3A_348 = tpu.memref_slice %arg2[%mul3A_2, %dma_wait3A_347] : memref<2560x128xi32, #tpu.memory_space<hbm>> -> memref<80x128xi32, #tpu.memory_space<hbm>>
      %dma_wait3A_349 = arith.constant 0 : i32
      %dma_wait3A_350 = tpu.memref_slice %arg2[%mul3A_2, %dma_wait3A_349] : memref<2560x128xi32, #tpu.memory_space<hbm>> -> memref<80x128xi32, #tpu.memory_space<hbm>>
      tpu.wait_dma2 semaphore(%run_scoped3A : memref<!tpu.dma_semaphore, #tpu.memory_space<semaphore_mem>>) src(%dma_wait3A_350 : memref<80x128xi32, #tpu.memory_space<hbm>>) dst(%arg4 : memref<80x128xi32, #tpu.memory_space<vmem>>)
      tpu.yield
    }) : () -> ()
    "tpu.region"() ({
      %run_scoped3A = tpu.sem_alloc : memref<!tpu.dma_semaphore, #tpu.memory_space<semaphore_mem>>
      %dma_start3A = tpu.memref_slice %arg6[%mul3A_4] : memref<10240xf32, #tpu.memory_space<vmem_shared>> -> memref<640xf32, #tpu.memory_space<vmem_shared>>
      %dma_start3A_344 = tpu.memref_slice %arg6[%mul3A_4] : memref<10240xf32, #tpu.memory_space<vmem_shared>> -> memref<640xf32, #tpu.memory_space<vmem_shared>>
      tpu.enqueue_dma source(%arg7 : memref<640xf32, #tpu.memory_space<vmem>>) target(%dma_start3A_344 : memref<640xf32, #tpu.memory_space<vmem_shared>>) target_semaphore(%run_scoped3A : memref<!tpu.dma_semaphore, #tpu.memory_space<semaphore_mem>>)
      %dma_wait3A_345 = tpu.memref_slice %arg6[%mul3A_4] : memref<10240xf32, #tpu.memory_space<vmem_shared>> -> memref<640xf32, #tpu.memory_space<vmem_shared>>
      %dma_wait3A_346 = tpu.memref_slice %arg6[%mul3A_4] : memref<10240xf32, #tpu.memory_space<vmem_shared>> -> memref<640xf32, #tpu.memory_space<vmem_shared>>
      tpu.wait_dma2 semaphore(%run_scoped3A : memref<!tpu.dma_semaphore, #tpu.memory_space<semaphore_mem>>) src(%arg7 : memref<640xf32, #tpu.memory_space<vmem>>) dst(%dma_wait3A_346 : memref<640xf32, #tpu.memory_space<vmem_shared>>)
      tpu.yield
    }) : () -> ()
    %barrier3A = arith.constant 0 : index
    tpu.barrier barrier_id(%barrier3A)
    %scan3A = arith.constant 0 : i32
    %scan3A_291 = arith.constant 0 : i32
    %scan3A_292 = arith.constant 10 : i32
    %scan3A_293 = arith.addi %scan3A_291, %scan3A_292 : i32
    %scan3A_294 = arith.constant 1 : i32
    scf.for %scan3A_344 = %scan3A_291 to %scan3A_293 step %scan3A_294  : i32 {
      %gt3A = arith.constant 0 : i32
      %gt3A_345 = arith.cmpi sgt, %scan3A_344, %gt3A : i32
      %convert_element_type3A = arith.extui %gt3A_345 : i1 to i32
      %cond3A = arith.constant 0 : i32
      %cond3A_346 = arith.cmpi ne, %convert_element_type3A, %cond3A : i32
      scf.if %cond3A_346 {
        %dma_wait3A_453 = arith.constant 0 : i32
        %dma_wait3A_454 = arith.constant 0 : i32
        %dma_wait3A_455 = tpu.memref_slice %arg4[%dma_wait3A_453, %dma_wait3A_454] : memref<80x128xi32, #tpu.memory_space<vmem>> -> memref<1x128xi32, #tpu.memory_space<vmem>>
        %dma_wait3A_456 = tpu.memref_squeeze %dma_wait3A_455 : memref<1x128xi32, #tpu.memory_space<vmem>> -> memref<128xi32, #tpu.memory_space<vmem>>
        %dma_wait3A_457 = arith.constant 0 : i32
        %dma_wait3A_458 = tpu.memref_slice %arg6[%dma_wait3A_457] : memref<10240xf32, #tpu.memory_space<vmem_shared>> -> memref<10240xf32, #tpu.memory_space<vmem_shared>>
        tpu.wait_indirect_dma semaphore(%arg8 : memref<!tpu.dma_semaphore, #tpu.memory_space<semaphore_mem>>) src(%arg5 : memref<128xf32, #tpu.memory_space<vmem>>) dst(%dma_wait3A_458 : memref<10240xf32, #tpu.memory_space<vmem_shared>>)
      } else {
      }
      %mul3A_347 = arith.constant 8 : i32
      %mul3A_348 = arith.muli %scan3A_344, %mul3A_347 : i32
      %add3A_349 = arith.constant 0 : i32
      %add3A_350 = arith.addi %mul3A_348, %add3A_349 : i32
      %dma_start3A = arith.constant 0 : i32
      %dma_start3A_351 = tpu.memref_slice %arg4[%add3A_350, %dma_start3A] : memref<80x128xi32, #tpu.memory_space<vmem>> -> memref<1x128xi32, #tpu.memory_space<vmem>>
      %dma_start3A_352 = tpu.memref_squeeze %dma_start3A_351 : memref<1x128xi32, #tpu.memory_space<vmem>> -> memref<128xi32, #tpu.memory_space<vmem>>
      %dma_start3A_353 = arith.constant 0 : i32
      %dma_start3A_354 = tpu.memref_slice %arg6[%dma_start3A_353] : memref<10240xf32, #tpu.memory_space<vmem_shared>> -> memref<10240xf32, #tpu.memory_space<vmem_shared>>
      tpu.enqueue_indirect_dma source(%arg5 : memref<128xf32, #tpu.memory_space<vmem>>) target(%dma_start3A_354 : memref<10240xf32, #tpu.memory_space<vmem_shared>>) offsets(%dma_start3A_352 : memref<128xi32, #tpu.memory_space<vmem>>) semaphore(%arg8 : memref<!tpu.dma_semaphore, #tpu.memory_space<semaphore_mem>>) {add = true}
      %gt3A_355 = arith.constant 0 : i32
      %gt3A_356 = arith.cmpi sgt, %scan3A_344, %gt3A_355 : i32
      %convert_element_type3A_357 = arith.extui %gt3A_356 : i1 to i32
      %cond3A_358 = arith.constant 0 : i32
      %cond3A_359 = arith.cmpi ne, %convert_element_type3A_357, %cond3A_358 : i32
      scf.if %cond3A_359 {
        %dma_wait3A_453 = arith.constant 0 : i32
        %dma_wait3A_454 = arith.constant 0 : i32
        %dma_wait3A_455 = tpu.memref_slice %arg4[%dma_wait3A_453, %dma_wait3A_454] : memref<80x128xi32, #tpu.memory_space<vmem>> -> memref<1x128xi32, #tpu.memory_space<vmem>>
        %dma_wait3A_456 = tpu.memref_squeeze %dma_wait3A_455 : memref<1x128xi32, #tpu.memory_space<vmem>> -> memref<128xi32, #tpu.memory_space<vmem>>
        %dma_wait3A_457 = arith.constant 0 : i32
        %dma_wait3A_458 = tpu.memref_slice %arg6[%dma_wait3A_457] : memref<10240xf32, #tpu.memory_space<vmem_shared>> -> memref<10240xf32, #tpu.memory_space<vmem_shared>>
        tpu.wait_indirect_dma semaphore(%arg9 : memref<!tpu.dma_semaphore, #tpu.memory_space<semaphore_mem>>) src(%arg5 : memref<128xf32, #tpu.memory_space<vmem>>) dst(%dma_wait3A_458 : memref<10240xf32, #tpu.memory_space<vmem_shared>>)
      } else {
      }
      %mul3A_360 = arith.constant 8 : i32
      %mul3A_361 = arith.muli %scan3A_344, %mul3A_360 : i32
      %add3A_362 = arith.constant 1 : i32
      %add3A_363 = arith.addi %mul3A_361, %add3A_362 : i32
      %dma_start3A_364 = arith.constant 0 : i32
      %dma_start3A_365 = tpu.memref_slice %arg4[%add3A_363, %dma_start3A_364] : memref<80x128xi32, #tpu.memory_space<vmem>> -> memref<1x128xi32, #tpu.memory_space<vmem>>
      %dma_start3A_366 = tpu.memref_squeeze %dma_start3A_365 : memref<1x128xi32, #tpu.memory_space<vmem>> -> memref<128xi32, #tpu.memory_space<vmem>>
      %dma_start3A_367 = arith.constant 0 : i32
      %dma_start3A_368 = tpu.memref_slice %arg6[%dma_start3A_367] : memref<10240xf32, #tpu.memory_space<vmem_shared>> -> memref<10240xf32, #tpu.memory_space<vmem_shared>>
      tpu.enqueue_indirect_dma source(%arg5 : memref<128xf32, #tpu.memory_space<vmem>>) target(%dma_start3A_368 : memref<10240xf32, #tpu.memory_space<vmem_shared>>) offsets(%dma_start3A_366 : memref<128xi32, #tpu.memory_space<vmem>>) semaphore(%arg9 : memref<!tpu.dma_semaphore, #tpu.memory_space<semaphore_mem>>) {add = true}
      %gt3A_369 = arith.constant 0 : i32
      %gt3A_370 = arith.cmpi sgt, %scan3A_344, %gt3A_369 : i32
      %convert_element_type3A_371 = arith.extui %gt3A_370 : i1 to i32
      %cond3A_372 = arith.constant 0 : i32
      %cond3A_373 = arith.cmpi ne, %convert_element_type3A_371, %cond3A_372 : i32
      scf.if %cond3A_373 {
        %dma_wait3A_453 = arith.constant 0 : i32
        %dma_wait3A_454 = arith.constant 0 : i32
        %dma_wait3A_455 = tpu.memref_slice %arg4[%dma_wait3A_453, %dma_wait3A_454] : memref<80x128xi32, #tpu.memory_space<vmem>> -> memref<1x128xi32, #tpu.memory_space<vmem>>
        %dma_wait3A_456 = tpu.memref_squeeze %dma_wait3A_455 : memref<1x128xi32, #tpu.memory_space<vmem>> -> memref<128xi32, #tpu.memory_space<vmem>>
        %dma_wait3A_457 = arith.constant 0 : i32
        %dma_wait3A_458 = tpu.memref_slice %arg6[%dma_wait3A_457] : memref<10240xf32, #tpu.memory_space<vmem_shared>> -> memref<10240xf32, #tpu.memory_space<vmem_shared>>
        tpu.wait_indirect_dma semaphore(%arg10 : memref<!tpu.dma_semaphore, #tpu.memory_space<semaphore_mem>>) src(%arg5 : memref<128xf32, #tpu.memory_space<vmem>>) dst(%dma_wait3A_458 : memref<10240xf32, #tpu.memory_space<vmem_shared>>)
      } else {
      }
      %mul3A_374 = arith.constant 8 : i32
      %mul3A_375 = arith.muli %scan3A_344, %mul3A_374 : i32
      %add3A_376 = arith.constant 2 : i32
      %add3A_377 = arith.addi %mul3A_375, %add3A_376 : i32
      %dma_start3A_378 = arith.constant 0 : i32
      %dma_start3A_379 = tpu.memref_slice %arg4[%add3A_377, %dma_start3A_378] : memref<80x128xi32, #tpu.memory_space<vmem>> -> memref<1x128xi32, #tpu.memory_space<vmem>>
      %dma_start3A_380 = tpu.memref_squeeze %dma_start3A_379 : memref<1x128xi32, #tpu.memory_space<vmem>> -> memref<128xi32, #tpu.memory_space<vmem>>
      %dma_start3A_381 = arith.constant 0 : i32
      %dma_start3A_382 = tpu.memref_slice %arg6[%dma_start3A_381] : memref<10240xf32, #tpu.memory_space<vmem_shared>> -> memref<10240xf32, #tpu.memory_space<vmem_shared>>
      tpu.enqueue_indirect_dma source(%arg5 : memref<128xf32, #tpu.memory_space<vmem>>) target(%dma_start3A_382 : memref<10240xf32, #tpu.memory_space<vmem_shared>>) offsets(%dma_start3A_380 : memref<128xi32, #tpu.memory_space<vmem>>) semaphore(%arg10 : memref<!tpu.dma_semaphore, #tpu.memory_space<semaphore_mem>>) {add = true}
      %gt3A_383 = arith.constant 0 : i32
      %gt3A_384 = arith.cmpi sgt, %scan3A_344, %gt3A_383 : i32
      %convert_element_type3A_385 = arith.extui %gt3A_384 : i1 to i32
      %cond3A_386 = arith.constant 0 : i32
      %cond3A_387 = arith.cmpi ne, %convert_element_type3A_385, %cond3A_386 : i32
      scf.if %cond3A_387 {
        %dma_wait3A_453 = arith.constant 0 : i32
        %dma_wait3A_454 = arith.constant 0 : i32
        %dma_wait3A_455 = tpu.memref_slice %arg4[%dma_wait3A_453, %dma_wait3A_454] : memref<80x128xi32, #tpu.memory_space<vmem>> -> memref<1x128xi32, #tpu.memory_space<vmem>>
        %dma_wait3A_456 = tpu.memref_squeeze %dma_wait3A_455 : memref<1x128xi32, #tpu.memory_space<vmem>> -> memref<128xi32, #tpu.memory_space<vmem>>
        %dma_wait3A_457 = arith.constant 0 : i32
        %dma_wait3A_458 = tpu.memref_slice %arg6[%dma_wait3A_457] : memref<10240xf32, #tpu.memory_space<vmem_shared>> -> memref<10240xf32, #tpu.memory_space<vmem_shared>>
        tpu.wait_indirect_dma semaphore(%arg11 : memref<!tpu.dma_semaphore, #tpu.memory_space<semaphore_mem>>) src(%arg5 : memref<128xf32, #tpu.memory_space<vmem>>) dst(%dma_wait3A_458 : memref<10240xf32, #tpu.memory_space<vmem_shared>>)
      } else {
      }
      %mul3A_388 = arith.constant 8 : i32
      %mul3A_389 = arith.muli %scan3A_344, %mul3A_388 : i32
      %add3A_390 = arith.constant 3 : i32
      %add3A_391 = arith.addi %mul3A_389, %add3A_390 : i32
      %dma_start3A_392 = arith.constant 0 : i32
      %dma_start3A_393 = tpu.memref_slice %arg4[%add3A_391, %dma_start3A_392] : memref<80x128xi32, #tpu.memory_space<vmem>> -> memref<1x128xi32, #tpu.memory_space<vmem>>
      %dma_start3A_394 = tpu.memref_squeeze %dma_start3A_393 : memref<1x128xi32, #tpu.memory_space<vmem>> -> memref<128xi32, #tpu.memory_space<vmem>>
      %dma_start3A_395 = arith.constant 0 : i32
      %dma_start3A_396 = tpu.memref_slice %arg6[%dma_start3A_395] : memref<10240xf32, #tpu.memory_space<vmem_shared>> -> memref<10240xf32, #tpu.memory_space<vmem_shared>>
      tpu.enqueue_indirect_dma source(%arg5 : memref<128xf32, #tpu.memory_space<vmem>>) target(%dma_start3A_396 : memref<10240xf32, #tpu.memory_space<vmem_shared>>) offsets(%dma_start3A_394 : memref<128xi32, #tpu.memory_space<vmem>>) semaphore(%arg11 : memref<!tpu.dma_semaphore, #tpu.memory_space<semaphore_mem>>) {add = true}
      %gt3A_397 = arith.constant 0 : i32
      %gt3A_398 = arith.cmpi sgt, %scan3A_344, %gt3A_397 : i32
      %convert_element_type3A_399 = arith.extui %gt3A_398 : i1 to i32
      %cond3A_400 = arith.constant 0 : i32
      %cond3A_401 = arith.cmpi ne, %convert_element_type3A_399, %cond3A_400 : i32
      scf.if %cond3A_401 {
        %dma_wait3A_453 = arith.constant 0 : i32
        %dma_wait3A_454 = arith.constant 0 : i32
        %dma_wait3A_455 = tpu.memref_slice %arg4[%dma_wait3A_453, %dma_wait3A_454] : memref<80x128xi32, #tpu.memory_space<vmem>> -> memref<1x128xi32, #tpu.memory_space<vmem>>
        %dma_wait3A_456 = tpu.memref_squeeze %dma_wait3A_455 : memref<1x128xi32, #tpu.memory_space<vmem>> -> memref<128xi32, #tpu.memory_space<vmem>>
        %dma_wait3A_457 = arith.constant 0 : i32
        %dma_wait3A_458 = tpu.memref_slice %arg6[%dma_wait3A_457] : memref<10240xf32, #tpu.memory_space<vmem_shared>> -> memref<10240xf32, #tpu.memory_space<vmem_shared>>
        tpu.wait_indirect_dma semaphore(%arg12 : memref<!tpu.dma_semaphore, #tpu.memory_space<semaphore_mem>>) src(%arg5 : memref<128xf32, #tpu.memory_space<vmem>>) dst(%dma_wait3A_458 : memref<10240xf32, #tpu.memory_space<vmem_shared>>)
      } else {
      }
      %mul3A_402 = arith.constant 8 : i32
      %mul3A_403 = arith.muli %scan3A_344, %mul3A_402 : i32
      %add3A_404 = arith.constant 4 : i32
      %add3A_405 = arith.addi %mul3A_403, %add3A_404 : i32
      %dma_start3A_406 = arith.constant 0 : i32
      %dma_start3A_407 = tpu.memref_slice %arg4[%add3A_405, %dma_start3A_406] : memref<80x128xi32, #tpu.memory_space<vmem>> -> memref<1x128xi32, #tpu.memory_space<vmem>>
      %dma_start3A_408 = tpu.memref_squeeze %dma_start3A_407 : memref<1x128xi32, #tpu.memory_space<vmem>> -> memref<128xi32, #tpu.memory_space<vmem>>
      %dma_start3A_409 = arith.constant 0 : i32
      %dma_start3A_410 = tpu.memref_slice %arg6[%dma_start3A_409] : memref<10240xf32, #tpu.memory_space<vmem_shared>> -> memref<10240xf32, #tpu.memory_space<vmem_shared>>
      tpu.enqueue_indirect_dma source(%arg5 : memref<128xf32, #tpu.memory_space<vmem>>) target(%dma_start3A_410 : memref<10240xf32, #tpu.memory_space<vmem_shared>>) offsets(%dma_start3A_408 : memref<128xi32, #tpu.memory_space<vmem>>) semaphore(%arg12 : memref<!tpu.dma_semaphore, #tpu.memory_space<semaphore_mem>>) {add = true}
      %gt3A_411 = arith.constant 0 : i32
      %gt3A_412 = arith.cmpi sgt, %scan3A_344, %gt3A_411 : i32
      %convert_element_type3A_413 = arith.extui %gt3A_412 : i1 to i32
      %cond3A_414 = arith.constant 0 : i32
      %cond3A_415 = arith.cmpi ne, %convert_element_type3A_413, %cond3A_414 : i32
      scf.if %cond3A_415 {
        %dma_wait3A_453 = arith.constant 0 : i32
        %dma_wait3A_454 = arith.constant 0 : i32
        %dma_wait3A_455 = tpu.memref_slice %arg4[%dma_wait3A_453, %dma_wait3A_454] : memref<80x128xi32, #tpu.memory_space<vmem>> -> memref<1x128xi32, #tpu.memory_space<vmem>>
        %dma_wait3A_456 = tpu.memref_squeeze %dma_wait3A_455 : memref<1x128xi32, #tpu.memory_space<vmem>> -> memref<128xi32, #tpu.memory_space<vmem>>
        %dma_wait3A_457 = arith.constant 0 : i32
        %dma_wait3A_458 = tpu.memref_slice %arg6[%dma_wait3A_457] : memref<10240xf32, #tpu.memory_space<vmem_shared>> -> memref<10240xf32, #tpu.memory_space<vmem_shared>>
        tpu.wait_indirect_dma semaphore(%arg13 : memref<!tpu.dma_semaphore, #tpu.memory_space<semaphore_mem>>) src(%arg5 : memref<128xf32, #tpu.memory_space<vmem>>) dst(%dma_wait3A_458 : memref<10240xf32, #tpu.memory_space<vmem_shared>>)
      } else {
      }
      %mul3A_416 = arith.constant 8 : i32
      %mul3A_417 = arith.muli %scan3A_344, %mul3A_416 : i32
      %add3A_418 = arith.constant 5 : i32
      %add3A_419 = arith.addi %mul3A_417, %add3A_418 : i32
      %dma_start3A_420 = arith.constant 0 : i32
      %dma_start3A_421 = tpu.memref_slice %arg4[%add3A_419, %dma_start3A_420] : memref<80x128xi32, #tpu.memory_space<vmem>> -> memref<1x128xi32, #tpu.memory_space<vmem>>
      %dma_start3A_422 = tpu.memref_squeeze %dma_start3A_421 : memref<1x128xi32, #tpu.memory_space<vmem>> -> memref<128xi32, #tpu.memory_space<vmem>>
      %dma_start3A_423 = arith.constant 0 : i32
      %dma_start3A_424 = tpu.memref_slice %arg6[%dma_start3A_423] : memref<10240xf32, #tpu.memory_space<vmem_shared>> -> memref<10240xf32, #tpu.memory_space<vmem_shared>>
      tpu.enqueue_indirect_dma source(%arg5 : memref<128xf32, #tpu.memory_space<vmem>>) target(%dma_start3A_424 : memref<10240xf32, #tpu.memory_space<vmem_shared>>) offsets(%dma_start3A_422 : memref<128xi32, #tpu.memory_space<vmem>>) semaphore(%arg13 : memref<!tpu.dma_semaphore, #tpu.memory_space<semaphore_mem>>) {add = true}
      %gt3A_425 = arith.constant 0 : i32
      %gt3A_426 = arith.cmpi sgt, %scan3A_344, %gt3A_425 : i32
      %convert_element_type3A_427 = arith.extui %gt3A_426 : i1 to i32
      %cond3A_428 = arith.constant 0 : i32
      %cond3A_429 = arith.cmpi ne, %convert_element_type3A_427, %cond3A_428 : i32
      scf.if %cond3A_429 {
        %dma_wait3A_453 = arith.constant 0 : i32
        %dma_wait3A_454 = arith.constant 0 : i32
        %dma_wait3A_455 = tpu.memref_slice %arg4[%dma_wait3A_453, %dma_wait3A_454] : memref<80x128xi32, #tpu.memory_space<vmem>> -> memref<1x128xi32, #tpu.memory_space<vmem>>
        %dma_wait3A_456 = tpu.memref_squeeze %dma_wait3A_455 : memref<1x128xi32, #tpu.memory_space<vmem>> -> memref<128xi32, #tpu.memory_space<vmem>>
        %dma_wait3A_457 = arith.constant 0 : i32
        %dma_wait3A_458 = tpu.memref_slice %arg6[%dma_wait3A_457] : memref<10240xf32, #tpu.memory_space<vmem_shared>> -> memref<10240xf32, #tpu.memory_space<vmem_shared>>
        tpu.wait_indirect_dma semaphore(%arg14 : memref<!tpu.dma_semaphore, #tpu.memory_space<semaphore_mem>>) src(%arg5 : memref<128xf32, #tpu.memory_space<vmem>>) dst(%dma_wait3A_458 : memref<10240xf32, #tpu.memory_space<vmem_shared>>)
      } else {
      }
      %mul3A_430 = arith.constant 8 : i32
      %mul3A_431 = arith.muli %scan3A_344, %mul3A_430 : i32
      %add3A_432 = arith.constant 6 : i32
      %add3A_433 = arith.addi %mul3A_431, %add3A_432 : i32
      %dma_start3A_434 = arith.constant 0 : i32
      %dma_start3A_435 = tpu.memref_slice %arg4[%add3A_433, %dma_start3A_434] : memref<80x128xi32, #tpu.memory_space<vmem>> -> memref<1x128xi32, #tpu.memory_space<vmem>>
      %dma_start3A_436 = tpu.memref_squeeze %dma_start3A_435 : memref<1x128xi32, #tpu.memory_space<vmem>> -> memref<128xi32, #tpu.memory_space<vmem>>
      %dma_start3A_437 = arith.constant 0 : i32
      %dma_start3A_438 = tpu.memref_slice %arg6[%dma_start3A_437] : memref<10240xf32, #tpu.memory_space<vmem_shared>> -> memref<10240xf32, #tpu.memory_space<vmem_shared>>
      tpu.enqueue_indirect_dma source(%arg5 : memref<128xf32, #tpu.memory_space<vmem>>) target(%dma_start3A_438 : memref<10240xf32, #tpu.memory_space<vmem_shared>>) offsets(%dma_start3A_436 : memref<128xi32, #tpu.memory_space<vmem>>) semaphore(%arg14 : memref<!tpu.dma_semaphore, #tpu.memory_space<semaphore_mem>>) {add = true}
      %gt3A_439 = arith.constant 0 : i32
      %gt3A_440 = arith.cmpi sgt, %scan3A_344, %gt3A_439 : i32
      %convert_element_type3A_441 = arith.extui %gt3A_440 : i1 to i32
      %cond3A_442 = arith.constant 0 : i32
      %cond3A_443 = arith.cmpi ne, %convert_element_type3A_441, %cond3A_442 : i32
      scf.if %cond3A_443 {
        %dma_wait3A_453 = arith.constant 0 : i32
        %dma_wait3A_454 = arith.constant 0 : i32
        %dma_wait3A_455 = tpu.memref_slice %arg4[%dma_wait3A_453, %dma_wait3A_454] : memref<80x128xi32, #tpu.memory_space<vmem>> -> memref<1x128xi32, #tpu.memory_space<vmem>>
        %dma_wait3A_456 = tpu.memref_squeeze %dma_wait3A_455 : memref<1x128xi32, #tpu.memory_space<vmem>> -> memref<128xi32, #tpu.memory_space<vmem>>
        %dma_wait3A_457 = arith.constant 0 : i32
        %dma_wait3A_458 = tpu.memref_slice %arg6[%dma_wait3A_457] : memref<10240xf32, #tpu.memory_space<vmem_shared>> -> memref<10240xf32, #tpu.memory_space<vmem_shared>>
        tpu.wait_indirect_dma semaphore(%arg15 : memref<!tpu.dma_semaphore, #tpu.memory_space<semaphore_mem>>) src(%arg5 : memref<128xf32, #tpu.memory_space<vmem>>) dst(%dma_wait3A_458 : memref<10240xf32, #tpu.memory_space<vmem_shared>>)
      } else {
      }
      %mul3A_444 = arith.constant 8 : i32
      %mul3A_445 = arith.muli %scan3A_344, %mul3A_444 : i32
      %add3A_446 = arith.constant 7 : i32
      %add3A_447 = arith.addi %mul3A_445, %add3A_446 : i32
      %dma_start3A_448 = arith.constant 0 : i32
      %dma_start3A_449 = tpu.memref_slice %arg4[%add3A_447, %dma_start3A_448] : memref<80x128xi32, #tpu.memory_space<vmem>> -> memref<1x128xi32, #tpu.memory_space<vmem>>
      %dma_start3A_450 = tpu.memref_squeeze %dma_start3A_449 : memref<1x128xi32, #tpu.memory_space<vmem>> -> memref<128xi32, #tpu.memory_space<vmem>>
      %dma_start3A_451 = arith.constant 0 : i32
      %dma_start3A_452 = tpu.memref_slice %arg6[%dma_start3A_451] : memref<10240xf32, #tpu.memory_space<vmem_shared>> -> memref<10240xf32, #tpu.memory_space<vmem_shared>>
      tpu.enqueue_indirect_dma source(%arg5 : memref<128xf32, #tpu.memory_space<vmem>>) target(%dma_start3A_452 : memref<10240xf32, #tpu.memory_space<vmem_shared>>) offsets(%dma_start3A_450 : memref<128xi32, #tpu.memory_space<vmem>>) semaphore(%arg15 : memref<!tpu.dma_semaphore, #tpu.memory_space<semaphore_mem>>) {add = true}
    }
    %scan3A_295 = arith.constant 10 : i32
    %dma_wait3A = arith.constant 0 : i32
    %dma_wait3A_296 = arith.constant 0 : i32
    %dma_wait3A_297 = tpu.memref_slice %arg4[%dma_wait3A, %dma_wait3A_296] : memref<80x128xi32, #tpu.memory_space<vmem>> -> memref<1x128xi32, #tpu.memory_space<vmem>>
    %dma_wait3A_298 = tpu.memref_squeeze %dma_wait3A_297 : memref<1x128xi32, #tpu.memory_space<vmem>> -> memref<128xi32, #tpu.memory_space<vmem>>
    %dma_wait3A_299 = arith.constant 0 : i32
    %dma_wait3A_300 = tpu.memref_slice %arg6[%dma_wait3A_299] : memref<10240xf32, #tpu.memory_space<vmem_shared>> -> memref<10240xf32, #tpu.memory_space<vmem_shared>>
    tpu.wait_indirect_dma semaphore(%arg8 : memref<!tpu.dma_semaphore, #tpu.memory_space<semaphore_mem>>) src(%arg5 : memref<128xf32, #tpu.memory_space<vmem>>) dst(%dma_wait3A_300 : memref<10240xf32, #tpu.memory_space<vmem_shared>>)
    %dma_wait3A_301 = arith.constant 0 : i32
    %dma_wait3A_302 = arith.constant 0 : i32
    %dma_wait3A_303 = tpu.memref_slice %arg4[%dma_wait3A_301, %dma_wait3A_302] : memref<80x128xi32, #tpu.memory_space<vmem>> -> memref<1x128xi32, #tpu.memory_space<vmem>>
    %dma_wait3A_304 = tpu.memref_squeeze %dma_wait3A_303 : memref<1x128xi32, #tpu.memory_space<vmem>> -> memref<128xi32, #tpu.memory_space<vmem>>
    %dma_wait3A_305 = arith.constant 0 : i32
    %dma_wait3A_306 = tpu.memref_slice %arg6[%dma_wait3A_305] : memref<10240xf32, #tpu.memory_space<vmem_shared>> -> memref<10240xf32, #tpu.memory_space<vmem_shared>>
    tpu.wait_indirect_dma semaphore(%arg9 : memref<!tpu.dma_semaphore, #tpu.memory_space<semaphore_mem>>) src(%arg5 : memref<128xf32, #tpu.memory_space<vmem>>) dst(%dma_wait3A_306 : memref<10240xf32, #tpu.memory_space<vmem_shared>>)
    %dma_wait3A_307 = arith.constant 0 : i32
    %dma_wait3A_308 = arith.constant 0 : i32
    %dma_wait3A_309 = tpu.memref_slice %arg4[%dma_wait3A_307, %dma_wait3A_308] : memref<80x128xi32, #tpu.memory_space<vmem>> -> memref<1x128xi32, #tpu.memory_space<vmem>>
    %dma_wait3A_310 = tpu.memref_squeeze %dma_wait3A_309 : memref<1x128xi32, #tpu.memory_space<vmem>> -> memref<128xi32, #tpu.memory_space<vmem>>
    %dma_wait3A_311 = arith.constant 0 : i32
    %dma_wait3A_312 = tpu.memref_slice %arg6[%dma_wait3A_311] : memref<10240xf32, #tpu.memory_space<vmem_shared>> -> memref<10240xf32, #tpu.memory_space<vmem_shared>>
    tpu.wait_indirect_dma semaphore(%arg10 : memref<!tpu.dma_semaphore, #tpu.memory_space<semaphore_mem>>) src(%arg5 : memref<128xf32, #tpu.memory_space<vmem>>) dst(%dma_wait3A_312 : memref<10240xf32, #tpu.memory_space<vmem_shared>>)
    %dma_wait3A_313 = arith.constant 0 : i32
    %dma_wait3A_314 = arith.constant 0 : i32
    %dma_wait3A_315 = tpu.memref_slice %arg4[%dma_wait3A_313, %dma_wait3A_314] : memref<80x128xi32, #tpu.memory_space<vmem>> -> memref<1x128xi32, #tpu.memory_space<vmem>>
    %dma_wait3A_316 = tpu.memref_squeeze %dma_wait3A_315 : memref<1x128xi32, #tpu.memory_space<vmem>> -> memref<128xi32, #tpu.memory_space<vmem>>
    %dma_wait3A_317 = arith.constant 0 : i32
    %dma_wait3A_318 = tpu.memref_slice %arg6[%dma_wait3A_317] : memref<10240xf32, #tpu.memory_space<vmem_shared>> -> memref<10240xf32, #tpu.memory_space<vmem_shared>>
    tpu.wait_indirect_dma semaphore(%arg11 : memref<!tpu.dma_semaphore, #tpu.memory_space<semaphore_mem>>) src(%arg5 : memref<128xf32, #tpu.memory_space<vmem>>) dst(%dma_wait3A_318 : memref<10240xf32, #tpu.memory_space<vmem_shared>>)
    %dma_wait3A_319 = arith.constant 0 : i32
    %dma_wait3A_320 = arith.constant 0 : i32
    %dma_wait3A_321 = tpu.memref_slice %arg4[%dma_wait3A_319, %dma_wait3A_320] : memref<80x128xi32, #tpu.memory_space<vmem>> -> memref<1x128xi32, #tpu.memory_space<vmem>>
    %dma_wait3A_322 = tpu.memref_squeeze %dma_wait3A_321 : memref<1x128xi32, #tpu.memory_space<vmem>> -> memref<128xi32, #tpu.memory_space<vmem>>
    %dma_wait3A_323 = arith.constant 0 : i32
    %dma_wait3A_324 = tpu.memref_slice %arg6[%dma_wait3A_323] : memref<10240xf32, #tpu.memory_space<vmem_shared>> -> memref<10240xf32, #tpu.memory_space<vmem_shared>>
    tpu.wait_indirect_dma semaphore(%arg12 : memref<!tpu.dma_semaphore, #tpu.memory_space<semaphore_mem>>) src(%arg5 : memref<128xf32, #tpu.memory_space<vmem>>) dst(%dma_wait3A_324 : memref<10240xf32, #tpu.memory_space<vmem_shared>>)
    %dma_wait3A_325 = arith.constant 0 : i32
    %dma_wait3A_326 = arith.constant 0 : i32
    %dma_wait3A_327 = tpu.memref_slice %arg4[%dma_wait3A_325, %dma_wait3A_326] : memref<80x128xi32, #tpu.memory_space<vmem>> -> memref<1x128xi32, #tpu.memory_space<vmem>>
    %dma_wait3A_328 = tpu.memref_squeeze %dma_wait3A_327 : memref<1x128xi32, #tpu.memory_space<vmem>> -> memref<128xi32, #tpu.memory_space<vmem>>
    %dma_wait3A_329 = arith.constant 0 : i32
    %dma_wait3A_330 = tpu.memref_slice %arg6[%dma_wait3A_329] : memref<10240xf32, #tpu.memory_space<vmem_shared>> -> memref<10240xf32, #tpu.memory_space<vmem_shared>>
    tpu.wait_indirect_dma semaphore(%arg13 : memref<!tpu.dma_semaphore, #tpu.memory_space<semaphore_mem>>) src(%arg5 : memref<128xf32, #tpu.memory_space<vmem>>) dst(%dma_wait3A_330 : memref<10240xf32, #tpu.memory_space<vmem_shared>>)
    %dma_wait3A_331 = arith.constant 0 : i32
    %dma_wait3A_332 = arith.constant 0 : i32
    %dma_wait3A_333 = tpu.memref_slice %arg4[%dma_wait3A_331, %dma_wait3A_332] : memref<80x128xi32, #tpu.memory_space<vmem>> -> memref<1x128xi32, #tpu.memory_space<vmem>>
    %dma_wait3A_334 = tpu.memref_squeeze %dma_wait3A_333 : memref<1x128xi32, #tpu.memory_space<vmem>> -> memref<128xi32, #tpu.memory_space<vmem>>
    %dma_wait3A_335 = arith.constant 0 : i32
    %dma_wait3A_336 = tpu.memref_slice %arg6[%dma_wait3A_335] : memref<10240xf32, #tpu.memory_space<vmem_shared>> -> memref<10240xf32, #tpu.memory_space<vmem_shared>>
    tpu.wait_indirect_dma semaphore(%arg14 : memref<!tpu.dma_semaphore, #tpu.memory_space<semaphore_mem>>) src(%arg5 : memref<128xf32, #tpu.memory_space<vmem>>) dst(%dma_wait3A_336 : memref<10240xf32, #tpu.memory_space<vmem_shared>>)
    %dma_wait3A_337 = arith.constant 0 : i32
    %dma_wait3A_338 = arith.constant 0 : i32
    %dma_wait3A_339 = tpu.memref_slice %arg4[%dma_wait3A_337, %dma_wait3A_338] : memref<80x128xi32, #tpu.memory_space<vmem>> -> memref<1x128xi32, #tpu.memory_space<vmem>>
    %dma_wait3A_340 = tpu.memref_squeeze %dma_wait3A_339 : memref<1x128xi32, #tpu.memory_space<vmem>> -> memref<128xi32, #tpu.memory_space<vmem>>
    %dma_wait3A_341 = arith.constant 0 : i32
    %dma_wait3A_342 = tpu.memref_slice %arg6[%dma_wait3A_341] : memref<10240xf32, #tpu.memory_space<vmem_shared>> -> memref<10240xf32, #tpu.memory_space<vmem_shared>>
    tpu.wait_indirect_dma semaphore(%arg15 : memref<!tpu.dma_semaphore, #tpu.memory_space<semaphore_mem>>) src(%arg5 : memref<128xf32, #tpu.memory_space<vmem>>) dst(%dma_wait3A_342 : memref<10240xf32, #tpu.memory_space<vmem_shared>>)
    %barrier3A_343 = arith.constant 0 : index
    tpu.barrier barrier_id(%barrier3A_343)
    "tpu.region"() ({
      %run_scoped3A = tpu.sem_alloc : memref<!tpu.dma_semaphore, #tpu.memory_space<semaphore_mem>>
      %dma_start3A = tpu.memref_slice %arg3[%arg0, %mul3A_4] : memref<2x10240xf32, #tpu.memory_space<hbm>> -> memref<1x640xf32, #tpu.memory_space<hbm>>
      %dma_start3A_344 = tpu.memref_squeeze %dma_start3A : memref<1x640xf32, #tpu.memory_space<hbm>> -> memref<640xf32, #tpu.memory_space<hbm>>
      %dma_start3A_345 = tpu.memref_slice %arg6[%mul3A_4] : memref<10240xf32, #tpu.memory_space<vmem_shared>> -> memref<640xf32, #tpu.memory_space<vmem_shared>>
      tpu.enqueue_dma source(%dma_start3A_345 : memref<640xf32, #tpu.memory_space<vmem_shared>>) target(%dma_start3A_344 : memref<640xf32, #tpu.memory_space<hbm>>) target_semaphore(%run_scoped3A : memref<!tpu.dma_semaphore, #tpu.memory_space<semaphore_mem>>)
      %dma_wait3A_346 = tpu.memref_slice %arg3[%arg0, %mul3A_4] : memref<2x10240xf32, #tpu.memory_space<hbm>> -> memref<1x640xf32, #tpu.memory_space<hbm>>
      %dma_wait3A_347 = tpu.memref_squeeze %dma_wait3A_346 : memref<1x640xf32, #tpu.memory_space<hbm>> -> memref<640xf32, #tpu.memory_space<hbm>>
      %dma_wait3A_348 = tpu.memref_slice %arg6[%mul3A_4] : memref<10240xf32, #tpu.memory_space<vmem_shared>> -> memref<640xf32, #tpu.memory_space<vmem_shared>>
      tpu.wait_dma2 semaphore(%run_scoped3A : memref<!tpu.dma_semaphore, #tpu.memory_space<semaphore_mem>>) src(%dma_wait3A_348 : memref<640xf32, #tpu.memory_space<vmem_shared>>) dst(%dma_wait3A_347 : memref<640xf32, #tpu.memory_space<hbm>>)
      tpu.yield
    }) : () -> ()
    return
  }
}

#map = affine_map<(d0, d1) -> (0, 0)>
#map1 = affine_map<(d0, d1) -> (0, 0, 0)>
module attributes {stable_mosaic.version = 14 : i64} {
  func.func @prop_kernel(%arg0: i32, %arg1: i32, %arg2: memref<10240x64xf32, #tpu.memory_space<hbm>>, %arg3: memref<2560x128xi32, #tpu.memory_space<hbm>>, %arg4: memref<2560x128xi32, #tpu.memory_space<hbm>>, %arg5: memref<10240x64xf32, #tpu.memory_space<hbm>>, %arg6: memref<2x10240x64xf32, #tpu.memory_space<hbm>>, %arg7: memref<80x128xi32, #tpu.memory_space<vmem>>, %arg8: memref<80x128xi32, #tpu.memory_space<vmem>>, %arg9: memref<8x128x64xf32, #tpu.memory_space<vmem>>, %arg10: memref<10240x64xf32, #tpu.memory_space<vmem_shared>>, %arg11: memref<!tpu.dma_semaphore, #tpu.memory_space<semaphore_mem>>, %arg12: memref<!tpu.dma_semaphore, #tpu.memory_space<semaphore_mem>>, %arg13: memref<!tpu.dma_semaphore, #tpu.memory_space<semaphore_mem>>, %arg14: memref<!tpu.dma_semaphore, #tpu.memory_space<semaphore_mem>>, %arg15: memref<!tpu.dma_semaphore, #tpu.memory_space<semaphore_mem>>, %arg16: memref<!tpu.dma_semaphore, #tpu.memory_space<semaphore_mem>>, %arg17: memref<!tpu.dma_semaphore, #tpu.memory_space<semaphore_mem>>, %arg18: memref<!tpu.dma_semaphore, #tpu.memory_space<semaphore_mem>>, %arg19: memref<!tpu.dma_semaphore, #tpu.memory_space<semaphore_mem>>, %arg20: memref<!tpu.dma_semaphore, #tpu.memory_space<semaphore_mem>>, %arg21: memref<!tpu.dma_semaphore, #tpu.memory_space<semaphore_mem>>, %arg22: memref<!tpu.dma_semaphore, #tpu.memory_space<semaphore_mem>>, %arg23: memref<!tpu.dma_semaphore, #tpu.memory_space<semaphore_mem>>, %arg24: memref<!tpu.dma_semaphore, #tpu.memory_space<semaphore_mem>>, %arg25: memref<!tpu.dma_semaphore, #tpu.memory_space<semaphore_mem>>, %arg26: memref<!tpu.dma_semaphore, #tpu.memory_space<semaphore_mem>>) attributes {dimension_semantics = [#tpu.dimension_semantics<core_parallel>, #tpu.dimension_semantics<subcore_parallel>], iteration_bounds = array<i64: 2, 16>, scalar_prefetch = 0 : i64, scratch_operands = 20 : i64, tpu.core_type = #tpu.core_type<sc_vector_subcore>, window_params = [{transform_indices = #map}, {transform_indices = #map}, {transform_indices = #map}, {transform_indices = #map}, {transform_indices = #map1}]} {
    %mul3A = arith.constant 16 : i32
    %mul3A_0 = arith.muli %arg0, %mul3A : i32
    %add3A = arith.addi %mul3A_0, %arg1 : i32
    %mul3A_1 = arith.constant 80 : i32
    %mul3A_2 = arith.muli %add3A, %mul3A_1 : i32
    %mul3A_3 = arith.constant 640 : i32
    %mul3A_4 = arith.muli %arg1, %mul3A_3 : i32
    "tpu.region"() ({
      %run_scoped3A = tpu.sem_alloc : memref<!tpu.dma_semaphore, #tpu.memory_space<semaphore_mem>>
      %dma_start3A_106 = arith.constant 0 : i32
      %dma_start3A_107 = tpu.memref_slice %arg3[%mul3A_2, %dma_start3A_106] : memref<2560x128xi32, #tpu.memory_space<hbm>> -> memref<80x128xi32, #tpu.memory_space<hbm>>
      %dma_start3A_108 = arith.constant 0 : i32
      %dma_start3A_109 = tpu.memref_slice %arg3[%mul3A_2, %dma_start3A_108] : memref<2560x128xi32, #tpu.memory_space<hbm>> -> memref<80x128xi32, #tpu.memory_space<hbm>>
      tpu.enqueue_dma source(%dma_start3A_109 : memref<80x128xi32, #tpu.memory_space<hbm>>) target(%arg7 : memref<80x128xi32, #tpu.memory_space<vmem>>) target_semaphore(%run_scoped3A : memref<!tpu.dma_semaphore, #tpu.memory_space<semaphore_mem>>)
      %dma_wait3A = arith.constant 0 : i32
      %dma_wait3A_110 = tpu.memref_slice %arg3[%mul3A_2, %dma_wait3A] : memref<2560x128xi32, #tpu.memory_space<hbm>> -> memref<80x128xi32, #tpu.memory_space<hbm>>
      %dma_wait3A_111 = arith.constant 0 : i32
      %dma_wait3A_112 = tpu.memref_slice %arg3[%mul3A_2, %dma_wait3A_111] : memref<2560x128xi32, #tpu.memory_space<hbm>> -> memref<80x128xi32, #tpu.memory_space<hbm>>
      tpu.wait_dma2 semaphore(%run_scoped3A : memref<!tpu.dma_semaphore, #tpu.memory_space<semaphore_mem>>) src(%dma_wait3A_112 : memref<80x128xi32, #tpu.memory_space<hbm>>) dst(%arg7 : memref<80x128xi32, #tpu.memory_space<vmem>>)
      tpu.yield
    }) : () -> ()
    "tpu.region"() ({
      %run_scoped3A = tpu.sem_alloc : memref<!tpu.dma_semaphore, #tpu.memory_space<semaphore_mem>>
      %dma_start3A_106 = arith.constant 0 : i32
      %dma_start3A_107 = tpu.memref_slice %arg4[%mul3A_2, %dma_start3A_106] : memref<2560x128xi32, #tpu.memory_space<hbm>> -> memref<80x128xi32, #tpu.memory_space<hbm>>
      %dma_start3A_108 = arith.constant 0 : i32
      %dma_start3A_109 = tpu.memref_slice %arg4[%mul3A_2, %dma_start3A_108] : memref<2560x128xi32, #tpu.memory_space<hbm>> -> memref<80x128xi32, #tpu.memory_space<hbm>>
      tpu.enqueue_dma source(%dma_start3A_109 : memref<80x128xi32, #tpu.memory_space<hbm>>) target(%arg8 : memref<80x128xi32, #tpu.memory_space<vmem>>) target_semaphore(%run_scoped3A : memref<!tpu.dma_semaphore, #tpu.memory_space<semaphore_mem>>)
      %dma_wait3A = arith.constant 0 : i32
      %dma_wait3A_110 = tpu.memref_slice %arg4[%mul3A_2, %dma_wait3A] : memref<2560x128xi32, #tpu.memory_space<hbm>> -> memref<80x128xi32, #tpu.memory_space<hbm>>
      %dma_wait3A_111 = arith.constant 0 : i32
      %dma_wait3A_112 = tpu.memref_slice %arg4[%mul3A_2, %dma_wait3A_111] : memref<2560x128xi32, #tpu.memory_space<hbm>> -> memref<80x128xi32, #tpu.memory_space<hbm>>
      tpu.wait_dma2 semaphore(%run_scoped3A : memref<!tpu.dma_semaphore, #tpu.memory_space<semaphore_mem>>) src(%dma_wait3A_112 : memref<80x128xi32, #tpu.memory_space<hbm>>) dst(%arg8 : memref<80x128xi32, #tpu.memory_space<vmem>>)
      tpu.yield
    }) : () -> ()
    "tpu.region"() ({
      %run_scoped3A = tpu.sem_alloc : memref<!tpu.dma_semaphore, #tpu.memory_space<semaphore_mem>>
      %dma_start3A_106 = arith.constant 0 : i32
      %dma_start3A_107 = tpu.memref_slice %arg10[%mul3A_4, %dma_start3A_106] : memref<10240x64xf32, #tpu.memory_space<vmem_shared>> -> memref<640x64xf32, #tpu.memory_space<vmem_shared>>
      %dma_start3A_108 = arith.constant 0 : i32
      %dma_start3A_109 = tpu.memref_slice %arg5[%mul3A_4, %dma_start3A_108] : memref<10240x64xf32, #tpu.memory_space<hbm>> -> memref<640x64xf32, #tpu.memory_space<hbm>>
      tpu.enqueue_dma source(%dma_start3A_109 : memref<640x64xf32, #tpu.memory_space<hbm>>) target(%dma_start3A_107 : memref<640x64xf32, #tpu.memory_space<vmem_shared>>) target_semaphore(%run_scoped3A : memref<!tpu.dma_semaphore, #tpu.memory_space<semaphore_mem>>)
      %dma_wait3A = arith.constant 0 : i32
      %dma_wait3A_110 = tpu.memref_slice %arg10[%mul3A_4, %dma_wait3A] : memref<10240x64xf32, #tpu.memory_space<vmem_shared>> -> memref<640x64xf32, #tpu.memory_space<vmem_shared>>
      %dma_wait3A_111 = arith.constant 0 : i32
      %dma_wait3A_112 = tpu.memref_slice %arg5[%mul3A_4, %dma_wait3A_111] : memref<10240x64xf32, #tpu.memory_space<hbm>> -> memref<640x64xf32, #tpu.memory_space<hbm>>
      tpu.wait_dma2 semaphore(%run_scoped3A : memref<!tpu.dma_semaphore, #tpu.memory_space<semaphore_mem>>) src(%dma_wait3A_112 : memref<640x64xf32, #tpu.memory_space<hbm>>) dst(%dma_wait3A_110 : memref<640x64xf32, #tpu.memory_space<vmem_shared>>)
      tpu.yield
    }) : () -> ()
    %barrier3A = arith.constant 0 : index
    tpu.barrier barrier_id(%barrier3A)
    %dma_start3A = arith.constant 0 : i32
    %dma_start3A_5 = arith.constant 0 : i32
    %dma_start3A_6 = arith.constant 0 : i32
    %dma_start3A_7 = arith.constant 0 : i32
    %dma_start3A_8 = tpu.memref_slice %arg9[%dma_start3A_5, %dma_start3A_6, %dma_start3A_7] : memref<8x128x64xf32, #tpu.memory_space<vmem>> -> memref<1x128x64xf32, #tpu.memory_space<vmem>>
    %dma_start3A_9 = tpu.memref_squeeze %dma_start3A_8 : memref<1x128x64xf32, #tpu.memory_space<vmem>> -> memref<128x64xf32, #tpu.memory_space<vmem>>
    %dma_start3A_10 = arith.constant 0 : i32
    %dma_start3A_11 = tpu.memref_slice %arg7[%dma_start3A, %dma_start3A_10] : memref<80x128xi32, #tpu.memory_space<vmem>> -> memref<1x128xi32, #tpu.memory_space<vmem>>
    %dma_start3A_12 = tpu.memref_squeeze %dma_start3A_11 : memref<1x128xi32, #tpu.memory_space<vmem>> -> memref<128xi32, #tpu.memory_space<vmem>>
    %dma_start3A_13 = arith.constant 0 : i32
    %dma_start3A_14 = arith.constant 0 : i32
    %dma_start3A_15 = tpu.memref_slice %arg2[%dma_start3A_13, %dma_start3A_14] : memref<10240x64xf32, #tpu.memory_space<hbm>> -> memref<10240x64xf32, #tpu.memory_space<hbm>>
    tpu.enqueue_indirect_dma source(%dma_start3A_15 : memref<10240x64xf32, #tpu.memory_space<hbm>>) target(%dma_start3A_9 : memref<128x64xf32, #tpu.memory_space<vmem>>) offsets(%dma_start3A_12 : memref<128xi32, #tpu.memory_space<vmem>>) semaphore(%arg11 : memref<!tpu.dma_semaphore, #tpu.memory_space<semaphore_mem>>)
    %dma_start3A_16 = arith.constant 1 : i32
    %dma_start3A_17 = arith.constant 1 : i32
    %dma_start3A_18 = arith.constant 0 : i32
    %dma_start3A_19 = arith.constant 0 : i32
    %dma_start3A_20 = tpu.memref_slice %arg9[%dma_start3A_17, %dma_start3A_18, %dma_start3A_19] : memref<8x128x64xf32, #tpu.memory_space<vmem>> -> memref<1x128x64xf32, #tpu.memory_space<vmem>>
    %dma_start3A_21 = tpu.memref_squeeze %dma_start3A_20 : memref<1x128x64xf32, #tpu.memory_space<vmem>> -> memref<128x64xf32, #tpu.memory_space<vmem>>
    %dma_start3A_22 = arith.constant 0 : i32
    %dma_start3A_23 = tpu.memref_slice %arg7[%dma_start3A_16, %dma_start3A_22] : memref<80x128xi32, #tpu.memory_space<vmem>> -> memref<1x128xi32, #tpu.memory_space<vmem>>
    %dma_start3A_24 = tpu.memref_squeeze %dma_start3A_23 : memref<1x128xi32, #tpu.memory_space<vmem>> -> memref<128xi32, #tpu.memory_space<vmem>>
    %dma_start3A_25 = arith.constant 0 : i32
    %dma_start3A_26 = arith.constant 0 : i32
    %dma_start3A_27 = tpu.memref_slice %arg2[%dma_start3A_25, %dma_start3A_26] : memref<10240x64xf32, #tpu.memory_space<hbm>> -> memref<10240x64xf32, #tpu.memory_space<hbm>>
    tpu.enqueue_indirect_dma source(%dma_start3A_27 : memref<10240x64xf32, #tpu.memory_space<hbm>>) target(%dma_start3A_21 : memref<128x64xf32, #tpu.memory_space<vmem>>) offsets(%dma_start3A_24 : memref<128xi32, #tpu.memory_space<vmem>>) semaphore(%arg12 : memref<!tpu.dma_semaphore, #tpu.memory_space<semaphore_mem>>)
    %dma_start3A_28 = arith.constant 2 : i32
    %dma_start3A_29 = arith.constant 2 : i32
    %dma_start3A_30 = arith.constant 0 : i32
    %dma_start3A_31 = arith.constant 0 : i32
    %dma_start3A_32 = tpu.memref_slice %arg9[%dma_start3A_29, %dma_start3A_30, %dma_start3A_31] : memref<8x128x64xf32, #tpu.memory_space<vmem>> -> memref<1x128x64xf32, #tpu.memory_space<vmem>>
    %dma_start3A_33 = tpu.memref_squeeze %dma_start3A_32 : memref<1x128x64xf32, #tpu.memory_space<vmem>> -> memref<128x64xf32, #tpu.memory_space<vmem>>
    %dma_start3A_34 = arith.constant 0 : i32
    %dma_start3A_35 = tpu.memref_slice %arg7[%dma_start3A_28, %dma_start3A_34] : memref<80x128xi32, #tpu.memory_space<vmem>> -> memref<1x128xi32, #tpu.memory_space<vmem>>
    %dma_start3A_36 = tpu.memref_squeeze %dma_start3A_35 : memref<1x128xi32, #tpu.memory_space<vmem>> -> memref<128xi32, #tpu.memory_space<vmem>>
    %dma_start3A_37 = arith.constant 0 : i32
    %dma_start3A_38 = arith.constant 0 : i32
    %dma_start3A_39 = tpu.memref_slice %arg2[%dma_start3A_37, %dma_start3A_38] : memref<10240x64xf32, #tpu.memory_space<hbm>> -> memref<10240x64xf32, #tpu.memory_space<hbm>>
    tpu.enqueue_indirect_dma source(%dma_start3A_39 : memref<10240x64xf32, #tpu.memory_space<hbm>>) target(%dma_start3A_33 : memref<128x64xf32, #tpu.memory_space<vmem>>) offsets(%dma_start3A_36 : memref<128xi32, #tpu.memory_space<vmem>>) semaphore(%arg13 : memref<!tpu.dma_semaphore, #tpu.memory_space<semaphore_mem>>)
    %dma_start3A_40 = arith.constant 3 : i32
    %dma_start3A_41 = arith.constant 3 : i32
    %dma_start3A_42 = arith.constant 0 : i32
    %dma_start3A_43 = arith.constant 0 : i32
    %dma_start3A_44 = tpu.memref_slice %arg9[%dma_start3A_41, %dma_start3A_42, %dma_start3A_43] : memref<8x128x64xf32, #tpu.memory_space<vmem>> -> memref<1x128x64xf32, #tpu.memory_space<vmem>>
    %dma_start3A_45 = tpu.memref_squeeze %dma_start3A_44 : memref<1x128x64xf32, #tpu.memory_space<vmem>> -> memref<128x64xf32, #tpu.memory_space<vmem>>
    %dma_start3A_46 = arith.constant 0 : i32
    %dma_start3A_47 = tpu.memref_slice %arg7[%dma_start3A_40, %dma_start3A_46] : memref<80x128xi32, #tpu.memory_space<vmem>> -> memref<1x128xi32, #tpu.memory_space<vmem>>
    %dma_start3A_48 = tpu.memref_squeeze %dma_start3A_47 : memref<1x128xi32, #tpu.memory_space<vmem>> -> memref<128xi32, #tpu.memory_space<vmem>>
    %dma_start3A_49 = arith.constant 0 : i32
    %dma_start3A_50 = arith.constant 0 : i32
    %dma_start3A_51 = tpu.memref_slice %arg2[%dma_start3A_49, %dma_start3A_50] : memref<10240x64xf32, #tpu.memory_space<hbm>> -> memref<10240x64xf32, #tpu.memory_space<hbm>>
    tpu.enqueue_indirect_dma source(%dma_start3A_51 : memref<10240x64xf32, #tpu.memory_space<hbm>>) target(%dma_start3A_45 : memref<128x64xf32, #tpu.memory_space<vmem>>) offsets(%dma_start3A_48 : memref<128xi32, #tpu.memory_space<vmem>>) semaphore(%arg14 : memref<!tpu.dma_semaphore, #tpu.memory_space<semaphore_mem>>)
    %dma_start3A_52 = arith.constant 4 : i32
    %dma_start3A_53 = arith.constant 4 : i32
    %dma_start3A_54 = arith.constant 0 : i32
    %dma_start3A_55 = arith.constant 0 : i32
    %dma_start3A_56 = tpu.memref_slice %arg9[%dma_start3A_53, %dma_start3A_54, %dma_start3A_55] : memref<8x128x64xf32, #tpu.memory_space<vmem>> -> memref<1x128x64xf32, #tpu.memory_space<vmem>>
    %dma_start3A_57 = tpu.memref_squeeze %dma_start3A_56 : memref<1x128x64xf32, #tpu.memory_space<vmem>> -> memref<128x64xf32, #tpu.memory_space<vmem>>
    %dma_start3A_58 = arith.constant 0 : i32
    %dma_start3A_59 = tpu.memref_slice %arg7[%dma_start3A_52, %dma_start3A_58] : memref<80x128xi32, #tpu.memory_space<vmem>> -> memref<1x128xi32, #tpu.memory_space<vmem>>
    %dma_start3A_60 = tpu.memref_squeeze %dma_start3A_59 : memref<1x128xi32, #tpu.memory_space<vmem>> -> memref<128xi32, #tpu.memory_space<vmem>>
    %dma_start3A_61 = arith.constant 0 : i32
    %dma_start3A_62 = arith.constant 0 : i32
    %dma_start3A_63 = tpu.memref_slice %arg2[%dma_start3A_61, %dma_start3A_62] : memref<10240x64xf32, #tpu.memory_space<hbm>> -> memref<10240x64xf32, #tpu.memory_space<hbm>>
    tpu.enqueue_indirect_dma source(%dma_start3A_63 : memref<10240x64xf32, #tpu.memory_space<hbm>>) target(%dma_start3A_57 : memref<128x64xf32, #tpu.memory_space<vmem>>) offsets(%dma_start3A_60 : memref<128xi32, #tpu.memory_space<vmem>>) semaphore(%arg15 : memref<!tpu.dma_semaphore, #tpu.memory_space<semaphore_mem>>)
    %dma_start3A_64 = arith.constant 5 : i32
    %dma_start3A_65 = arith.constant 5 : i32
    %dma_start3A_66 = arith.constant 0 : i32
    %dma_start3A_67 = arith.constant 0 : i32
    %dma_start3A_68 = tpu.memref_slice %arg9[%dma_start3A_65, %dma_start3A_66, %dma_start3A_67] : memref<8x128x64xf32, #tpu.memory_space<vmem>> -> memref<1x128x64xf32, #tpu.memory_space<vmem>>
    %dma_start3A_69 = tpu.memref_squeeze %dma_start3A_68 : memref<1x128x64xf32, #tpu.memory_space<vmem>> -> memref<128x64xf32, #tpu.memory_space<vmem>>
    %dma_start3A_70 = arith.constant 0 : i32
    %dma_start3A_71 = tpu.memref_slice %arg7[%dma_start3A_64, %dma_start3A_70] : memref<80x128xi32, #tpu.memory_space<vmem>> -> memref<1x128xi32, #tpu.memory_space<vmem>>
    %dma_start3A_72 = tpu.memref_squeeze %dma_start3A_71 : memref<1x128xi32, #tpu.memory_space<vmem>> -> memref<128xi32, #tpu.memory_space<vmem>>
    %dma_start3A_73 = arith.constant 0 : i32
    %dma_start3A_74 = arith.constant 0 : i32
    %dma_start3A_75 = tpu.memref_slice %arg2[%dma_start3A_73, %dma_start3A_74] : memref<10240x64xf32, #tpu.memory_space<hbm>> -> memref<10240x64xf32, #tpu.memory_space<hbm>>
    tpu.enqueue_indirect_dma source(%dma_start3A_75 : memref<10240x64xf32, #tpu.memory_space<hbm>>) target(%dma_start3A_69 : memref<128x64xf32, #tpu.memory_space<vmem>>) offsets(%dma_start3A_72 : memref<128xi32, #tpu.memory_space<vmem>>) semaphore(%arg16 : memref<!tpu.dma_semaphore, #tpu.memory_space<semaphore_mem>>)
    %dma_start3A_76 = arith.constant 6 : i32
    %dma_start3A_77 = arith.constant 6 : i32
    %dma_start3A_78 = arith.constant 0 : i32
    %dma_start3A_79 = arith.constant 0 : i32
    %dma_start3A_80 = tpu.memref_slice %arg9[%dma_start3A_77, %dma_start3A_78, %dma_start3A_79] : memref<8x128x64xf32, #tpu.memory_space<vmem>> -> memref<1x128x64xf32, #tpu.memory_space<vmem>>
    %dma_start3A_81 = tpu.memref_squeeze %dma_start3A_80 : memref<1x128x64xf32, #tpu.memory_space<vmem>> -> memref<128x64xf32, #tpu.memory_space<vmem>>
    %dma_start3A_82 = arith.constant 0 : i32
    %dma_start3A_83 = tpu.memref_slice %arg7[%dma_start3A_76, %dma_start3A_82] : memref<80x128xi32, #tpu.memory_space<vmem>> -> memref<1x128xi32, #tpu.memory_space<vmem>>
    %dma_start3A_84 = tpu.memref_squeeze %dma_start3A_83 : memref<1x128xi32, #tpu.memory_space<vmem>> -> memref<128xi32, #tpu.memory_space<vmem>>
    %dma_start3A_85 = arith.constant 0 : i32
    %dma_start3A_86 = arith.constant 0 : i32
    %dma_start3A_87 = tpu.memref_slice %arg2[%dma_start3A_85, %dma_start3A_86] : memref<10240x64xf32, #tpu.memory_space<hbm>> -> memref<10240x64xf32, #tpu.memory_space<hbm>>
    tpu.enqueue_indirect_dma source(%dma_start3A_87 : memref<10240x64xf32, #tpu.memory_space<hbm>>) target(%dma_start3A_81 : memref<128x64xf32, #tpu.memory_space<vmem>>) offsets(%dma_start3A_84 : memref<128xi32, #tpu.memory_space<vmem>>) semaphore(%arg17 : memref<!tpu.dma_semaphore, #tpu.memory_space<semaphore_mem>>)
    %dma_start3A_88 = arith.constant 7 : i32
    %dma_start3A_89 = arith.constant 7 : i32
    %dma_start3A_90 = arith.constant 0 : i32
    %dma_start3A_91 = arith.constant 0 : i32
    %dma_start3A_92 = tpu.memref_slice %arg9[%dma_start3A_89, %dma_start3A_90, %dma_start3A_91] : memref<8x128x64xf32, #tpu.memory_space<vmem>> -> memref<1x128x64xf32, #tpu.memory_space<vmem>>
    %dma_start3A_93 = tpu.memref_squeeze %dma_start3A_92 : memref<1x128x64xf32, #tpu.memory_space<vmem>> -> memref<128x64xf32, #tpu.memory_space<vmem>>
    %dma_start3A_94 = arith.constant 0 : i32
    %dma_start3A_95 = tpu.memref_slice %arg7[%dma_start3A_88, %dma_start3A_94] : memref<80x128xi32, #tpu.memory_space<vmem>> -> memref<1x128xi32, #tpu.memory_space<vmem>>
    %dma_start3A_96 = tpu.memref_squeeze %dma_start3A_95 : memref<1x128xi32, #tpu.memory_space<vmem>> -> memref<128xi32, #tpu.memory_space<vmem>>
    %dma_start3A_97 = arith.constant 0 : i32
    %dma_start3A_98 = arith.constant 0 : i32
    %dma_start3A_99 = tpu.memref_slice %arg2[%dma_start3A_97, %dma_start3A_98] : memref<10240x64xf32, #tpu.memory_space<hbm>> -> memref<10240x64xf32, #tpu.memory_space<hbm>>
    tpu.enqueue_indirect_dma source(%dma_start3A_99 : memref<10240x64xf32, #tpu.memory_space<hbm>>) target(%dma_start3A_93 : memref<128x64xf32, #tpu.memory_space<vmem>>) offsets(%dma_start3A_96 : memref<128xi32, #tpu.memory_space<vmem>>) semaphore(%arg18 : memref<!tpu.dma_semaphore, #tpu.memory_space<semaphore_mem>>)
    %scan3A = arith.constant 0 : i32
    %scan3A_100 = arith.constant 0 : i32
    %scan3A_101 = arith.constant 10 : i32
    %scan3A_102 = arith.addi %scan3A_100, %scan3A_101 : i32
    %scan3A_103 = arith.constant 1 : i32
    scf.for %scan3A_106 = %scan3A_100 to %scan3A_102 step %scan3A_103  : i32 {
      %dma_wait3A = arith.constant 0 : i32
      %dma_wait3A_107 = arith.constant 0 : i32
      %dma_wait3A_108 = arith.constant 0 : i32
      %dma_wait3A_109 = arith.constant 0 : i32
      %dma_wait3A_110 = tpu.memref_slice %arg9[%dma_wait3A_107, %dma_wait3A_108, %dma_wait3A_109] : memref<8x128x64xf32, #tpu.memory_space<vmem>> -> memref<1x128x64xf32, #tpu.memory_space<vmem>>
      %dma_wait3A_111 = tpu.memref_squeeze %dma_wait3A_110 : memref<1x128x64xf32, #tpu.memory_space<vmem>> -> memref<128x64xf32, #tpu.memory_space<vmem>>
      %dma_wait3A_112 = arith.constant 0 : i32
      %dma_wait3A_113 = tpu.memref_slice %arg7[%dma_wait3A, %dma_wait3A_112] : memref<80x128xi32, #tpu.memory_space<vmem>> -> memref<1x128xi32, #tpu.memory_space<vmem>>
      %dma_wait3A_114 = tpu.memref_squeeze %dma_wait3A_113 : memref<1x128xi32, #tpu.memory_space<vmem>> -> memref<128xi32, #tpu.memory_space<vmem>>
      %dma_wait3A_115 = arith.constant 0 : i32
      %dma_wait3A_116 = arith.constant 0 : i32
      %dma_wait3A_117 = tpu.memref_slice %arg2[%dma_wait3A_115, %dma_wait3A_116] : memref<10240x64xf32, #tpu.memory_space<hbm>> -> memref<10240x64xf32, #tpu.memory_space<hbm>>
      tpu.wait_indirect_dma semaphore(%arg11 : memref<!tpu.dma_semaphore, #tpu.memory_space<semaphore_mem>>) src(%dma_wait3A_117 : memref<10240x64xf32, #tpu.memory_space<hbm>>) dst(%dma_wait3A_111 : memref<128x64xf32, #tpu.memory_space<vmem>>)
      %mul3A_118 = arith.constant 8 : i32
      %mul3A_119 = arith.muli %scan3A_106, %mul3A_118 : i32
      %add3A_120 = arith.constant 0 : i32
      %add3A_121 = arith.addi %mul3A_119, %add3A_120 : i32
      %dma_start3A_122 = arith.constant 0 : i32
      %dma_start3A_123 = arith.constant 0 : i32
      %dma_start3A_124 = arith.constant 0 : i32
      %dma_start3A_125 = tpu.memref_slice %arg9[%dma_start3A_122, %dma_start3A_123, %dma_start3A_124] : memref<8x128x64xf32, #tpu.memory_space<vmem>> -> memref<1x128x64xf32, #tpu.memory_space<vmem>>
      %dma_start3A_126 = tpu.memref_squeeze %dma_start3A_125 : memref<1x128x64xf32, #tpu.memory_space<vmem>> -> memref<128x64xf32, #tpu.memory_space<vmem>>
      %dma_start3A_127 = arith.constant 0 : i32
      %dma_start3A_128 = tpu.memref_slice %arg8[%add3A_121, %dma_start3A_127] : memref<80x128xi32, #tpu.memory_space<vmem>> -> memref<1x128xi32, #tpu.memory_space<vmem>>
      %dma_start3A_129 = tpu.memref_squeeze %dma_start3A_128 : memref<1x128xi32, #tpu.memory_space<vmem>> -> memref<128xi32, #tpu.memory_space<vmem>>
      %dma_start3A_130 = arith.constant 0 : i32
      %dma_start3A_131 = arith.constant 0 : i32
      %dma_start3A_132 = tpu.memref_slice %arg10[%dma_start3A_130, %dma_start3A_131] : memref<10240x64xf32, #tpu.memory_space<vmem_shared>> -> memref<10240x64xf32, #tpu.memory_space<vmem_shared>>
      tpu.enqueue_indirect_dma source(%dma_start3A_126 : memref<128x64xf32, #tpu.memory_space<vmem>>) target(%dma_start3A_132 : memref<10240x64xf32, #tpu.memory_space<vmem_shared>>) offsets(%dma_start3A_129 : memref<128xi32, #tpu.memory_space<vmem>>) semaphore(%arg19 : memref<!tpu.dma_semaphore, #tpu.memory_space<semaphore_mem>>) {add = true}
      %dma_wait3A_133 = arith.constant 0 : i32
      %dma_wait3A_134 = arith.constant 1 : i32
      %dma_wait3A_135 = arith.constant 0 : i32
      %dma_wait3A_136 = arith.constant 0 : i32
      %dma_wait3A_137 = tpu.memref_slice %arg9[%dma_wait3A_134, %dma_wait3A_135, %dma_wait3A_136] : memref<8x128x64xf32, #tpu.memory_space<vmem>> -> memref<1x128x64xf32, #tpu.memory_space<vmem>>
      %dma_wait3A_138 = tpu.memref_squeeze %dma_wait3A_137 : memref<1x128x64xf32, #tpu.memory_space<vmem>> -> memref<128x64xf32, #tpu.memory_space<vmem>>
      %dma_wait3A_139 = arith.constant 0 : i32
      %dma_wait3A_140 = tpu.memref_slice %arg7[%dma_wait3A_133, %dma_wait3A_139] : memref<80x128xi32, #tpu.memory_space<vmem>> -> memref<1x128xi32, #tpu.memory_space<vmem>>
      %dma_wait3A_141 = tpu.memref_squeeze %dma_wait3A_140 : memref<1x128xi32, #tpu.memory_space<vmem>> -> memref<128xi32, #tpu.memory_space<vmem>>
      %dma_wait3A_142 = arith.constant 0 : i32
      %dma_wait3A_143 = arith.constant 0 : i32
      %dma_wait3A_144 = tpu.memref_slice %arg2[%dma_wait3A_142, %dma_wait3A_143] : memref<10240x64xf32, #tpu.memory_space<hbm>> -> memref<10240x64xf32, #tpu.memory_space<hbm>>
      tpu.wait_indirect_dma semaphore(%arg12 : memref<!tpu.dma_semaphore, #tpu.memory_space<semaphore_mem>>) src(%dma_wait3A_144 : memref<10240x64xf32, #tpu.memory_space<hbm>>) dst(%dma_wait3A_138 : memref<128x64xf32, #tpu.memory_space<vmem>>)
      %mul3A_145 = arith.constant 8 : i32
      %mul3A_146 = arith.muli %scan3A_106, %mul3A_145 : i32
      %add3A_147 = arith.constant 1 : i32
      %add3A_148 = arith.addi %mul3A_146, %add3A_147 : i32
      %dma_start3A_149 = arith.constant 1 : i32
      %dma_start3A_150 = arith.constant 0 : i32
      %dma_start3A_151 = arith.constant 0 : i32
      %dma_start3A_152 = tpu.memref_slice %arg9[%dma_start3A_149, %dma_start3A_150, %dma_start3A_151] : memref<8x128x64xf32, #tpu.memory_space<vmem>> -> memref<1x128x64xf32, #tpu.memory_space<vmem>>
      %dma_start3A_153 = tpu.memref_squeeze %dma_start3A_152 : memref<1x128x64xf32, #tpu.memory_space<vmem>> -> memref<128x64xf32, #tpu.memory_space<vmem>>
      %dma_start3A_154 = arith.constant 0 : i32
      %dma_start3A_155 = tpu.memref_slice %arg8[%add3A_148, %dma_start3A_154] : memref<80x128xi32, #tpu.memory_space<vmem>> -> memref<1x128xi32, #tpu.memory_space<vmem>>
      %dma_start3A_156 = tpu.memref_squeeze %dma_start3A_155 : memref<1x128xi32, #tpu.memory_space<vmem>> -> memref<128xi32, #tpu.memory_space<vmem>>
      %dma_start3A_157 = arith.constant 0 : i32
      %dma_start3A_158 = arith.constant 0 : i32
      %dma_start3A_159 = tpu.memref_slice %arg10[%dma_start3A_157, %dma_start3A_158] : memref<10240x64xf32, #tpu.memory_space<vmem_shared>> -> memref<10240x64xf32, #tpu.memory_space<vmem_shared>>
      tpu.enqueue_indirect_dma source(%dma_start3A_153 : memref<128x64xf32, #tpu.memory_space<vmem>>) target(%dma_start3A_159 : memref<10240x64xf32, #tpu.memory_space<vmem_shared>>) offsets(%dma_start3A_156 : memref<128xi32, #tpu.memory_space<vmem>>) semaphore(%arg20 : memref<!tpu.dma_semaphore, #tpu.memory_space<semaphore_mem>>) {add = true}
      %dma_wait3A_160 = arith.constant 0 : i32
      %dma_wait3A_161 = arith.constant 2 : i32
      %dma_wait3A_162 = arith.constant 0 : i32
      %dma_wait3A_163 = arith.constant 0 : i32
      %dma_wait3A_164 = tpu.memref_slice %arg9[%dma_wait3A_161, %dma_wait3A_162, %dma_wait3A_163] : memref<8x128x64xf32, #tpu.memory_space<vmem>> -> memref<1x128x64xf32, #tpu.memory_space<vmem>>
      %dma_wait3A_165 = tpu.memref_squeeze %dma_wait3A_164 : memref<1x128x64xf32, #tpu.memory_space<vmem>> -> memref<128x64xf32, #tpu.memory_space<vmem>>
      %dma_wait3A_166 = arith.constant 0 : i32
      %dma_wait3A_167 = tpu.memref_slice %arg7[%dma_wait3A_160, %dma_wait3A_166] : memref<80x128xi32, #tpu.memory_space<vmem>> -> memref<1x128xi32, #tpu.memory_space<vmem>>
      %dma_wait3A_168 = tpu.memref_squeeze %dma_wait3A_167 : memref<1x128xi32, #tpu.memory_space<vmem>> -> memref<128xi32, #tpu.memory_space<vmem>>
      %dma_wait3A_169 = arith.constant 0 : i32
      %dma_wait3A_170 = arith.constant 0 : i32
      %dma_wait3A_171 = tpu.memref_slice %arg2[%dma_wait3A_169, %dma_wait3A_170] : memref<10240x64xf32, #tpu.memory_space<hbm>> -> memref<10240x64xf32, #tpu.memory_space<hbm>>
      tpu.wait_indirect_dma semaphore(%arg13 : memref<!tpu.dma_semaphore, #tpu.memory_space<semaphore_mem>>) src(%dma_wait3A_171 : memref<10240x64xf32, #tpu.memory_space<hbm>>) dst(%dma_wait3A_165 : memref<128x64xf32, #tpu.memory_space<vmem>>)
      %mul3A_172 = arith.constant 8 : i32
      %mul3A_173 = arith.muli %scan3A_106, %mul3A_172 : i32
      %add3A_174 = arith.constant 2 : i32
      %add3A_175 = arith.addi %mul3A_173, %add3A_174 : i32
      %dma_start3A_176 = arith.constant 2 : i32
      %dma_start3A_177 = arith.constant 0 : i32
      %dma_start3A_178 = arith.constant 0 : i32
      %dma_start3A_179 = tpu.memref_slice %arg9[%dma_start3A_176, %dma_start3A_177, %dma_start3A_178] : memref<8x128x64xf32, #tpu.memory_space<vmem>> -> memref<1x128x64xf32, #tpu.memory_space<vmem>>
      %dma_start3A_180 = tpu.memref_squeeze %dma_start3A_179 : memref<1x128x64xf32, #tpu.memory_space<vmem>> -> memref<128x64xf32, #tpu.memory_space<vmem>>
      %dma_start3A_181 = arith.constant 0 : i32
      %dma_start3A_182 = tpu.memref_slice %arg8[%add3A_175, %dma_start3A_181] : memref<80x128xi32, #tpu.memory_space<vmem>> -> memref<1x128xi32, #tpu.memory_space<vmem>>
      %dma_start3A_183 = tpu.memref_squeeze %dma_start3A_182 : memref<1x128xi32, #tpu.memory_space<vmem>> -> memref<128xi32, #tpu.memory_space<vmem>>
      %dma_start3A_184 = arith.constant 0 : i32
      %dma_start3A_185 = arith.constant 0 : i32
      %dma_start3A_186 = tpu.memref_slice %arg10[%dma_start3A_184, %dma_start3A_185] : memref<10240x64xf32, #tpu.memory_space<vmem_shared>> -> memref<10240x64xf32, #tpu.memory_space<vmem_shared>>
      tpu.enqueue_indirect_dma source(%dma_start3A_180 : memref<128x64xf32, #tpu.memory_space<vmem>>) target(%dma_start3A_186 : memref<10240x64xf32, #tpu.memory_space<vmem_shared>>) offsets(%dma_start3A_183 : memref<128xi32, #tpu.memory_space<vmem>>) semaphore(%arg21 : memref<!tpu.dma_semaphore, #tpu.memory_space<semaphore_mem>>) {add = true}
      %dma_wait3A_187 = arith.constant 0 : i32
      %dma_wait3A_188 = arith.constant 3 : i32
      %dma_wait3A_189 = arith.constant 0 : i32
      %dma_wait3A_190 = arith.constant 0 : i32
      %dma_wait3A_191 = tpu.memref_slice %arg9[%dma_wait3A_188, %dma_wait3A_189, %dma_wait3A_190] : memref<8x128x64xf32, #tpu.memory_space<vmem>> -> memref<1x128x64xf32, #tpu.memory_space<vmem>>
      %dma_wait3A_192 = tpu.memref_squeeze %dma_wait3A_191 : memref<1x128x64xf32, #tpu.memory_space<vmem>> -> memref<128x64xf32, #tpu.memory_space<vmem>>
      %dma_wait3A_193 = arith.constant 0 : i32
      %dma_wait3A_194 = tpu.memref_slice %arg7[%dma_wait3A_187, %dma_wait3A_193] : memref<80x128xi32, #tpu.memory_space<vmem>> -> memref<1x128xi32, #tpu.memory_space<vmem>>
      %dma_wait3A_195 = tpu.memref_squeeze %dma_wait3A_194 : memref<1x128xi32, #tpu.memory_space<vmem>> -> memref<128xi32, #tpu.memory_space<vmem>>
      %dma_wait3A_196 = arith.constant 0 : i32
      %dma_wait3A_197 = arith.constant 0 : i32
      %dma_wait3A_198 = tpu.memref_slice %arg2[%dma_wait3A_196, %dma_wait3A_197] : memref<10240x64xf32, #tpu.memory_space<hbm>> -> memref<10240x64xf32, #tpu.memory_space<hbm>>
      tpu.wait_indirect_dma semaphore(%arg14 : memref<!tpu.dma_semaphore, #tpu.memory_space<semaphore_mem>>) src(%dma_wait3A_198 : memref<10240x64xf32, #tpu.memory_space<hbm>>) dst(%dma_wait3A_192 : memref<128x64xf32, #tpu.memory_space<vmem>>)
      %mul3A_199 = arith.constant 8 : i32
      %mul3A_200 = arith.muli %scan3A_106, %mul3A_199 : i32
      %add3A_201 = arith.constant 3 : i32
      %add3A_202 = arith.addi %mul3A_200, %add3A_201 : i32
      %dma_start3A_203 = arith.constant 3 : i32
      %dma_start3A_204 = arith.constant 0 : i32
      %dma_start3A_205 = arith.constant 0 : i32
      %dma_start3A_206 = tpu.memref_slice %arg9[%dma_start3A_203, %dma_start3A_204, %dma_start3A_205] : memref<8x128x64xf32, #tpu.memory_space<vmem>> -> memref<1x128x64xf32, #tpu.memory_space<vmem>>
      %dma_start3A_207 = tpu.memref_squeeze %dma_start3A_206 : memref<1x128x64xf32, #tpu.memory_space<vmem>> -> memref<128x64xf32, #tpu.memory_space<vmem>>
      %dma_start3A_208 = arith.constant 0 : i32
      %dma_start3A_209 = tpu.memref_slice %arg8[%add3A_202, %dma_start3A_208] : memref<80x128xi32, #tpu.memory_space<vmem>> -> memref<1x128xi32, #tpu.memory_space<vmem>>
      %dma_start3A_210 = tpu.memref_squeeze %dma_start3A_209 : memref<1x128xi32, #tpu.memory_space<vmem>> -> memref<128xi32, #tpu.memory_space<vmem>>
      %dma_start3A_211 = arith.constant 0 : i32
      %dma_start3A_212 = arith.constant 0 : i32
      %dma_start3A_213 = tpu.memref_slice %arg10[%dma_start3A_211, %dma_start3A_212] : memref<10240x64xf32, #tpu.memory_space<vmem_shared>> -> memref<10240x64xf32, #tpu.memory_space<vmem_shared>>
      tpu.enqueue_indirect_dma source(%dma_start3A_207 : memref<128x64xf32, #tpu.memory_space<vmem>>) target(%dma_start3A_213 : memref<10240x64xf32, #tpu.memory_space<vmem_shared>>) offsets(%dma_start3A_210 : memref<128xi32, #tpu.memory_space<vmem>>) semaphore(%arg22 : memref<!tpu.dma_semaphore, #tpu.memory_space<semaphore_mem>>) {add = true}
      %dma_wait3A_214 = arith.constant 0 : i32
      %dma_wait3A_215 = arith.constant 4 : i32
      %dma_wait3A_216 = arith.constant 0 : i32
      %dma_wait3A_217 = arith.constant 0 : i32
      %dma_wait3A_218 = tpu.memref_slice %arg9[%dma_wait3A_215, %dma_wait3A_216, %dma_wait3A_217] : memref<8x128x64xf32, #tpu.memory_space<vmem>> -> memref<1x128x64xf32, #tpu.memory_space<vmem>>
      %dma_wait3A_219 = tpu.memref_squeeze %dma_wait3A_218 : memref<1x128x64xf32, #tpu.memory_space<vmem>> -> memref<128x64xf32, #tpu.memory_space<vmem>>
      %dma_wait3A_220 = arith.constant 0 : i32
      %dma_wait3A_221 = tpu.memref_slice %arg7[%dma_wait3A_214, %dma_wait3A_220] : memref<80x128xi32, #tpu.memory_space<vmem>> -> memref<1x128xi32, #tpu.memory_space<vmem>>
      %dma_wait3A_222 = tpu.memref_squeeze %dma_wait3A_221 : memref<1x128xi32, #tpu.memory_space<vmem>> -> memref<128xi32, #tpu.memory_space<vmem>>
      %dma_wait3A_223 = arith.constant 0 : i32
      %dma_wait3A_224 = arith.constant 0 : i32
      %dma_wait3A_225 = tpu.memref_slice %arg2[%dma_wait3A_223, %dma_wait3A_224] : memref<10240x64xf32, #tpu.memory_space<hbm>> -> memref<10240x64xf32, #tpu.memory_space<hbm>>
      tpu.wait_indirect_dma semaphore(%arg15 : memref<!tpu.dma_semaphore, #tpu.memory_space<semaphore_mem>>) src(%dma_wait3A_225 : memref<10240x64xf32, #tpu.memory_space<hbm>>) dst(%dma_wait3A_219 : memref<128x64xf32, #tpu.memory_space<vmem>>)
      %mul3A_226 = arith.constant 8 : i32
      %mul3A_227 = arith.muli %scan3A_106, %mul3A_226 : i32
      %add3A_228 = arith.constant 4 : i32
      %add3A_229 = arith.addi %mul3A_227, %add3A_228 : i32
      %dma_start3A_230 = arith.constant 4 : i32
      %dma_start3A_231 = arith.constant 0 : i32
      %dma_start3A_232 = arith.constant 0 : i32
      %dma_start3A_233 = tpu.memref_slice %arg9[%dma_start3A_230, %dma_start3A_231, %dma_start3A_232] : memref<8x128x64xf32, #tpu.memory_space<vmem>> -> memref<1x128x64xf32, #tpu.memory_space<vmem>>
      %dma_start3A_234 = tpu.memref_squeeze %dma_start3A_233 : memref<1x128x64xf32, #tpu.memory_space<vmem>> -> memref<128x64xf32, #tpu.memory_space<vmem>>
      %dma_start3A_235 = arith.constant 0 : i32
      %dma_start3A_236 = tpu.memref_slice %arg8[%add3A_229, %dma_start3A_235] : memref<80x128xi32, #tpu.memory_space<vmem>> -> memref<1x128xi32, #tpu.memory_space<vmem>>
      %dma_start3A_237 = tpu.memref_squeeze %dma_start3A_236 : memref<1x128xi32, #tpu.memory_space<vmem>> -> memref<128xi32, #tpu.memory_space<vmem>>
      %dma_start3A_238 = arith.constant 0 : i32
      %dma_start3A_239 = arith.constant 0 : i32
      %dma_start3A_240 = tpu.memref_slice %arg10[%dma_start3A_238, %dma_start3A_239] : memref<10240x64xf32, #tpu.memory_space<vmem_shared>> -> memref<10240x64xf32, #tpu.memory_space<vmem_shared>>
      tpu.enqueue_indirect_dma source(%dma_start3A_234 : memref<128x64xf32, #tpu.memory_space<vmem>>) target(%dma_start3A_240 : memref<10240x64xf32, #tpu.memory_space<vmem_shared>>) offsets(%dma_start3A_237 : memref<128xi32, #tpu.memory_space<vmem>>) semaphore(%arg23 : memref<!tpu.dma_semaphore, #tpu.memory_space<semaphore_mem>>) {add = true}
      %dma_wait3A_241 = arith.constant 0 : i32
      %dma_wait3A_242 = arith.constant 5 : i32
      %dma_wait3A_243 = arith.constant 0 : i32
      %dma_wait3A_244 = arith.constant 0 : i32
      %dma_wait3A_245 = tpu.memref_slice %arg9[%dma_wait3A_242, %dma_wait3A_243, %dma_wait3A_244] : memref<8x128x64xf32, #tpu.memory_space<vmem>> -> memref<1x128x64xf32, #tpu.memory_space<vmem>>
      %dma_wait3A_246 = tpu.memref_squeeze %dma_wait3A_245 : memref<1x128x64xf32, #tpu.memory_space<vmem>> -> memref<128x64xf32, #tpu.memory_space<vmem>>
      %dma_wait3A_247 = arith.constant 0 : i32
      %dma_wait3A_248 = tpu.memref_slice %arg7[%dma_wait3A_241, %dma_wait3A_247] : memref<80x128xi32, #tpu.memory_space<vmem>> -> memref<1x128xi32, #tpu.memory_space<vmem>>
      %dma_wait3A_249 = tpu.memref_squeeze %dma_wait3A_248 : memref<1x128xi32, #tpu.memory_space<vmem>> -> memref<128xi32, #tpu.memory_space<vmem>>
      %dma_wait3A_250 = arith.constant 0 : i32
      %dma_wait3A_251 = arith.constant 0 : i32
      %dma_wait3A_252 = tpu.memref_slice %arg2[%dma_wait3A_250, %dma_wait3A_251] : memref<10240x64xf32, #tpu.memory_space<hbm>> -> memref<10240x64xf32, #tpu.memory_space<hbm>>
      tpu.wait_indirect_dma semaphore(%arg16 : memref<!tpu.dma_semaphore, #tpu.memory_space<semaphore_mem>>) src(%dma_wait3A_252 : memref<10240x64xf32, #tpu.memory_space<hbm>>) dst(%dma_wait3A_246 : memref<128x64xf32, #tpu.memory_space<vmem>>)
      %mul3A_253 = arith.constant 8 : i32
      %mul3A_254 = arith.muli %scan3A_106, %mul3A_253 : i32
      %add3A_255 = arith.constant 5 : i32
      %add3A_256 = arith.addi %mul3A_254, %add3A_255 : i32
      %dma_start3A_257 = arith.constant 5 : i32
      %dma_start3A_258 = arith.constant 0 : i32
      %dma_start3A_259 = arith.constant 0 : i32
      %dma_start3A_260 = tpu.memref_slice %arg9[%dma_start3A_257, %dma_start3A_258, %dma_start3A_259] : memref<8x128x64xf32, #tpu.memory_space<vmem>> -> memref<1x128x64xf32, #tpu.memory_space<vmem>>
      %dma_start3A_261 = tpu.memref_squeeze %dma_start3A_260 : memref<1x128x64xf32, #tpu.memory_space<vmem>> -> memref<128x64xf32, #tpu.memory_space<vmem>>
      %dma_start3A_262 = arith.constant 0 : i32
      %dma_start3A_263 = tpu.memref_slice %arg8[%add3A_256, %dma_start3A_262] : memref<80x128xi32, #tpu.memory_space<vmem>> -> memref<1x128xi32, #tpu.memory_space<vmem>>
      %dma_start3A_264 = tpu.memref_squeeze %dma_start3A_263 : memref<1x128xi32, #tpu.memory_space<vmem>> -> memref<128xi32, #tpu.memory_space<vmem>>
      %dma_start3A_265 = arith.constant 0 : i32
      %dma_start3A_266 = arith.constant 0 : i32
      %dma_start3A_267 = tpu.memref_slice %arg10[%dma_start3A_265, %dma_start3A_266] : memref<10240x64xf32, #tpu.memory_space<vmem_shared>> -> memref<10240x64xf32, #tpu.memory_space<vmem_shared>>
      tpu.enqueue_indirect_dma source(%dma_start3A_261 : memref<128x64xf32, #tpu.memory_space<vmem>>) target(%dma_start3A_267 : memref<10240x64xf32, #tpu.memory_space<vmem_shared>>) offsets(%dma_start3A_264 : memref<128xi32, #tpu.memory_space<vmem>>) semaphore(%arg24 : memref<!tpu.dma_semaphore, #tpu.memory_space<semaphore_mem>>) {add = true}
      %dma_wait3A_268 = arith.constant 0 : i32
      %dma_wait3A_269 = arith.constant 6 : i32
      %dma_wait3A_270 = arith.constant 0 : i32
      %dma_wait3A_271 = arith.constant 0 : i32
      %dma_wait3A_272 = tpu.memref_slice %arg9[%dma_wait3A_269, %dma_wait3A_270, %dma_wait3A_271] : memref<8x128x64xf32, #tpu.memory_space<vmem>> -> memref<1x128x64xf32, #tpu.memory_space<vmem>>
      %dma_wait3A_273 = tpu.memref_squeeze %dma_wait3A_272 : memref<1x128x64xf32, #tpu.memory_space<vmem>> -> memref<128x64xf32, #tpu.memory_space<vmem>>
      %dma_wait3A_274 = arith.constant 0 : i32
      %dma_wait3A_275 = tpu.memref_slice %arg7[%dma_wait3A_268, %dma_wait3A_274] : memref<80x128xi32, #tpu.memory_space<vmem>> -> memref<1x128xi32, #tpu.memory_space<vmem>>
      %dma_wait3A_276 = tpu.memref_squeeze %dma_wait3A_275 : memref<1x128xi32, #tpu.memory_space<vmem>> -> memref<128xi32, #tpu.memory_space<vmem>>
      %dma_wait3A_277 = arith.constant 0 : i32
      %dma_wait3A_278 = arith.constant 0 : i32
      %dma_wait3A_279 = tpu.memref_slice %arg2[%dma_wait3A_277, %dma_wait3A_278] : memref<10240x64xf32, #tpu.memory_space<hbm>> -> memref<10240x64xf32, #tpu.memory_space<hbm>>
      tpu.wait_indirect_dma semaphore(%arg17 : memref<!tpu.dma_semaphore, #tpu.memory_space<semaphore_mem>>) src(%dma_wait3A_279 : memref<10240x64xf32, #tpu.memory_space<hbm>>) dst(%dma_wait3A_273 : memref<128x64xf32, #tpu.memory_space<vmem>>)
      %mul3A_280 = arith.constant 8 : i32
      %mul3A_281 = arith.muli %scan3A_106, %mul3A_280 : i32
      %add3A_282 = arith.constant 6 : i32
      %add3A_283 = arith.addi %mul3A_281, %add3A_282 : i32
      %dma_start3A_284 = arith.constant 6 : i32
      %dma_start3A_285 = arith.constant 0 : i32
      %dma_start3A_286 = arith.constant 0 : i32
      %dma_start3A_287 = tpu.memref_slice %arg9[%dma_start3A_284, %dma_start3A_285, %dma_start3A_286] : memref<8x128x64xf32, #tpu.memory_space<vmem>> -> memref<1x128x64xf32, #tpu.memory_space<vmem>>
      %dma_start3A_288 = tpu.memref_squeeze %dma_start3A_287 : memref<1x128x64xf32, #tpu.memory_space<vmem>> -> memref<128x64xf32, #tpu.memory_space<vmem>>
      %dma_start3A_289 = arith.constant 0 : i32
      %dma_start3A_290 = tpu.memref_slice %arg8[%add3A_283, %dma_start3A_289] : memref<80x128xi32, #tpu.memory_space<vmem>> -> memref<1x128xi32, #tpu.memory_space<vmem>>
      %dma_start3A_291 = tpu.memref_squeeze %dma_start3A_290 : memref<1x128xi32, #tpu.memory_space<vmem>> -> memref<128xi32, #tpu.memory_space<vmem>>
      %dma_start3A_292 = arith.constant 0 : i32
      %dma_start3A_293 = arith.constant 0 : i32
      %dma_start3A_294 = tpu.memref_slice %arg10[%dma_start3A_292, %dma_start3A_293] : memref<10240x64xf32, #tpu.memory_space<vmem_shared>> -> memref<10240x64xf32, #tpu.memory_space<vmem_shared>>
      tpu.enqueue_indirect_dma source(%dma_start3A_288 : memref<128x64xf32, #tpu.memory_space<vmem>>) target(%dma_start3A_294 : memref<10240x64xf32, #tpu.memory_space<vmem_shared>>) offsets(%dma_start3A_291 : memref<128xi32, #tpu.memory_space<vmem>>) semaphore(%arg25 : memref<!tpu.dma_semaphore, #tpu.memory_space<semaphore_mem>>) {add = true}
      %dma_wait3A_295 = arith.constant 0 : i32
      %dma_wait3A_296 = arith.constant 7 : i32
      %dma_wait3A_297 = arith.constant 0 : i32
      %dma_wait3A_298 = arith.constant 0 : i32
      %dma_wait3A_299 = tpu.memref_slice %arg9[%dma_wait3A_296, %dma_wait3A_297, %dma_wait3A_298] : memref<8x128x64xf32, #tpu.memory_space<vmem>> -> memref<1x128x64xf32, #tpu.memory_space<vmem>>
      %dma_wait3A_300 = tpu.memref_squeeze %dma_wait3A_299 : memref<1x128x64xf32, #tpu.memory_space<vmem>> -> memref<128x64xf32, #tpu.memory_space<vmem>>
      %dma_wait3A_301 = arith.constant 0 : i32
      %dma_wait3A_302 = tpu.memref_slice %arg7[%dma_wait3A_295, %dma_wait3A_301] : memref<80x128xi32, #tpu.memory_space<vmem>> -> memref<1x128xi32, #tpu.memory_space<vmem>>
      %dma_wait3A_303 = tpu.memref_squeeze %dma_wait3A_302 : memref<1x128xi32, #tpu.memory_space<vmem>> -> memref<128xi32, #tpu.memory_space<vmem>>
      %dma_wait3A_304 = arith.constant 0 : i32
      %dma_wait3A_305 = arith.constant 0 : i32
      %dma_wait3A_306 = tpu.memref_slice %arg2[%dma_wait3A_304, %dma_wait3A_305] : memref<10240x64xf32, #tpu.memory_space<hbm>> -> memref<10240x64xf32, #tpu.memory_space<hbm>>
      tpu.wait_indirect_dma semaphore(%arg18 : memref<!tpu.dma_semaphore, #tpu.memory_space<semaphore_mem>>) src(%dma_wait3A_306 : memref<10240x64xf32, #tpu.memory_space<hbm>>) dst(%dma_wait3A_300 : memref<128x64xf32, #tpu.memory_space<vmem>>)
      %mul3A_307 = arith.constant 8 : i32
      %mul3A_308 = arith.muli %scan3A_106, %mul3A_307 : i32
      %add3A_309 = arith.constant 7 : i32
      %add3A_310 = arith.addi %mul3A_308, %add3A_309 : i32
      %dma_start3A_311 = arith.constant 7 : i32
      %dma_start3A_312 = arith.constant 0 : i32
      %dma_start3A_313 = arith.constant 0 : i32
      %dma_start3A_314 = tpu.memref_slice %arg9[%dma_start3A_311, %dma_start3A_312, %dma_start3A_313] : memref<8x128x64xf32, #tpu.memory_space<vmem>> -> memref<1x128x64xf32, #tpu.memory_space<vmem>>
      %dma_start3A_315 = tpu.memref_squeeze %dma_start3A_314 : memref<1x128x64xf32, #tpu.memory_space<vmem>> -> memref<128x64xf32, #tpu.memory_space<vmem>>
      %dma_start3A_316 = arith.constant 0 : i32
      %dma_start3A_317 = tpu.memref_slice %arg8[%add3A_310, %dma_start3A_316] : memref<80x128xi32, #tpu.memory_space<vmem>> -> memref<1x128xi32, #tpu.memory_space<vmem>>
      %dma_start3A_318 = tpu.memref_squeeze %dma_start3A_317 : memref<1x128xi32, #tpu.memory_space<vmem>> -> memref<128xi32, #tpu.memory_space<vmem>>
      %dma_start3A_319 = arith.constant 0 : i32
      %dma_start3A_320 = arith.constant 0 : i32
      %dma_start3A_321 = tpu.memref_slice %arg10[%dma_start3A_319, %dma_start3A_320] : memref<10240x64xf32, #tpu.memory_space<vmem_shared>> -> memref<10240x64xf32, #tpu.memory_space<vmem_shared>>
      tpu.enqueue_indirect_dma source(%dma_start3A_315 : memref<128x64xf32, #tpu.memory_space<vmem>>) target(%dma_start3A_321 : memref<10240x64xf32, #tpu.memory_space<vmem_shared>>) offsets(%dma_start3A_318 : memref<128xi32, #tpu.memory_space<vmem>>) semaphore(%arg26 : memref<!tpu.dma_semaphore, #tpu.memory_space<semaphore_mem>>) {add = true}
      %dma_wait3A_322 = arith.constant 0 : i32
      %dma_wait3A_323 = arith.constant 0 : i32
      %dma_wait3A_324 = arith.constant 0 : i32
      %dma_wait3A_325 = arith.constant 0 : i32
      %dma_wait3A_326 = tpu.memref_slice %arg9[%dma_wait3A_322, %dma_wait3A_324, %dma_wait3A_325] : memref<8x128x64xf32, #tpu.memory_space<vmem>> -> memref<1x128x64xf32, #tpu.memory_space<vmem>>
      %dma_wait3A_327 = tpu.memref_squeeze %dma_wait3A_326 : memref<1x128x64xf32, #tpu.memory_space<vmem>> -> memref<128x64xf32, #tpu.memory_space<vmem>>
      %dma_wait3A_328 = arith.constant 0 : i32
      %dma_wait3A_329 = tpu.memref_slice %arg8[%dma_wait3A_323, %dma_wait3A_328] : memref<80x128xi32, #tpu.memory_space<vmem>> -> memref<1x128xi32, #tpu.memory_space<vmem>>
      %dma_wait3A_330 = tpu.memref_squeeze %dma_wait3A_329 : memref<1x128xi32, #tpu.memory_space<vmem>> -> memref<128xi32, #tpu.memory_space<vmem>>
      %dma_wait3A_331 = arith.constant 0 : i32
      %dma_wait3A_332 = arith.constant 0 : i32
      %dma_wait3A_333 = tpu.memref_slice %arg10[%dma_wait3A_331, %dma_wait3A_332] : memref<10240x64xf32, #tpu.memory_space<vmem_shared>> -> memref<10240x64xf32, #tpu.memory_space<vmem_shared>>
      tpu.wait_indirect_dma semaphore(%arg19 : memref<!tpu.dma_semaphore, #tpu.memory_space<semaphore_mem>>) src(%dma_wait3A_327 : memref<128x64xf32, #tpu.memory_space<vmem>>) dst(%dma_wait3A_333 : memref<10240x64xf32, #tpu.memory_space<vmem_shared>>)
      %add3A_334 = arith.constant 1 : i32
      %add3A_335 = arith.addi %scan3A_106, %add3A_334 : i32
      %lt3A = arith.constant 10 : i32
      %lt3A_336 = arith.cmpi slt, %add3A_335, %lt3A : i32
      %convert_element_type3A = arith.extui %lt3A_336 : i1 to i32
      %cond3A = arith.constant 0 : i32
      %cond3A_337 = arith.cmpi ne, %convert_element_type3A, %cond3A : i32
      scf.if %cond3A_337 {
        %add3A_471 = arith.constant 1 : i32
        %add3A_472 = arith.addi %scan3A_106, %add3A_471 : i32
        %mul3A_473 = arith.constant 8 : i32
        %mul3A_474 = arith.muli %add3A_472, %mul3A_473 : i32
        %add3A_475 = arith.constant 0 : i32
        %add3A_476 = arith.addi %mul3A_474, %add3A_475 : i32
        %dma_start3A_477 = arith.constant 0 : i32
        %dma_start3A_478 = arith.constant 0 : i32
        %dma_start3A_479 = arith.constant 0 : i32
        %dma_start3A_480 = tpu.memref_slice %arg9[%dma_start3A_477, %dma_start3A_478, %dma_start3A_479] : memref<8x128x64xf32, #tpu.memory_space<vmem>> -> memref<1x128x64xf32, #tpu.memory_space<vmem>>
        %dma_start3A_481 = tpu.memref_squeeze %dma_start3A_480 : memref<1x128x64xf32, #tpu.memory_space<vmem>> -> memref<128x64xf32, #tpu.memory_space<vmem>>
        %dma_start3A_482 = arith.constant 0 : i32
        %dma_start3A_483 = tpu.memref_slice %arg7[%add3A_476, %dma_start3A_482] : memref<80x128xi32, #tpu.memory_space<vmem>> -> memref<1x128xi32, #tpu.memory_space<vmem>>
        %dma_start3A_484 = tpu.memref_squeeze %dma_start3A_483 : memref<1x128xi32, #tpu.memory_space<vmem>> -> memref<128xi32, #tpu.memory_space<vmem>>
        %dma_start3A_485 = arith.constant 0 : i32
        %dma_start3A_486 = arith.constant 0 : i32
        %dma_start3A_487 = tpu.memref_slice %arg2[%dma_start3A_485, %dma_start3A_486] : memref<10240x64xf32, #tpu.memory_space<hbm>> -> memref<10240x64xf32, #tpu.memory_space<hbm>>
        tpu.enqueue_indirect_dma source(%dma_start3A_487 : memref<10240x64xf32, #tpu.memory_space<hbm>>) target(%dma_start3A_481 : memref<128x64xf32, #tpu.memory_space<vmem>>) offsets(%dma_start3A_484 : memref<128xi32, #tpu.memory_space<vmem>>) semaphore(%arg11 : memref<!tpu.dma_semaphore, #tpu.memory_space<semaphore_mem>>)
      } else {
      }
      %dma_wait3A_338 = arith.constant 1 : i32
      %dma_wait3A_339 = arith.constant 0 : i32
      %dma_wait3A_340 = arith.constant 0 : i32
      %dma_wait3A_341 = arith.constant 0 : i32
      %dma_wait3A_342 = tpu.memref_slice %arg9[%dma_wait3A_338, %dma_wait3A_340, %dma_wait3A_341] : memref<8x128x64xf32, #tpu.memory_space<vmem>> -> memref<1x128x64xf32, #tpu.memory_space<vmem>>
      %dma_wait3A_343 = tpu.memref_squeeze %dma_wait3A_342 : memref<1x128x64xf32, #tpu.memory_space<vmem>> -> memref<128x64xf32, #tpu.memory_space<vmem>>
      %dma_wait3A_344 = arith.constant 0 : i32
      %dma_wait3A_345 = tpu.memref_slice %arg8[%dma_wait3A_339, %dma_wait3A_344] : memref<80x128xi32, #tpu.memory_space<vmem>> -> memref<1x128xi32, #tpu.memory_space<vmem>>
      %dma_wait3A_346 = tpu.memref_squeeze %dma_wait3A_345 : memref<1x128xi32, #tpu.memory_space<vmem>> -> memref<128xi32, #tpu.memory_space<vmem>>
      %dma_wait3A_347 = arith.constant 0 : i32
      %dma_wait3A_348 = arith.constant 0 : i32
      %dma_wait3A_349 = tpu.memref_slice %arg10[%dma_wait3A_347, %dma_wait3A_348] : memref<10240x64xf32, #tpu.memory_space<vmem_shared>> -> memref<10240x64xf32, #tpu.memory_space<vmem_shared>>
      tpu.wait_indirect_dma semaphore(%arg20 : memref<!tpu.dma_semaphore, #tpu.memory_space<semaphore_mem>>) src(%dma_wait3A_343 : memref<128x64xf32, #tpu.memory_space<vmem>>) dst(%dma_wait3A_349 : memref<10240x64xf32, #tpu.memory_space<vmem_shared>>)
      %add3A_350 = arith.constant 1 : i32
      %add3A_351 = arith.addi %scan3A_106, %add3A_350 : i32
      %lt3A_352 = arith.constant 10 : i32
      %lt3A_353 = arith.cmpi slt, %add3A_351, %lt3A_352 : i32
      %convert_element_type3A_354 = arith.extui %lt3A_353 : i1 to i32
      %cond3A_355 = arith.constant 0 : i32
      %cond3A_356 = arith.cmpi ne, %convert_element_type3A_354, %cond3A_355 : i32
      scf.if %cond3A_356 {
        %add3A_471 = arith.constant 1 : i32
        %add3A_472 = arith.addi %scan3A_106, %add3A_471 : i32
        %mul3A_473 = arith.constant 8 : i32
        %mul3A_474 = arith.muli %add3A_472, %mul3A_473 : i32
        %add3A_475 = arith.constant 1 : i32
        %add3A_476 = arith.addi %mul3A_474, %add3A_475 : i32
        %dma_start3A_477 = arith.constant 1 : i32
        %dma_start3A_478 = arith.constant 0 : i32
        %dma_start3A_479 = arith.constant 0 : i32
        %dma_start3A_480 = tpu.memref_slice %arg9[%dma_start3A_477, %dma_start3A_478, %dma_start3A_479] : memref<8x128x64xf32, #tpu.memory_space<vmem>> -> memref<1x128x64xf32, #tpu.memory_space<vmem>>
        %dma_start3A_481 = tpu.memref_squeeze %dma_start3A_480 : memref<1x128x64xf32, #tpu.memory_space<vmem>> -> memref<128x64xf32, #tpu.memory_space<vmem>>
        %dma_start3A_482 = arith.constant 0 : i32
        %dma_start3A_483 = tpu.memref_slice %arg7[%add3A_476, %dma_start3A_482] : memref<80x128xi32, #tpu.memory_space<vmem>> -> memref<1x128xi32, #tpu.memory_space<vmem>>
        %dma_start3A_484 = tpu.memref_squeeze %dma_start3A_483 : memref<1x128xi32, #tpu.memory_space<vmem>> -> memref<128xi32, #tpu.memory_space<vmem>>
        %dma_start3A_485 = arith.constant 0 : i32
        %dma_start3A_486 = arith.constant 0 : i32
        %dma_start3A_487 = tpu.memref_slice %arg2[%dma_start3A_485, %dma_start3A_486] : memref<10240x64xf32, #tpu.memory_space<hbm>> -> memref<10240x64xf32, #tpu.memory_space<hbm>>
        tpu.enqueue_indirect_dma source(%dma_start3A_487 : memref<10240x64xf32, #tpu.memory_space<hbm>>) target(%dma_start3A_481 : memref<128x64xf32, #tpu.memory_space<vmem>>) offsets(%dma_start3A_484 : memref<128xi32, #tpu.memory_space<vmem>>) semaphore(%arg12 : memref<!tpu.dma_semaphore, #tpu.memory_space<semaphore_mem>>)
      } else {
      }
      %dma_wait3A_357 = arith.constant 2 : i32
      %dma_wait3A_358 = arith.constant 0 : i32
      %dma_wait3A_359 = arith.constant 0 : i32
      %dma_wait3A_360 = arith.constant 0 : i32
      %dma_wait3A_361 = tpu.memref_slice %arg9[%dma_wait3A_357, %dma_wait3A_359, %dma_wait3A_360] : memref<8x128x64xf32, #tpu.memory_space<vmem>> -> memref<1x128x64xf32, #tpu.memory_space<vmem>>
      %dma_wait3A_362 = tpu.memref_squeeze %dma_wait3A_361 : memref<1x128x64xf32, #tpu.memory_space<vmem>> -> memref<128x64xf32, #tpu.memory_space<vmem>>
      %dma_wait3A_363 = arith.constant 0 : i32
      %dma_wait3A_364 = tpu.memref_slice %arg8[%dma_wait3A_358, %dma_wait3A_363] : memref<80x128xi32, #tpu.memory_space<vmem>> -> memref<1x128xi32, #tpu.memory_space<vmem>>
      %dma_wait3A_365 = tpu.memref_squeeze %dma_wait3A_364 : memref<1x128xi32, #tpu.memory_space<vmem>> -> memref<128xi32, #tpu.memory_space<vmem>>
      %dma_wait3A_366 = arith.constant 0 : i32
      %dma_wait3A_367 = arith.constant 0 : i32
      %dma_wait3A_368 = tpu.memref_slice %arg10[%dma_wait3A_366, %dma_wait3A_367] : memref<10240x64xf32, #tpu.memory_space<vmem_shared>> -> memref<10240x64xf32, #tpu.memory_space<vmem_shared>>
      tpu.wait_indirect_dma semaphore(%arg21 : memref<!tpu.dma_semaphore, #tpu.memory_space<semaphore_mem>>) src(%dma_wait3A_362 : memref<128x64xf32, #tpu.memory_space<vmem>>) dst(%dma_wait3A_368 : memref<10240x64xf32, #tpu.memory_space<vmem_shared>>)
      %add3A_369 = arith.constant 1 : i32
      %add3A_370 = arith.addi %scan3A_106, %add3A_369 : i32
      %lt3A_371 = arith.constant 10 : i32
      %lt3A_372 = arith.cmpi slt, %add3A_370, %lt3A_371 : i32
      %convert_element_type3A_373 = arith.extui %lt3A_372 : i1 to i32
      %cond3A_374 = arith.constant 0 : i32
      %cond3A_375 = arith.cmpi ne, %convert_element_type3A_373, %cond3A_374 : i32
      scf.if %cond3A_375 {
        %add3A_471 = arith.constant 1 : i32
        %add3A_472 = arith.addi %scan3A_106, %add3A_471 : i32
        %mul3A_473 = arith.constant 8 : i32
        %mul3A_474 = arith.muli %add3A_472, %mul3A_473 : i32
        %add3A_475 = arith.constant 2 : i32
        %add3A_476 = arith.addi %mul3A_474, %add3A_475 : i32
        %dma_start3A_477 = arith.constant 2 : i32
        %dma_start3A_478 = arith.constant 0 : i32
        %dma_start3A_479 = arith.constant 0 : i32
        %dma_start3A_480 = tpu.memref_slice %arg9[%dma_start3A_477, %dma_start3A_478, %dma_start3A_479] : memref<8x128x64xf32, #tpu.memory_space<vmem>> -> memref<1x128x64xf32, #tpu.memory_space<vmem>>
        %dma_start3A_481 = tpu.memref_squeeze %dma_start3A_480 : memref<1x128x64xf32, #tpu.memory_space<vmem>> -> memref<128x64xf32, #tpu.memory_space<vmem>>
        %dma_start3A_482 = arith.constant 0 : i32
        %dma_start3A_483 = tpu.memref_slice %arg7[%add3A_476, %dma_start3A_482] : memref<80x128xi32, #tpu.memory_space<vmem>> -> memref<1x128xi32, #tpu.memory_space<vmem>>
        %dma_start3A_484 = tpu.memref_squeeze %dma_start3A_483 : memref<1x128xi32, #tpu.memory_space<vmem>> -> memref<128xi32, #tpu.memory_space<vmem>>
        %dma_start3A_485 = arith.constant 0 : i32
        %dma_start3A_486 = arith.constant 0 : i32
        %dma_start3A_487 = tpu.memref_slice %arg2[%dma_start3A_485, %dma_start3A_486] : memref<10240x64xf32, #tpu.memory_space<hbm>> -> memref<10240x64xf32, #tpu.memory_space<hbm>>
        tpu.enqueue_indirect_dma source(%dma_start3A_487 : memref<10240x64xf32, #tpu.memory_space<hbm>>) target(%dma_start3A_481 : memref<128x64xf32, #tpu.memory_space<vmem>>) offsets(%dma_start3A_484 : memref<128xi32, #tpu.memory_space<vmem>>) semaphore(%arg13 : memref<!tpu.dma_semaphore, #tpu.memory_space<semaphore_mem>>)
      } else {
      }
      %dma_wait3A_376 = arith.constant 3 : i32
      %dma_wait3A_377 = arith.constant 0 : i32
      %dma_wait3A_378 = arith.constant 0 : i32
      %dma_wait3A_379 = arith.constant 0 : i32
      %dma_wait3A_380 = tpu.memref_slice %arg9[%dma_wait3A_376, %dma_wait3A_378, %dma_wait3A_379] : memref<8x128x64xf32, #tpu.memory_space<vmem>> -> memref<1x128x64xf32, #tpu.memory_space<vmem>>
      %dma_wait3A_381 = tpu.memref_squeeze %dma_wait3A_380 : memref<1x128x64xf32, #tpu.memory_space<vmem>> -> memref<128x64xf32, #tpu.memory_space<vmem>>
      %dma_wait3A_382 = arith.constant 0 : i32
      %dma_wait3A_383 = tpu.memref_slice %arg8[%dma_wait3A_377, %dma_wait3A_382] : memref<80x128xi32, #tpu.memory_space<vmem>> -> memref<1x128xi32, #tpu.memory_space<vmem>>
      %dma_wait3A_384 = tpu.memref_squeeze %dma_wait3A_383 : memref<1x128xi32, #tpu.memory_space<vmem>> -> memref<128xi32, #tpu.memory_space<vmem>>
      %dma_wait3A_385 = arith.constant 0 : i32
      %dma_wait3A_386 = arith.constant 0 : i32
      %dma_wait3A_387 = tpu.memref_slice %arg10[%dma_wait3A_385, %dma_wait3A_386] : memref<10240x64xf32, #tpu.memory_space<vmem_shared>> -> memref<10240x64xf32, #tpu.memory_space<vmem_shared>>
      tpu.wait_indirect_dma semaphore(%arg22 : memref<!tpu.dma_semaphore, #tpu.memory_space<semaphore_mem>>) src(%dma_wait3A_381 : memref<128x64xf32, #tpu.memory_space<vmem>>) dst(%dma_wait3A_387 : memref<10240x64xf32, #tpu.memory_space<vmem_shared>>)
      %add3A_388 = arith.constant 1 : i32
      %add3A_389 = arith.addi %scan3A_106, %add3A_388 : i32
      %lt3A_390 = arith.constant 10 : i32
      %lt3A_391 = arith.cmpi slt, %add3A_389, %lt3A_390 : i32
      %convert_element_type3A_392 = arith.extui %lt3A_391 : i1 to i32
      %cond3A_393 = arith.constant 0 : i32
      %cond3A_394 = arith.cmpi ne, %convert_element_type3A_392, %cond3A_393 : i32
      scf.if %cond3A_394 {
        %add3A_471 = arith.constant 1 : i32
        %add3A_472 = arith.addi %scan3A_106, %add3A_471 : i32
        %mul3A_473 = arith.constant 8 : i32
        %mul3A_474 = arith.muli %add3A_472, %mul3A_473 : i32
        %add3A_475 = arith.constant 3 : i32
        %add3A_476 = arith.addi %mul3A_474, %add3A_475 : i32
        %dma_start3A_477 = arith.constant 3 : i32
        %dma_start3A_478 = arith.constant 0 : i32
        %dma_start3A_479 = arith.constant 0 : i32
        %dma_start3A_480 = tpu.memref_slice %arg9[%dma_start3A_477, %dma_start3A_478, %dma_start3A_479] : memref<8x128x64xf32, #tpu.memory_space<vmem>> -> memref<1x128x64xf32, #tpu.memory_space<vmem>>
        %dma_start3A_481 = tpu.memref_squeeze %dma_start3A_480 : memref<1x128x64xf32, #tpu.memory_space<vmem>> -> memref<128x64xf32, #tpu.memory_space<vmem>>
        %dma_start3A_482 = arith.constant 0 : i32
        %dma_start3A_483 = tpu.memref_slice %arg7[%add3A_476, %dma_start3A_482] : memref<80x128xi32, #tpu.memory_space<vmem>> -> memref<1x128xi32, #tpu.memory_space<vmem>>
        %dma_start3A_484 = tpu.memref_squeeze %dma_start3A_483 : memref<1x128xi32, #tpu.memory_space<vmem>> -> memref<128xi32, #tpu.memory_space<vmem>>
        %dma_start3A_485 = arith.constant 0 : i32
        %dma_start3A_486 = arith.constant 0 : i32
        %dma_start3A_487 = tpu.memref_slice %arg2[%dma_start3A_485, %dma_start3A_486] : memref<10240x64xf32, #tpu.memory_space<hbm>> -> memref<10240x64xf32, #tpu.memory_space<hbm>>
        tpu.enqueue_indirect_dma source(%dma_start3A_487 : memref<10240x64xf32, #tpu.memory_space<hbm>>) target(%dma_start3A_481 : memref<128x64xf32, #tpu.memory_space<vmem>>) offsets(%dma_start3A_484 : memref<128xi32, #tpu.memory_space<vmem>>) semaphore(%arg14 : memref<!tpu.dma_semaphore, #tpu.memory_space<semaphore_mem>>)
      } else {
      }
      %dma_wait3A_395 = arith.constant 4 : i32
      %dma_wait3A_396 = arith.constant 0 : i32
      %dma_wait3A_397 = arith.constant 0 : i32
      %dma_wait3A_398 = arith.constant 0 : i32
      %dma_wait3A_399 = tpu.memref_slice %arg9[%dma_wait3A_395, %dma_wait3A_397, %dma_wait3A_398] : memref<8x128x64xf32, #tpu.memory_space<vmem>> -> memref<1x128x64xf32, #tpu.memory_space<vmem>>
      %dma_wait3A_400 = tpu.memref_squeeze %dma_wait3A_399 : memref<1x128x64xf32, #tpu.memory_space<vmem>> -> memref<128x64xf32, #tpu.memory_space<vmem>>
      %dma_wait3A_401 = arith.constant 0 : i32
      %dma_wait3A_402 = tpu.memref_slice %arg8[%dma_wait3A_396, %dma_wait3A_401] : memref<80x128xi32, #tpu.memory_space<vmem>> -> memref<1x128xi32, #tpu.memory_space<vmem>>
      %dma_wait3A_403 = tpu.memref_squeeze %dma_wait3A_402 : memref<1x128xi32, #tpu.memory_space<vmem>> -> memref<128xi32, #tpu.memory_space<vmem>>
      %dma_wait3A_404 = arith.constant 0 : i32
      %dma_wait3A_405 = arith.constant 0 : i32
      %dma_wait3A_406 = tpu.memref_slice %arg10[%dma_wait3A_404, %dma_wait3A_405] : memref<10240x64xf32, #tpu.memory_space<vmem_shared>> -> memref<10240x64xf32, #tpu.memory_space<vmem_shared>>
      tpu.wait_indirect_dma semaphore(%arg23 : memref<!tpu.dma_semaphore, #tpu.memory_space<semaphore_mem>>) src(%dma_wait3A_400 : memref<128x64xf32, #tpu.memory_space<vmem>>) dst(%dma_wait3A_406 : memref<10240x64xf32, #tpu.memory_space<vmem_shared>>)
      %add3A_407 = arith.constant 1 : i32
      %add3A_408 = arith.addi %scan3A_106, %add3A_407 : i32
      %lt3A_409 = arith.constant 10 : i32
      %lt3A_410 = arith.cmpi slt, %add3A_408, %lt3A_409 : i32
      %convert_element_type3A_411 = arith.extui %lt3A_410 : i1 to i32
      %cond3A_412 = arith.constant 0 : i32
      %cond3A_413 = arith.cmpi ne, %convert_element_type3A_411, %cond3A_412 : i32
      scf.if %cond3A_413 {
        %add3A_471 = arith.constant 1 : i32
        %add3A_472 = arith.addi %scan3A_106, %add3A_471 : i32
        %mul3A_473 = arith.constant 8 : i32
        %mul3A_474 = arith.muli %add3A_472, %mul3A_473 : i32
        %add3A_475 = arith.constant 4 : i32
        %add3A_476 = arith.addi %mul3A_474, %add3A_475 : i32
        %dma_start3A_477 = arith.constant 4 : i32
        %dma_start3A_478 = arith.constant 0 : i32
        %dma_start3A_479 = arith.constant 0 : i32
        %dma_start3A_480 = tpu.memref_slice %arg9[%dma_start3A_477, %dma_start3A_478, %dma_start3A_479] : memref<8x128x64xf32, #tpu.memory_space<vmem>> -> memref<1x128x64xf32, #tpu.memory_space<vmem>>
        %dma_start3A_481 = tpu.memref_squeeze %dma_start3A_480 : memref<1x128x64xf32, #tpu.memory_space<vmem>> -> memref<128x64xf32, #tpu.memory_space<vmem>>
        %dma_start3A_482 = arith.constant 0 : i32
        %dma_start3A_483 = tpu.memref_slice %arg7[%add3A_476, %dma_start3A_482] : memref<80x128xi32, #tpu.memory_space<vmem>> -> memref<1x128xi32, #tpu.memory_space<vmem>>
        %dma_start3A_484 = tpu.memref_squeeze %dma_start3A_483 : memref<1x128xi32, #tpu.memory_space<vmem>> -> memref<128xi32, #tpu.memory_space<vmem>>
        %dma_start3A_485 = arith.constant 0 : i32
        %dma_start3A_486 = arith.constant 0 : i32
        %dma_start3A_487 = tpu.memref_slice %arg2[%dma_start3A_485, %dma_start3A_486] : memref<10240x64xf32, #tpu.memory_space<hbm>> -> memref<10240x64xf32, #tpu.memory_space<hbm>>
        tpu.enqueue_indirect_dma source(%dma_start3A_487 : memref<10240x64xf32, #tpu.memory_space<hbm>>) target(%dma_start3A_481 : memref<128x64xf32, #tpu.memory_space<vmem>>) offsets(%dma_start3A_484 : memref<128xi32, #tpu.memory_space<vmem>>) semaphore(%arg15 : memref<!tpu.dma_semaphore, #tpu.memory_space<semaphore_mem>>)
      } else {
      }
      %dma_wait3A_414 = arith.constant 5 : i32
      %dma_wait3A_415 = arith.constant 0 : i32
      %dma_wait3A_416 = arith.constant 0 : i32
      %dma_wait3A_417 = arith.constant 0 : i32
      %dma_wait3A_418 = tpu.memref_slice %arg9[%dma_wait3A_414, %dma_wait3A_416, %dma_wait3A_417] : memref<8x128x64xf32, #tpu.memory_space<vmem>> -> memref<1x128x64xf32, #tpu.memory_space<vmem>>
      %dma_wait3A_419 = tpu.memref_squeeze %dma_wait3A_418 : memref<1x128x64xf32, #tpu.memory_space<vmem>> -> memref<128x64xf32, #tpu.memory_space<vmem>>
      %dma_wait3A_420 = arith.constant 0 : i32
      %dma_wait3A_421 = tpu.memref_slice %arg8[%dma_wait3A_415, %dma_wait3A_420] : memref<80x128xi32, #tpu.memory_space<vmem>> -> memref<1x128xi32, #tpu.memory_space<vmem>>
      %dma_wait3A_422 = tpu.memref_squeeze %dma_wait3A_421 : memref<1x128xi32, #tpu.memory_space<vmem>> -> memref<128xi32, #tpu.memory_space<vmem>>
      %dma_wait3A_423 = arith.constant 0 : i32
      %dma_wait3A_424 = arith.constant 0 : i32
      %dma_wait3A_425 = tpu.memref_slice %arg10[%dma_wait3A_423, %dma_wait3A_424] : memref<10240x64xf32, #tpu.memory_space<vmem_shared>> -> memref<10240x64xf32, #tpu.memory_space<vmem_shared>>
      tpu.wait_indirect_dma semaphore(%arg24 : memref<!tpu.dma_semaphore, #tpu.memory_space<semaphore_mem>>) src(%dma_wait3A_419 : memref<128x64xf32, #tpu.memory_space<vmem>>) dst(%dma_wait3A_425 : memref<10240x64xf32, #tpu.memory_space<vmem_shared>>)
      %add3A_426 = arith.constant 1 : i32
      %add3A_427 = arith.addi %scan3A_106, %add3A_426 : i32
      %lt3A_428 = arith.constant 10 : i32
      %lt3A_429 = arith.cmpi slt, %add3A_427, %lt3A_428 : i32
      %convert_element_type3A_430 = arith.extui %lt3A_429 : i1 to i32
      %cond3A_431 = arith.constant 0 : i32
      %cond3A_432 = arith.cmpi ne, %convert_element_type3A_430, %cond3A_431 : i32
      scf.if %cond3A_432 {
        %add3A_471 = arith.constant 1 : i32
        %add3A_472 = arith.addi %scan3A_106, %add3A_471 : i32
        %mul3A_473 = arith.constant 8 : i32
        %mul3A_474 = arith.muli %add3A_472, %mul3A_473 : i32
        %add3A_475 = arith.constant 5 : i32
        %add3A_476 = arith.addi %mul3A_474, %add3A_475 : i32
        %dma_start3A_477 = arith.constant 5 : i32
        %dma_start3A_478 = arith.constant 0 : i32
        %dma_start3A_479 = arith.constant 0 : i32
        %dma_start3A_480 = tpu.memref_slice %arg9[%dma_start3A_477, %dma_start3A_478, %dma_start3A_479] : memref<8x128x64xf32, #tpu.memory_space<vmem>> -> memref<1x128x64xf32, #tpu.memory_space<vmem>>
        %dma_start3A_481 = tpu.memref_squeeze %dma_start3A_480 : memref<1x128x64xf32, #tpu.memory_space<vmem>> -> memref<128x64xf32, #tpu.memory_space<vmem>>
        %dma_start3A_482 = arith.constant 0 : i32
        %dma_start3A_483 = tpu.memref_slice %arg7[%add3A_476, %dma_start3A_482] : memref<80x128xi32, #tpu.memory_space<vmem>> -> memref<1x128xi32, #tpu.memory_space<vmem>>
        %dma_start3A_484 = tpu.memref_squeeze %dma_start3A_483 : memref<1x128xi32, #tpu.memory_space<vmem>> -> memref<128xi32, #tpu.memory_space<vmem>>
        %dma_start3A_485 = arith.constant 0 : i32
        %dma_start3A_486 = arith.constant 0 : i32
        %dma_start3A_487 = tpu.memref_slice %arg2[%dma_start3A_485, %dma_start3A_486] : memref<10240x64xf32, #tpu.memory_space<hbm>> -> memref<10240x64xf32, #tpu.memory_space<hbm>>
        tpu.enqueue_indirect_dma source(%dma_start3A_487 : memref<10240x64xf32, #tpu.memory_space<hbm>>) target(%dma_start3A_481 : memref<128x64xf32, #tpu.memory_space<vmem>>) offsets(%dma_start3A_484 : memref<128xi32, #tpu.memory_space<vmem>>) semaphore(%arg16 : memref<!tpu.dma_semaphore, #tpu.memory_space<semaphore_mem>>)
      } else {
      }
      %dma_wait3A_433 = arith.constant 6 : i32
      %dma_wait3A_434 = arith.constant 0 : i32
      %dma_wait3A_435 = arith.constant 0 : i32
      %dma_wait3A_436 = arith.constant 0 : i32
      %dma_wait3A_437 = tpu.memref_slice %arg9[%dma_wait3A_433, %dma_wait3A_435, %dma_wait3A_436] : memref<8x128x64xf32, #tpu.memory_space<vmem>> -> memref<1x128x64xf32, #tpu.memory_space<vmem>>
      %dma_wait3A_438 = tpu.memref_squeeze %dma_wait3A_437 : memref<1x128x64xf32, #tpu.memory_space<vmem>> -> memref<128x64xf32, #tpu.memory_space<vmem>>
      %dma_wait3A_439 = arith.constant 0 : i32
      %dma_wait3A_440 = tpu.memref_slice %arg8[%dma_wait3A_434, %dma_wait3A_439] : memref<80x128xi32, #tpu.memory_space<vmem>> -> memref<1x128xi32, #tpu.memory_space<vmem>>
      %dma_wait3A_441 = tpu.memref_squeeze %dma_wait3A_440 : memref<1x128xi32, #tpu.memory_space<vmem>> -> memref<128xi32, #tpu.memory_space<vmem>>
      %dma_wait3A_442 = arith.constant 0 : i32
      %dma_wait3A_443 = arith.constant 0 : i32
      %dma_wait3A_444 = tpu.memref_slice %arg10[%dma_wait3A_442, %dma_wait3A_443] : memref<10240x64xf32, #tpu.memory_space<vmem_shared>> -> memref<10240x64xf32, #tpu.memory_space<vmem_shared>>
      tpu.wait_indirect_dma semaphore(%arg25 : memref<!tpu.dma_semaphore, #tpu.memory_space<semaphore_mem>>) src(%dma_wait3A_438 : memref<128x64xf32, #tpu.memory_space<vmem>>) dst(%dma_wait3A_444 : memref<10240x64xf32, #tpu.memory_space<vmem_shared>>)
      %add3A_445 = arith.constant 1 : i32
      %add3A_446 = arith.addi %scan3A_106, %add3A_445 : i32
      %lt3A_447 = arith.constant 10 : i32
      %lt3A_448 = arith.cmpi slt, %add3A_446, %lt3A_447 : i32
      %convert_element_type3A_449 = arith.extui %lt3A_448 : i1 to i32
      %cond3A_450 = arith.constant 0 : i32
      %cond3A_451 = arith.cmpi ne, %convert_element_type3A_449, %cond3A_450 : i32
      scf.if %cond3A_451 {
        %add3A_471 = arith.constant 1 : i32
        %add3A_472 = arith.addi %scan3A_106, %add3A_471 : i32
        %mul3A_473 = arith.constant 8 : i32
        %mul3A_474 = arith.muli %add3A_472, %mul3A_473 : i32
        %add3A_475 = arith.constant 6 : i32
        %add3A_476 = arith.addi %mul3A_474, %add3A_475 : i32
        %dma_start3A_477 = arith.constant 6 : i32
        %dma_start3A_478 = arith.constant 0 : i32
        %dma_start3A_479 = arith.constant 0 : i32
        %dma_start3A_480 = tpu.memref_slice %arg9[%dma_start3A_477, %dma_start3A_478, %dma_start3A_479] : memref<8x128x64xf32, #tpu.memory_space<vmem>> -> memref<1x128x64xf32, #tpu.memory_space<vmem>>
        %dma_start3A_481 = tpu.memref_squeeze %dma_start3A_480 : memref<1x128x64xf32, #tpu.memory_space<vmem>> -> memref<128x64xf32, #tpu.memory_space<vmem>>
        %dma_start3A_482 = arith.constant 0 : i32
        %dma_start3A_483 = tpu.memref_slice %arg7[%add3A_476, %dma_start3A_482] : memref<80x128xi32, #tpu.memory_space<vmem>> -> memref<1x128xi32, #tpu.memory_space<vmem>>
        %dma_start3A_484 = tpu.memref_squeeze %dma_start3A_483 : memref<1x128xi32, #tpu.memory_space<vmem>> -> memref<128xi32, #tpu.memory_space<vmem>>
        %dma_start3A_485 = arith.constant 0 : i32
        %dma_start3A_486 = arith.constant 0 : i32
        %dma_start3A_487 = tpu.memref_slice %arg2[%dma_start3A_485, %dma_start3A_486] : memref<10240x64xf32, #tpu.memory_space<hbm>> -> memref<10240x64xf32, #tpu.memory_space<hbm>>
        tpu.enqueue_indirect_dma source(%dma_start3A_487 : memref<10240x64xf32, #tpu.memory_space<hbm>>) target(%dma_start3A_481 : memref<128x64xf32, #tpu.memory_space<vmem>>) offsets(%dma_start3A_484 : memref<128xi32, #tpu.memory_space<vmem>>) semaphore(%arg17 : memref<!tpu.dma_semaphore, #tpu.memory_space<semaphore_mem>>)
      } else {
      }
      %dma_wait3A_452 = arith.constant 7 : i32
      %dma_wait3A_453 = arith.constant 0 : i32
      %dma_wait3A_454 = arith.constant 0 : i32
      %dma_wait3A_455 = arith.constant 0 : i32
      %dma_wait3A_456 = tpu.memref_slice %arg9[%dma_wait3A_452, %dma_wait3A_454, %dma_wait3A_455] : memref<8x128x64xf32, #tpu.memory_space<vmem>> -> memref<1x128x64xf32, #tpu.memory_space<vmem>>
      %dma_wait3A_457 = tpu.memref_squeeze %dma_wait3A_456 : memref<1x128x64xf32, #tpu.memory_space<vmem>> -> memref<128x64xf32, #tpu.memory_space<vmem>>
      %dma_wait3A_458 = arith.constant 0 : i32
      %dma_wait3A_459 = tpu.memref_slice %arg8[%dma_wait3A_453, %dma_wait3A_458] : memref<80x128xi32, #tpu.memory_space<vmem>> -> memref<1x128xi32, #tpu.memory_space<vmem>>
      %dma_wait3A_460 = tpu.memref_squeeze %dma_wait3A_459 : memref<1x128xi32, #tpu.memory_space<vmem>> -> memref<128xi32, #tpu.memory_space<vmem>>
      %dma_wait3A_461 = arith.constant 0 : i32
      %dma_wait3A_462 = arith.constant 0 : i32
      %dma_wait3A_463 = tpu.memref_slice %arg10[%dma_wait3A_461, %dma_wait3A_462] : memref<10240x64xf32, #tpu.memory_space<vmem_shared>> -> memref<10240x64xf32, #tpu.memory_space<vmem_shared>>
      tpu.wait_indirect_dma semaphore(%arg26 : memref<!tpu.dma_semaphore, #tpu.memory_space<semaphore_mem>>) src(%dma_wait3A_457 : memref<128x64xf32, #tpu.memory_space<vmem>>) dst(%dma_wait3A_463 : memref<10240x64xf32, #tpu.memory_space<vmem_shared>>)
      %add3A_464 = arith.constant 1 : i32
      %add3A_465 = arith.addi %scan3A_106, %add3A_464 : i32
      %lt3A_466 = arith.constant 10 : i32
      %lt3A_467 = arith.cmpi slt, %add3A_465, %lt3A_466 : i32
      %convert_element_type3A_468 = arith.extui %lt3A_467 : i1 to i32
      %cond3A_469 = arith.constant 0 : i32
      %cond3A_470 = arith.cmpi ne, %convert_element_type3A_468, %cond3A_469 : i32
      scf.if %cond3A_470 {
        %add3A_471 = arith.constant 1 : i32
        %add3A_472 = arith.addi %scan3A_106, %add3A_471 : i32
        %mul3A_473 = arith.constant 8 : i32
        %mul3A_474 = arith.muli %add3A_472, %mul3A_473 : i32
        %add3A_475 = arith.constant 7 : i32
        %add3A_476 = arith.addi %mul3A_474, %add3A_475 : i32
        %dma_start3A_477 = arith.constant 7 : i32
        %dma_start3A_478 = arith.constant 0 : i32
        %dma_start3A_479 = arith.constant 0 : i32
        %dma_start3A_480 = tpu.memref_slice %arg9[%dma_start3A_477, %dma_start3A_478, %dma_start3A_479] : memref<8x128x64xf32, #tpu.memory_space<vmem>> -> memref<1x128x64xf32, #tpu.memory_space<vmem>>
        %dma_start3A_481 = tpu.memref_squeeze %dma_start3A_480 : memref<1x128x64xf32, #tpu.memory_space<vmem>> -> memref<128x64xf32, #tpu.memory_space<vmem>>
        %dma_start3A_482 = arith.constant 0 : i32
        %dma_start3A_483 = tpu.memref_slice %arg7[%add3A_476, %dma_start3A_482] : memref<80x128xi32, #tpu.memory_space<vmem>> -> memref<1x128xi32, #tpu.memory_space<vmem>>
        %dma_start3A_484 = tpu.memref_squeeze %dma_start3A_483 : memref<1x128xi32, #tpu.memory_space<vmem>> -> memref<128xi32, #tpu.memory_space<vmem>>
        %dma_start3A_485 = arith.constant 0 : i32
        %dma_start3A_486 = arith.constant 0 : i32
        %dma_start3A_487 = tpu.memref_slice %arg2[%dma_start3A_485, %dma_start3A_486] : memref<10240x64xf32, #tpu.memory_space<hbm>> -> memref<10240x64xf32, #tpu.memory_space<hbm>>
        tpu.enqueue_indirect_dma source(%dma_start3A_487 : memref<10240x64xf32, #tpu.memory_space<hbm>>) target(%dma_start3A_481 : memref<128x64xf32, #tpu.memory_space<vmem>>) offsets(%dma_start3A_484 : memref<128xi32, #tpu.memory_space<vmem>>) semaphore(%arg18 : memref<!tpu.dma_semaphore, #tpu.memory_space<semaphore_mem>>)
      } else {
      }
    }
    %scan3A_104 = arith.constant 10 : i32
    %barrier3A_105 = arith.constant 0 : index
    tpu.barrier barrier_id(%barrier3A_105)
    "tpu.region"() ({
      %run_scoped3A = tpu.sem_alloc : memref<!tpu.dma_semaphore, #tpu.memory_space<semaphore_mem>>
      %dma_start3A_106 = arith.constant 0 : i32
      %dma_start3A_107 = tpu.memref_slice %arg6[%arg0, %mul3A_4, %dma_start3A_106] : memref<2x10240x64xf32, #tpu.memory_space<hbm>> -> memref<1x640x64xf32, #tpu.memory_space<hbm>>
      %dma_start3A_108 = tpu.memref_squeeze %dma_start3A_107 : memref<1x640x64xf32, #tpu.memory_space<hbm>> -> memref<640x64xf32, #tpu.memory_space<hbm>>
      %dma_start3A_109 = arith.constant 0 : i32
      %dma_start3A_110 = tpu.memref_slice %arg10[%mul3A_4, %dma_start3A_109] : memref<10240x64xf32, #tpu.memory_space<vmem_shared>> -> memref<640x64xf32, #tpu.memory_space<vmem_shared>>
      tpu.enqueue_dma source(%dma_start3A_110 : memref<640x64xf32, #tpu.memory_space<vmem_shared>>) target(%dma_start3A_108 : memref<640x64xf32, #tpu.memory_space<hbm>>) target_semaphore(%run_scoped3A : memref<!tpu.dma_semaphore, #tpu.memory_space<semaphore_mem>>)
      %dma_wait3A = arith.constant 0 : i32
      %dma_wait3A_111 = tpu.memref_slice %arg6[%arg0, %mul3A_4, %dma_wait3A] : memref<2x10240x64xf32, #tpu.memory_space<hbm>> -> memref<1x640x64xf32, #tpu.memory_space<hbm>>
      %dma_wait3A_112 = tpu.memref_squeeze %dma_wait3A_111 : memref<1x640x64xf32, #tpu.memory_space<hbm>> -> memref<640x64xf32, #tpu.memory_space<hbm>>
      %dma_wait3A_113 = arith.constant 0 : i32
      %dma_wait3A_114 = tpu.memref_slice %arg10[%mul3A_4, %dma_wait3A_113] : memref<10240x64xf32, #tpu.memory_space<vmem_shared>> -> memref<640x64xf32, #tpu.memory_space<vmem_shared>>
      tpu.wait_dma2 semaphore(%run_scoped3A : memref<!tpu.dma_semaphore, #tpu.memory_space<semaphore_mem>>) src(%dma_wait3A_114 : memref<640x64xf32, #tpu.memory_space<vmem_shared>>) dst(%dma_wait3A_112 : memref<640x64xf32, #tpu.memory_space<hbm>>)
      tpu.yield
    }) : () -> ()
    return
  }
}

module attributes {stable_mosaic.version = 14 : i64} {
  func.func @body(%arg0: i32, %arg1: memref<1280x2xf32, #tpu.memory_space<vmem>>, %arg2: memref<1280x128xf32, #tpu.memory_space<vmem>>, %arg3: memref<128x64xf32, #tpu.memory_space<vmem>>, %arg4: memref<1280x64xf32, #tpu.memory_space<vmem>>, %arg5: memref<1280x1xf32, #tpu.memory_space<vmem>>) attributes {dimension_semantics = [#tpu.dimension_semantics<arbitrary>], iteration_bounds = array<i64: 8>, scalar_prefetch = 0 : i64, scratch_operands = 0 : i64, tpu.core_type = #tpu.core_type<tc>, window_params = [{transform_indices = @transform_0, window_bounds = array<i64: 1280, 2>}, {transform_indices = @transform_1, window_bounds = array<i64: 1280, 128>}, {pipeline_mode = #tpu.pipeline_mode<synchronous>, transform_indices = @transform_2, window_bounds = array<i64: 128, 64>}, {transform_indices = @transform_3, window_bounds = array<i64: 1280, 64>}, {transform_indices = @transform_4, window_bounds = array<i64: 1280, 1>}]} {
    %get3A = arith.constant 0 : index
    %get3A_0 = arith.constant 0 : index
    %get3A_1 = vector.load %arg1[%get3A, %get3A_0] : memref<1280x2xf32, #tpu.memory_space<vmem>>, vector<1280x2xf32>
    %slice3A = vector.extract_strided_slice %get3A_1 {offsets = [0, 0], sizes = [1280, 1], strides = [1, 1]} : vector<1280x2xf32> to vector<1280x1xf32>
    %slice3A_2 = vector.extract_strided_slice %get3A_1 {offsets = [0, 1], sizes = [1280, 1], strides = [1, 1]} : vector<1280x2xf32> to vector<1280x1xf32>
    %add3A = arith.addf %slice3A, %slice3A_2 : vector<1280x1xf32>
    %add3A_3 = arith.constant 1.000000e+00 : f32
    %add3A_4 = vector.broadcast %add3A_3 : f32 to vector<1280x1xf32>
    %add3A_5 = arith.addf %add3A, %add3A_4 : vector<1280x1xf32>
    %max3A = arith.constant 9.99999996E-13 : f32
    %max3A_6 = vector.broadcast %max3A : f32 to vector<1280x1xf32>
    %max3A_7 = arith.maximumf %add3A_5, %max3A_6 : vector<1280x1xf32>
    %rsqrt3A = math.rsqrt %max3A_7 : vector<1280x1xf32>
    %get3A_8 = arith.constant 0 : index
    %get3A_9 = arith.constant 0 : index
    %get3A_10 = vector.load %arg2[%get3A_8, %get3A_9] : memref<1280x128xf32, #tpu.memory_space<vmem>>, vector<1280x128xf32>
    %get3A_11 = arith.constant 0 : index
    %get3A_12 = arith.constant 0 : index
    %get3A_13 = vector.load %arg3[%get3A_11, %get3A_12] : memref<128x64xf32, #tpu.memory_space<vmem>>, vector<128x64xf32>
    %dot_general3A = arith.constant dense<0.000000e+00> : vector<1280x64xf32>
    %dot_general3A_14 = tpu.matmul %get3A_10, %get3A_13, %dot_general3A {dimension_numbers = #tpu.dot_dimension_numbers<[1], [0], [0], [1], [0, 0, 1, 1], [], []>, transpose_lhs_hint = false} : vector<1280x128xf32>, vector<128x64xf32>, vector<1280x64xf32> -> vector<1280x64xf32>
    %mul3A = vector.broadcast %rsqrt3A : vector<1280x1xf32> to vector<1280x64xf32>
    %mul3A_15 = arith.mulf %mul3A, %dot_general3A_14 : vector<1280x64xf32>
    %swap3A = arith.constant 0 : index
    %swap3A_16 = arith.constant 0 : index
    %swap3A_17 = vector.load %arg4[%swap3A, %swap3A_16] : memref<1280x64xf32, #tpu.memory_space<vmem>>, vector<1280x64xf32>
    tpu.vector_store %arg4[%swap3A, %swap3A_16], %mul3A_15 {strides = array<i32>} : memref<1280x64xf32, #tpu.memory_space<vmem>>, vector<1280x64xf32>,
    %swap3A_18 = arith.constant 0 : index
    %swap3A_19 = arith.constant 0 : index
    %swap3A_20 = vector.load %arg5[%swap3A_18, %swap3A_19] : memref<1280x1xf32, #tpu.memory_space<vmem>>, vector<1280x1xf32>
    tpu.vector_store %arg5[%swap3A_18, %swap3A_19], %rsqrt3A {strides = array<i32>} : memref<1280x1xf32, #tpu.memory_space<vmem>>, vector<1280x1xf32>,
    return
  }
  func.func @transform_0(%arg0: i32) -> (i32, i32) {
    %c0_i32 = arith.constant 0 : i32
    %c0_i32_0 = arith.constant 0 : i32
    return %arg0, %c0_i32 : i32, i32
  }
  func.func @transform_1(%arg0: i32) -> (i32, i32) {
    %c0_i32 = arith.constant 0 : i32
    %c0_i32_0 = arith.constant 0 : i32
    return %arg0, %c0_i32 : i32, i32
  }
  func.func @transform_2(%arg0: i32) -> (i32, i32) {
    %c0_i32 = arith.constant 0 : i32
    %c0_i32_0 = arith.constant 0 : i32
    %c0_i32_1 = arith.constant 0 : i32
    return %c0_i32, %c0_i32_0 : i32, i32
  }
  func.func @transform_3(%arg0: i32) -> (i32, i32) {
    %c0_i32 = arith.constant 0 : i32
    %c0_i32_0 = arith.constant 0 : i32
    return %arg0, %c0_i32 : i32, i32
  }
  func.func @transform_4(%arg0: i32) -> (i32, i32) {
    %c0_i32 = arith.constant 0 : i32
    %c0_i32_0 = arith.constant 0 : i32
    return %arg0, %c0_i32 : i32, i32
  }
}

module attributes {stable_mosaic.version = 14 : i64} {
  func.func @body(%arg0: i32, %arg1: memref<2x1280x64xf32, #tpu.memory_space<vmem>>, %arg2: memref<1280x64xf32, #tpu.memory_space<vmem>>, %arg3: memref<1280x1xf32, #tpu.memory_space<vmem>>, %arg4: memref<1x64xf32, #tpu.memory_space<vmem>>, %arg5: memref<64x64xf32, #tpu.memory_space<vmem>>, %arg6: memref<1280x64xf32, #tpu.memory_space<vmem>>) attributes {dimension_semantics = [#tpu.dimension_semantics<arbitrary>], iteration_bounds = array<i64: 8>, scalar_prefetch = 0 : i64, scratch_operands = 0 : i64, tpu.core_type = #tpu.core_type<tc>, window_params = [{transform_indices = @transform_0, window_bounds = array<i64: 2, 1280, 64>}, {transform_indices = @transform_1, window_bounds = array<i64: 1280, 64>}, {transform_indices = @transform_2, window_bounds = array<i64: 1280, 1>}, {pipeline_mode = #tpu.pipeline_mode<synchronous>, transform_indices = @transform_3, window_bounds = array<i64: 1, 64>}, {pipeline_mode = #tpu.pipeline_mode<synchronous>, transform_indices = @transform_4, window_bounds = array<i64: 64, 64>}, {transform_indices = @transform_5, window_bounds = array<i64: 1280, 64>}]} {
    %get3A = arith.constant 0 : index
    %get3A_0 = arith.constant 0 : index
    %get3A_1 = arith.constant 0 : index
    %get3A_2 = vector.load %arg1[%get3A, %get3A_0, %get3A_1] : memref<2x1280x64xf32, #tpu.memory_space<vmem>>, vector<1x1280x64xf32>
    %get3A_3 = vector.shape_cast %get3A_2 : vector<1x1280x64xf32> to vector<1280x64xf32>
    %get3A_4 = arith.constant 1 : index
    %get3A_5 = arith.constant 0 : index
    %get3A_6 = arith.constant 0 : index
    %get3A_7 = vector.load %arg1[%get3A_4, %get3A_5, %get3A_6] : memref<2x1280x64xf32, #tpu.memory_space<vmem>>, vector<1x1280x64xf32>
    %get3A_8 = vector.shape_cast %get3A_7 : vector<1x1280x64xf32> to vector<1280x64xf32>
    %add3A = arith.addf %get3A_3, %get3A_8 : vector<1280x64xf32>
    %get3A_9 = arith.constant 0 : index
    %get3A_10 = arith.constant 0 : index
    %get3A_11 = vector.load %arg2[%get3A_9, %get3A_10] : memref<1280x64xf32, #tpu.memory_space<vmem>>, vector<1280x64xf32>
    %add3A_12 = arith.addf %add3A, %get3A_11 : vector<1280x64xf32>
    %get3A_13 = arith.constant 0 : index
    %get3A_14 = arith.constant 0 : index
    %get3A_15 = vector.load %arg3[%get3A_13, %get3A_14] : memref<1280x1xf32, #tpu.memory_space<vmem>>, vector<1280x1xf32>
    %mul3A = vector.broadcast %get3A_15 : vector<1280x1xf32> to vector<1280x64xf32>
    %mul3A_16 = arith.mulf %mul3A, %add3A_12 : vector<1280x64xf32>
    %get3A_17 = arith.constant 0 : index
    %get3A_18 = arith.constant 0 : index
    %get3A_19 = vector.load %arg4[%get3A_17, %get3A_18] : memref<1x64xf32, #tpu.memory_space<vmem>>, vector<1x64xf32>
    %add3A_20 = vector.broadcast %get3A_19 : vector<1x64xf32> to vector<1280x64xf32>
    %add3A_21 = arith.addf %mul3A_16, %add3A_20 : vector<1280x64xf32>
    %max3A = arith.constant 0.000000e+00 : f32
    %max3A_22 = vector.broadcast %max3A : f32 to vector<1280x64xf32>
    %max3A_23 = arith.maximumf %add3A_21, %max3A_22 : vector<1280x64xf32>
    %get3A_24 = arith.constant 0 : index
    %get3A_25 = arith.constant 0 : index
    %get3A_26 = vector.load %arg5[%get3A_24, %get3A_25] : memref<64x64xf32, #tpu.memory_space<vmem>>, vector<64x64xf32>
    %dot_general3A = arith.constant dense<0.000000e+00> : vector<1280x64xf32>
    %dot_general3A_27 = tpu.matmul %max3A_23, %get3A_26, %dot_general3A {dimension_numbers = #tpu.dot_dimension_numbers<[1], [0], [0], [1], [0, 0, 1, 1], [], []>, transpose_lhs_hint = false} : vector<1280x64xf32>, vector<64x64xf32>, vector<1280x64xf32> -> vector<1280x64xf32>
    %get3A_28 = arith.constant 0 : index
    %get3A_29 = arith.constant 0 : index
    %get3A_30 = vector.load %arg3[%get3A_28, %get3A_29] : memref<1280x1xf32, #tpu.memory_space<vmem>>, vector<1280x1xf32>
    %mul3A_31 = vector.broadcast %get3A_30 : vector<1280x1xf32> to vector<1280x64xf32>
    %mul3A_32 = arith.mulf %mul3A_31, %dot_general3A_27 : vector<1280x64xf32>
    %swap3A = arith.constant 0 : index
    %swap3A_33 = arith.constant 0 : index
    %swap3A_34 = vector.load %arg6[%swap3A, %swap3A_33] : memref<1280x64xf32, #tpu.memory_space<vmem>>, vector<1280x64xf32>
    tpu.vector_store %arg6[%swap3A, %swap3A_33], %mul3A_32 {strides = array<i32>} : memref<1280x64xf32, #tpu.memory_space<vmem>>, vector<1280x64xf32>,
    return
  }
  func.func @transform_0(%arg0: i32) -> (i32, i32, i32) {
    %c0_i32 = arith.constant 0 : i32
    %c0_i32_0 = arith.constant 0 : i32
    %c0_i32_1 = arith.constant 0 : i32
    return %c0_i32, %arg0, %c0_i32_0 : i32, i32, i32
  }
  func.func @transform_1(%arg0: i32) -> (i32, i32) {
    %c0_i32 = arith.constant 0 : i32
    %c0_i32_0 = arith.constant 0 : i32
    return %arg0, %c0_i32 : i32, i32
  }
  func.func @transform_2(%arg0: i32) -> (i32, i32) {
    %c0_i32 = arith.constant 0 : i32
    %c0_i32_0 = arith.constant 0 : i32
    return %arg0, %c0_i32 : i32, i32
  }
  func.func @transform_3(%arg0: i32) -> (i32, i32) {
    %c0_i32 = arith.constant 0 : i32
    %c0_i32_0 = arith.constant 0 : i32
    %c0_i32_1 = arith.constant 0 : i32
    return %c0_i32, %c0_i32_0 : i32, i32
  }
  func.func @transform_4(%arg0: i32) -> (i32, i32) {
    %c0_i32 = arith.constant 0 : i32
    %c0_i32_0 = arith.constant 0 : i32
    %c0_i32_1 = arith.constant 0 : i32
    return %c0_i32, %c0_i32_0 : i32, i32
  }
  func.func @transform_5(%arg0: i32) -> (i32, i32) {
    %c0_i32 = arith.constant 0 : i32
    %c0_i32_0 = arith.constant 0 : i32
    return %arg0, %c0_i32 : i32, i32
  }
}

module attributes {stable_mosaic.version = 14 : i64} {
  func.func @body(%arg0: i32, %arg1: memref<2x2000x64xf32, #tpu.memory_space<vmem>>, %arg2: memref<2000x64xf32, #tpu.memory_space<vmem>>, %arg3: memref<2000x1xf32, #tpu.memory_space<vmem>>, %arg4: memref<1x64xf32, #tpu.memory_space<vmem>>, %arg5: memref<2000x64xf32, #tpu.memory_space<vmem>>) attributes {dimension_semantics = [#tpu.dimension_semantics<arbitrary>], iteration_bounds = array<i64: 5>, scalar_prefetch = 0 : i64, scratch_operands = 0 : i64, tpu.core_type = #tpu.core_type<tc>, window_params = [{transform_indices = @transform_0, window_bounds = array<i64: 2, 2000, 64>}, {transform_indices = @transform_1, window_bounds = array<i64: 2000, 64>}, {transform_indices = @transform_2, window_bounds = array<i64: 2000, 1>}, {pipeline_mode = #tpu.pipeline_mode<synchronous>, transform_indices = @transform_3, window_bounds = array<i64: 1, 64>}, {transform_indices = @transform_4, window_bounds = array<i64: 2000, 64>}]} {
    %get3A = arith.constant 0 : index
    %get3A_0 = arith.constant 0 : index
    %get3A_1 = arith.constant 0 : index
    %get3A_2 = vector.load %arg1[%get3A, %get3A_0, %get3A_1] : memref<2x2000x64xf32, #tpu.memory_space<vmem>>, vector<1x2000x64xf32>
    %get3A_3 = vector.shape_cast %get3A_2 : vector<1x2000x64xf32> to vector<2000x64xf32>
    %get3A_4 = arith.constant 1 : index
    %get3A_5 = arith.constant 0 : index
    %get3A_6 = arith.constant 0 : index
    %get3A_7 = vector.load %arg1[%get3A_4, %get3A_5, %get3A_6] : memref<2x2000x64xf32, #tpu.memory_space<vmem>>, vector<1x2000x64xf32>
    %get3A_8 = vector.shape_cast %get3A_7 : vector<1x2000x64xf32> to vector<2000x64xf32>
    %add3A = arith.addf %get3A_3, %get3A_8 : vector<2000x64xf32>
    %get3A_9 = arith.constant 0 : index
    %get3A_10 = arith.constant 0 : index
    %get3A_11 = vector.load %arg2[%get3A_9, %get3A_10] : memref<2000x64xf32, #tpu.memory_space<vmem>>, vector<2000x64xf32>
    %add3A_12 = arith.addf %add3A, %get3A_11 : vector<2000x64xf32>
    %get3A_13 = arith.constant 0 : index
    %get3A_14 = arith.constant 0 : index
    %get3A_15 = vector.load %arg3[%get3A_13, %get3A_14] : memref<2000x1xf32, #tpu.memory_space<vmem>>, vector<2000x1xf32>
    %mul3A = vector.broadcast %get3A_15 : vector<2000x1xf32> to vector<2000x64xf32>
    %mul3A_16 = arith.mulf %mul3A, %add3A_12 : vector<2000x64xf32>
    %get3A_17 = arith.constant 0 : index
    %get3A_18 = arith.constant 0 : index
    %get3A_19 = vector.load %arg4[%get3A_17, %get3A_18] : memref<1x64xf32, #tpu.memory_space<vmem>>, vector<1x64xf32>
    %add3A_20 = vector.broadcast %get3A_19 : vector<1x64xf32> to vector<2000x64xf32>
    %add3A_21 = arith.addf %mul3A_16, %add3A_20 : vector<2000x64xf32>
    %swap3A = arith.constant 0 : index
    %swap3A_22 = arith.constant 0 : index
    %swap3A_23 = vector.load %arg5[%swap3A, %swap3A_22] : memref<2000x64xf32, #tpu.memory_space<vmem>>, vector<2000x64xf32>
    tpu.vector_store %arg5[%swap3A, %swap3A_22], %add3A_21 {strides = array<i32>} : memref<2000x64xf32, #tpu.memory_space<vmem>>, vector<2000x64xf32>,
    return
  }
  func.func @transform_0(%arg0: i32) -> (i32, i32, i32) {
    %c0_i32 = arith.constant 0 : i32
    %c0_i32_0 = arith.constant 0 : i32
    %c0_i32_1 = arith.constant 0 : i32
    return %c0_i32, %arg0, %c0_i32_0 : i32, i32, i32
  }
  func.func @transform_1(%arg0: i32) -> (i32, i32) {
    %c0_i32 = arith.constant 0 : i32
    %c0_i32_0 = arith.constant 0 : i32
    return %arg0, %c0_i32 : i32, i32
  }
  func.func @transform_2(%arg0: i32) -> (i32, i32) {
    %c0_i32 = arith.constant 0 : i32
    %c0_i32_0 = arith.constant 0 : i32
    return %arg0, %c0_i32 : i32, i32
  }
  func.func @transform_3(%arg0: i32) -> (i32, i32) {
    %c0_i32 = arith.constant 0 : i32
    %c0_i32_0 = arith.constant 0 : i32
    %c0_i32_1 = arith.constant 0 : i32
    return %c0_i32, %c0_i32_0 : i32, i32
  }
  func.func @transform_4(%arg0: i32) -> (i32, i32) {
    %c0_i32 = arith.constant 0 : i32
    %c0_i32_0 = arith.constant 0 : i32
    return %arg0, %c0_i32 : i32, i32
  }
}

</mosaic_0001>

<sc_bundles>
// kernel: kernel.11.cloned.1.call-start
scs
__scs_entry_jumppad:
0x0: {  	(pc) =	sbr.rel $0x88, $3  }
0x1: {  	(tag) =	ssettag $0x0;
	lr =	simm.s32 $0x1  }
0x2: {  	[smem:$0x3F9B] =	sst lr;
	_ =	strace $0xD0000000  }
0x3: {  	_ = 	snop  }
0x4: {  	_ = 	snop  }
0x5: {  	_ = 	snop  }
0x6: {  	_ = 	snop  }
0x7: {  	_ = 	snop  }
__scs_overlays_trampoline_lowered:
0x8: {  	[smem:$0x3FAA] =	sst s0  }
0x9: {  	[smem:$0x3FAB] =	sst s1  }
0xa: {  	[smem:$0x3FAC] =	sst s2  }
0xb: {  	[smem:$0x3FAD] =	sst s3  }
0xc: {  	[smem:$0x3FAE] =	sst s4  }
0xd: {  	[smem:$0x3FAF] =	sst s5  }
0xe: {  	[smem:$0x3FB0] =	sst s6  }
0xf: {  	[smem:$0x3FB1] =	sst s7  }
0x10: {  	[smem:$0x3FB2] =	sst s8  }
0x11: {  	[smem:$0x3FB3] =	sst s9;
	s0 =	simm.s32 @!p0 $0x0  }
0x12: {  	s1 =	sld [smem:$0x3F99];
	s0 =	simm.s32 @p0 $0x1  }
0x13: {  	[smem:$0x3FB4] =	sst s0;
	s0 =	simm.s32 @!p1 $0x0  }
0x14: {  	s2 =	sld [smem:$0x3F98];
	s0 =	simm.s32 @p1 $0x1  }
0x15: {  	[smem:$0x3FB5] =	sst s0;
	s0 =	simm.s32 @!p2 $0x0  }
0x16: {  	s3 =	sld [smem:$0x3FDB];
	s0 =	simm.s32 @p2 $0x1  }
0x17: {  	s4 =	simm.s32 $0x1BF5;
	[smem:$0x3FB7] =	sst s0  }
0x18: {  	s0 =	sld [smem:$0x3F9A];
	_ =	swait.ge [sflag:s4], $0x0  }
0x19: {  	s7 =	sld [smem:$0x3F9B]  }
0x1a: {  	s8 =	sadd.s32 $0xFFFFE003, lr  }
0x1b: {  	s9 =	sadd.s32 $0xFFFFFEF7, lr;
	s5 =	simm.s32 $0xFFFFFFFF;
	p2 =	slt.u32 s8, $0xFFFFF086  }
0x1c: {  	p1 =	slt.u32 s9, $0xF7A;
	s5 =	simm.s32 @!p2 $0x0  }
0x1d: {  	s5 =	simm.s32 @p1 $0x1;
	p0 =	seq.s32 s7, s2  }
0x1e: {  	s7 =	smul.u32 @!p0 $0xF7A, s2;
	p2 =	seq.s32 @!p0 s5, $0x0  }
0x1f: {  	s9 =	smul.u32 $0xF7A, s1;
	s8 =	simm.s32 @!p0 $0x1BF5;
	p2 =	por !p2, p0  }
0x20: {  	[sflag:s8] =	ssyncset.s32 @!p0 $0xFFFFF086;
	s6 =	sadd.s32 @!p0 s3, s7;
	s7 =	simm.s32 @!p0 $0x108  }
0x21: {  	s3 =	sadd.s32 s3, s9;
	s6 =	sadd.s32 @!p0 $0x88, s6;
	s7 =	simm.s32 @p2 $0x1082  }
0x22: {  	[simem:s7], [sflag:s8] =	dma.local @!p0 [hbm:s6], $0xF7A  }
0x23: {  	s9 =	sor.u32 $0xD0000000, s2;
	s6 =	simm.s32 $0x108;
	_ =	swait.ge @!p0 [sflag:s8], $0x0  }
0x24: {  	s3 =	sadd.s32 $0x88, s3;
	s6 =	simm.s32 @!p1 $0x1082;
	[sflag:s4] =	ssyncset.s32 $0xFFFFF086  }
0x25: {  	[simem:s6], [sflag:s4] =	dma.local [hbm:s3], $0xF7A  }
0x26: {  	[smem:$0x3F9B] =	sst s1;
	(tag) =	ssettag s2;
	_ =	strace s9  }
0x27: {  	s1 =	sld [smem:$0x3FAB]  }
0x28: {  	s2 =	sld [smem:$0x3FAC]  }
0x29: {  	s4 =	sld [smem:$0x3FAE]  }
0x2a: {  	p0 =	seq.s32 s5, $0x0;
	s5 =	sld [smem:$0x3FAF]  }
0x2b: {  	s6 =	sld [smem:$0x3FB0]  }
0x2c: {  	s7 =	sld [smem:$0x3FB1]  }
0x2d: {  	s3 =	simm.s32 $0x108;
	s8 =	sld [smem:$0x3FB2]  }
0x2e: {  	s3 =	simm.s32 @!p0 $0x1082;
	s9 =	sld [smem:$0x3FB3]  }
0x2f: {  	lr =	sadd.s32 s0, s3;
	s0 =	sld [smem:$0x3FAA]  }
0x30: {  	s3 =	sld [smem:$0x3FAD]  }
0x31: {  	[smem:$0x3FB6] =	sst s10  }
0x32: {  	s10 =	sld [smem:$0x3FB4];
	_ =	sdelay $0x3  }
0x33: {  	p0 =	seq.s32 s10, $0x1;
	s10 =	sld [smem:$0x3FB6];
	_ =	sdelay $0x3  }
0x34: {  	[smem:$0x3FB6] =	sst s10  }
0x35: {  	s10 =	sld [smem:$0x3FB5];
	_ =	sdelay $0x3  }
0x36: {  	p1 =	seq.s32 s10, $0x1;
	s10 =	sld [smem:$0x3FB6];
	_ =	sdelay $0x3  }
0x37: {  	[smem:$0x3FB6] =	sst s10  }
0x38: {  	s10 =	sld [smem:$0x3FB7]  }
0x39: {  	_ = 	snop;
	(pc) =	sbr.ind lr, $3  }
0x3a: {  	_ = 	snop  }
0x3b: {  	_ = 	snop  }
0x3c: {  	p2 =	seq.s32 s10, $0x1;
	s10 =	sld [smem:$0x3FB6]  }
0x3d: {  	_ =	shalt  }
0x3e: {  	_ =	shalt  }
0x3f: {  	_ =	shalt  }
0x40: {  	_ =	shalt  }
0x41: {  	_ =	shalt  }
0x42: {  	_ =	shalt  }
0x43: {  	_ =	shalt  }
0x44: {  	_ =	shalt  }
0x45: {  	_ =	shalt  }
0x46: {  	_ =	shalt  }
0x47: {  	_ =	shalt  }
0x48: {  	_ =	shalt  }
0x49: {  	_ =	shalt  }
0x4a: {  	_ =	shalt  }
0x4b: {  	_ =	shalt  }
0x4c: {  	_ =	shalt  }
0x4d: {  	_ =	shalt  }
0x4e: {  	_ =	shalt  }
0x4f: {  	_ =	shalt  }
0x50: {  	_ =	shalt  }
0x51: {  	_ =	shalt  }
0x52: {  	_ =	shalt  }
0x53: {  	_ =	shalt  }
0x54: {  	_ =	shalt  }
0x55: {  	_ =	shalt  }
0x56: {  	_ =	shalt  }
0x57: {  	_ =	shalt  }
0x58: {  	_ =	shalt  }
0x59: {  	_ =	shalt  }
0x5a: {  	_ =	shalt  }
0x5b: {  	_ =	shalt  }
0x5c: {  	_ =	shalt  }
0x5d: {  	_ =	shalt  }
0x5e: {  	_ =	shalt  }
0x5f: {  	_ =	shalt  }
0x60: {  	_ =	shalt  }
0x61: {  	_ =	shalt  }
0x62: {  	_ =	shalt  }
0x63: {  	_ =	shalt  }
0x64: {  	_ =	shalt  }
0x65: {  	_ =	shalt  }
0x66: {  	_ =	shalt  }
0x67: {  	_ =	shalt  }
0x68: {  	_ =	shalt  }
0x69: {  	_ =	shalt  }
0x6a: {  	_ =	shalt  }
0x6b: {  	_ =	shalt  }
0x6c: {  	_ =	shalt  }
0x6d: {  	_ =	shalt  }
0x6e: {  	_ =	shalt  }
0x6f: {  	_ =	shalt  }
0x70: {  	_ =	shalt  }
0x71: {  	_ =	shalt  }
0x72: {  	_ =	shalt  }
0x73: {  	_ =	shalt  }
0x74: {  	_ =	shalt  }
0x75: {  	_ =	shalt  }
0x76: {  	_ =	shalt  }
0x77: {  	_ =	shalt  }
0x78: {  	_ =	shalt  }
0x79: {  	_ =	shalt  }
0x7a: {  	_ =	shalt  }
0x7b: {  	_ =	shalt  }
0x7c: {  	_ =	shalt  }
0x7d: {  	_ =	shalt  }
0x7e: {  	_ =	shalt  }
0x7f: {  	_ =	shalt  }
0x80: {  	_ =	shalt  }
0x81: {  	_ =	shalt  }
0x82: {  	_ =	shalt  }
0x83: {  	_ =	shalt  }
0x84: {  	_ =	shalt  }
0x85: {  	_ =	shalt  }
0x86: {  	_ =	shalt  }
0x87: {  	_ =	shalt  }
.Lfunc_end0:
.L_simem_size_0:
called_computation.1_lowered:
.L_overlay_start_0:
0x88: {  	s2 =	sld [smem:$0x3FD9]  }
0x89: {  	s3 =	sld [smem:$0x3FFE];
	_ =	sdelay $0x1  }
0x8a: {  	s1 =	srdreg.scid  }
0x8b: {  	s0 =	sand.u32 $0x1, s1  }
0x8c: {  	s17 =	sshll.u32 s0, $0xA;
	s2 =	sadd.s32 s3, s2  }
0x8d: {  	s2 =	sadd.s32 s2, s17  }
0x8e: {  	[smem:$0x3FC2] =	sst s2  }
0x8f: {  	_ = 	snop  }
0x90: {  	s2 =	sld [smem:$0x3FD0];
	(tm) =	ssettm $0x1  }
0x91: {  	s18 =	sld [smem:$0x3FFB];
	_ =	sdelay $0x3  }
0x92: {  	_ =	strace s18  }
0x93: {  	s3 =	sld [smem:$0x3FFC];
	_ =	sdelay $0x3  }
0x94: {  	_ =	strace s3  }
0x95: {  	s3 =	sld [smem:$0x3FFD];
	_ =	sdelay $0x3  }
0x96: {  	_ =	strace s3  }
0x97: {  	_ =	strace $0x8FFFFFFF  }
0x98: {  	s19 =	sld [smem:$0x3FDB];
	_ =	sdelay $0x1  }
0x99: {  	s4 =	simm.s32 $_scs_section_size  }
0x9a: {  	s5 =	simm.s32 $_size__tile_overlayer_lowered;
	s6 =	simm.s32 $_tile_overlayer_lowered  }
0x9b: {  	s22 =	simm.s32 $0x1BFF;
	s21 =	sshll.u32 s6, $0x1;
	s3 =	sadd.s32 s4, s19  }
0x9c: {  	s7 =	simm.s32 $0x0;
	s20 =	sshll.u32 s5, $0x1;
	s5 =	sadd.s32 s21, s3  }
0x9d: {  	[timem:s7], [sflag:s22] =	dma.local [hbm:s5], s20  }
0x9e: {  	_ =	swait.ge [sflag:s22], s20  }
0x9f: {  	s4 =	ssub.s32 $0x0, s20;
	[sflag:s22] =	ssyncset.done $0x0  }
0xa0: {  	[sflag:s22] =	ssyncadd.s32 s4;
	_ =	sdelay $0x1  }
0xa1: {  	s23 =	simm.s32 $0x1B8B  }
0xa2: {  	_ =	swait.ge [sflag:s23], $0x1  }
0xa3: {  	[sflag:s23] =	ssyncset.done $0x0  }
0xa4: {  	s25 =	simm.s32 $0x1B8E;
	s24 =	sld [smem:$0x3FFE];
	[sflag:s23] =	ssyncadd.s32 $0xFFFFFFFF  }
0xa5: {  	s26 =	simm.s32 $execute0_lowered;
	[smem:$0x3FD2] =	sst s25  }
0xa6: {  	s5 =	sshll.u32 s26, $0x1;
	_ =	strace $0x80000049;
	[dreg:$0x1] =	wrdreg $0xFFFFFFFF  }
0xa7: {  	s28 =	simm.s32 $_size_execute0_lowered;
	s3 =	sadd.s32 s3, s5;
	[dreg:$0x0] =	wrdreg $0x0  }
0xa8: {  	s5 =	sshll.u32 s28, $0x1;
	[dreg:$0x2] =	wrdreg s3  }
0xa9: {  	[dreg:$0x3] =	wrdreg s5  }
0xaa: {  	[dreg:$0x4] =	wrdreg $0xC0  }
0xab: {  	_ =	task [dreg:s7], $0x5FFFF  }
0xac: {  	[dreg:$0x1] =	wrdreg $0xFFFFFFFF  }
0xad: {  	[dreg:$0x0] =	wrdreg $0x60  }
0xae: {  	[dreg:$0x2] =	wrdreg s24  }
0xaf: {  	[dreg:$0x3] =	wrdreg s2  }
0xb0: {  	[dreg:$0x4] =	wrdreg $0x150000  }
0xb1: {  	[dreg:$0x5] =	wrdreg $0x9  }
0xb2: {  	_ =	task.clear_ibuf [dreg:s7], $0x6FFFF;
	_ =	strace $0x90000049  }
0xb3: {  	s29 =	simm.s32 $0x9;
	_ =	strace $0x8000004B  }
0xb4: {  	_ =	swait.ge [sflag:s29], $0x1  }
0xb5: {  	[sflag:s29] =	ssyncadd.s32 $0xFFFFFFFF  }
0xb6: {  	_ =	strace $0x9000004B  }
0xb7: {  	_ =	sfence  }
0xb8: {  	s30 =	sld [smem:$0x0];
	_ =	sdelay $0x2  }
0xb9: {  	s31 =	sshll.u32 s1, $0xD;
	s1 =	sshrl.u32 s1, $0x2  }
0xba: {  	s3 =	sand.u32 $0x4000, s31;
	s1 =	sadd.s32 s1, s30  }
0xbb: {  	s0 =	sor.u32 s3, s0;
	s1 =	sshll.u32 s1, $0x11  }
0xbc: {  	s0 =	sor.u32 s1, s0  }
0xbd: {  	s0 =	sadd.s32 $0x8F2B, s0  }
0xbe: {  	[sflag:s0] =	ssyncadd.remote.s32 $0x1  }
0xbf: {  	_ =	sfence.sel $0xFFFF  }
0xc0: {  	[dreg:$0x0] =	wrdreg $0xFFFFFFFF;
	(pc) =	sbr.abs _section_cstart, $3  }
0xc1: {  	[dreg:$0x1] =	wrdreg $0xFFFFFFFF  }
0xc2: {  	_ =	task.clear_ibuf [dreg:s7], $0x2FFFF;
	_ =	strace $0x9FFFFFFF  }
0xc3: {  	(tm) =	ssettm $0x7FFFFFFF  }
tec
execute0_lowered:
.L_overlay_start_1:
0x0: {  	(tag) =	ssettag $0x1  }
0x1: {  	s0 =	srdreg.scid  }
0x2: {  	s1 =	rddreg [dreg:$0x0];
	s11 =	stileid.u32  }
0x3: {  	s3 =	rddreg [dreg:$0x1];
	s9 =	simm.s32 $0x0;
	s13 =	simm.s32 $0x11  }
0x4: {  	s18 =	simm.s32 $0x9000;
	s20 =	simm.s32 $0xB000;
	s22 =	simm.s32 $0xD000  }
0x5: {  	s24 =	simm.s32 $0xF000;
	s26 =	simm.s32 $0x11000;
	s29 =	simm.s32 $0x13000  }
0x6: {  	s30 =	simm.s32 $0x1;
	s31 =	simm.s32 $0x2;
	s17 =	simm.s32 $0x6  }
0x7: {  	s19 =	simm.s32 $0x7;
	s21 =	simm.s32 $0x8;
	s23 =	simm.s32 $0x9  }
0x8: {  	s25 =	simm.s32 $0xA;
	s28 =	simm.s32 $0xB;
	s16 =	simm.s32 $0x0  }
0x9: {  	s0 =	sand.u32 $0x1, s0;
	s6 =	smul.u32 $0xA000, s11;
	[smem:$0x7FF] =	sst s9  }
0xa: {  	s15 =	sshll.u32 s11, $0x6;
	s2 =	sshll.u32 s0, $0x4;
	s7 =	smul.u32 $0xA0000, s0  }
0xb: {  	s0 =	ssub.s32 $0x2, s0;
	s15 =	sor.u32 $0x1C11, s15;
	s4 =	sor.u32 s11, s2  }
0xc: {  	s2 =	rddreg [dreg:$0x2];
	_ =	strace $0x8000004A;
	s9 =	sshrl.u32 s6, $0x3  }
0xd: {  	s10 =	sshrl.u32 s0, $0x1;
	s11 =	simm.s32 $0x5;
	[dreg:$0xa] =	wrdreg s16  }
0xe: {  	s5 =	smul.u32 $0x500, s4;
	s4 =	sadd.s32 $0xB800, s1;
	s7 =	sadd.s32 s6, s7  }
0xf: {  	s9 =	sadd.s32 s9, s1;
	s0 =	ssub.s32 s0, s10;
	s12 =	sadd.s32 s6, s2  }
0x10: {  	s6 =	simm.s32 $0xD;
	s7 =	sshrl.u32 s7, $0x3;
	s14 =	sadd.s32 $0x1F800, s9  }
0x11: {  	s0 =	smax.u32 s0, $0x1;
	s12 =	sshrl.u32 s12, $0x3;
	s9 =	simm.s32 $0x10  }
0x12: {  	s8 =	sadd.s32 s5, s1;
	s1 =	sadd.s32 s7, s1;
	[dreg:$0x6] =	wrdreg s14  }
.Ltmp0:
0x13: {  	s3 =	sadd.s32 s3, s5;
	[dreg:$0x8] =	wrdreg s0;
	(pc) =	sbr.rel .LBB2_1-.Ltmp0, $4  }
0x14: {  	s14 =	simm.s32 $0x80;
	s0 =	simm.s32 $0x4;
	[dreg:$0x9] =	wrdreg s12  }
0x15: {  	s5 =	simm.s32 $0xC;
	[dreg:$0x4] =	wrdreg s3;
	s10 =	sadd.s32 $0x1800, s8  }
0x16: {  	s7 =	simm.s32 $0xE;
	s1 =	sadd.s32 $0x33800, s1;
	[dreg:$0x5] =	wrdreg s10  }
0x17: {  	s8 =	simm.s32 $0xF;
	[dreg:$0x7] =	wrdreg s1;
	s1 =	simm.s32 $0x3  }
.LBB2_3:
0x18: {  	_ =	swait.ge [sflag:s25], $0x2000  }
0x19: {  	[sflag:s25] =	ssyncset.done $0x0  }
0x1a: {  	[sflag:s25] =	ssyncadd.s32 $0xFFFFE000  }
0x1b: {  	_ =	swait.ge [sflag:s28], $0x2000  }
0x1c: {  	[sflag:s28] =	ssyncset.done $0x0  }
0x1d: {  	[sflag:s28] =	ssyncadd.s32 $0xFFFFE000  }
0x1e: {  	_ =	swait.ge [sflag:s5], $0x2000  }
0x1f: {  	[sflag:s5] =	ssyncset.done $0x0  }
0x20: {  	[sflag:s5] =	ssyncadd.s32 $0xFFFFE000  }
0x21: {  	_ =	swait.ge [sflag:s6], $0x2000  }
0x22: {  	[sflag:s6] =	ssyncset.done $0x0  }
0x23: {  	[sflag:s6] =	ssyncadd.s32 $0xFFFFE000  }
0x24: {  	_ =	swait.ge [sflag:s7], $0x2000  }
0x25: {  	[sflag:s7] =	ssyncset.done $0x0  }
0x26: {  	[sflag:s7] =	ssyncadd.s32 $0xFFFFE000  }
0x27: {  	_ =	swait.ge [sflag:s8], $0x2000  }
0x28: {  	[sflag:s8] =	ssyncset.done $0x0  }
0x29: {  	[sflag:s8] =	ssyncadd.s32 $0xFFFFE000  }
0x2a: {  	_ =	swait.ge [sflag:s9], $0x2000  }
0x2b: {  	[sflag:s9] =	ssyncset.done $0x0  }
0x2c: {  	[sflag:s9] =	ssyncadd.s32 $0xFFFFE000  }
.LBB2_5:
0x2d: {  	[bflag:$0x0] =	sbarrier.arrive $0xFFFF  }
0x2e: {  	s10 =	rddreg [dreg:$0x7]  }
0x2f: {  	s13 =	simm.s32 $0x11;
	s12 =	rddreg [dreg:$0x9]  }
0x30: {  	[hbm:s10], [sflag:s3] =	dma.local [spmem:s12], $0x1400  }
0x31: {  	_ =	swait.ge [sflag:s13], $0x1400  }
0x32: {  	s10 =	rddreg [dreg:$0xa]  }
0x33: {  	s15 =	smov.u32 s3;
	s16 =	rddreg [dreg:$0x8];
	s3 =	sadd.s32 $0x1, s10  }
0x34: {  	p0 =	sne.s32 s3, s16  }
.Ltmp1:
0x35: {  	_ = 	snop;
	(pc) =	sbr.rel @!p0 .LBB2_6-.Ltmp1, $3  }
0x36: {  	_ =	sdelay $0x1  }
0x37: {  	[sflag:s13] =	ssyncset.done $0x0  }
0x38: {  	[sflag:s13] =	ssyncadd.s32 $0xFFFFEC00;
	[dreg:$0xa] =	wrdreg s3  }
.LBB2_1:
0x39: {  	s3 =	simm.s32 $0x0;
	s16 =	rddreg [dreg:$0x4]  }
0x3a: {  	[tilespmem:s3], [sflag:$0x11] =	stream.linear.gather [hbm4b:s16+s3], $0x2800, $0x38;
	[tilespmem:$0x1F000] =	vst v63  }
0x3b: {  	_ =	swait.ge [sflag:s13], $0x2800  }
0x3c: {  	s10 =	smov.u32 s12;
	s3 =	simm.s32 $0x2800;
	[sflag:s13] =	ssyncset.done $0x0  }
0x3d: {  	s16 =	simm.s32 $0x0;
	s12 =	rddreg [dreg:$0x5];
	[sflag:s13] =	ssyncadd.s32 $0xFFFFD800  }
0x3e: {  	[tilespmem:s3], [sflag:$0x11] =	stream.linear.gather [hbm4b:s12+s16], $0x2800, $0x38;
	[tilespmem:$0x1F000] =	vst v63  }
0x3f: {  	_ =	swait.ge [sflag:s13], $0x2800  }
0x40: {  	[sflag:s13] =	ssyncset.done $0x0  }
0x41: {  	s3 =	rddreg [dreg:$0x6];
	[sflag:s13] =	ssyncadd.s32 $0xFFFFD800  }
0x42: {  	[spmem:s10], [sflag:s15] =	dma.local [hbm:s3], $0x1400  }
0x43: {  	_ =	swait.ge [sflag:s13], $0x1400  }
0x44: {  	[sflag:s13] =	ssyncset.done $0x0  }
0x45: {  	[sflag:s13] =	ssyncadd.s32 $0xFFFFEC00  }
0x46: {  	s16 =	simm.s32 $0x0;
	s13 =	simm.s32 $0x5000;
	[bflag:$0x0] =	sbarrier.arrive $0xFFFF  }
0x47: {  	[tilespmem:s13], [sflag:$0x1] =	stream.indirect.gather [hbm4b:s4+s14], $0x40, s16, s14, $0xb8;
	[tilespmem:$0x1F000] =	vst v63  }
0x48: {  	s16 =	simm.s32 $0x7000  }
0x49: {  	[tilespmem:s16], [sflag:$0x2] =	stream.indirect.gather [hbm4b:s4+s14], $0x40, s14, s14, $0xb8;
	[tilespmem:$0x1F000] =	vst v63  }
0x4a: {  	s10 =	simm.s32 $0x100  }
0x4b: {  	[tilespmem:s18], [sflag:$0x3] =	stream.indirect.gather [hbm4b:s4+s14], $0x40, s10, s14, $0xb8;
	[tilespmem:$0x1F000] =	vst v63  }
0x4c: {  	s12 =	simm.s32 $0x180  }
0x4d: {  	[tilespmem:s20], [sflag:$0x4] =	stream.indirect.gather [hbm4b:s4+s14], $0x40, s12, s14, $0xb8;
	[tilespmem:$0x1F000] =	vst v63  }
0x4e: {  	s13 =	simm.s32 $0x200  }
0x4f: {  	[tilespmem:s22], [sflag:$0x5] =	stream.indirect.gather [hbm4b:s4+s14], $0x40, s13, s14, $0xb8;
	[tilespmem:$0x1F000] =	vst v63  }
0x50: {  	s10 =	simm.s32 $0x280  }
0x51: {  	[tilespmem:s24], [sflag:$0x6] =	stream.indirect.gather [hbm4b:s4+s14], $0x40, s10, s14, $0xb8;
	[tilespmem:$0x1F000] =	vst v63  }
0x52: {  	s3 =	smov.u32 s15;
	s12 =	simm.s32 $0x300  }
0x53: {  	[tilespmem:s26], [sflag:$0x7] =	stream.indirect.gather [hbm4b:s4+s14], $0x40, s12, s14, $0xb8;
	[tilespmem:$0x1F000] =	vst v63  }
0x54: {  	s15 =	simm.s32 $0x5000;
	s13 =	simm.s32 $0x380;
	s12 =	simm.s32 $0x0  }
0x55: {  	[tilespmem:s29], [sflag:$0x8] =	stream.indirect.gather [hbm4b:s4+s14], $0x40, s13, s14, $0xb8;
	[tilespmem:$0x1F000] =	vst v63  }
.LBB2_2:
0x56: {  	_ =	swait.ge [sflag:s30], $0x2000  }
0x57: {  	s13 =	sshra.s32 s12, $0x2;
	[sflag:s30] =	ssyncset.done $0x0  }
0x58: {  	s10 =	sadd.s32 $0x2800, s13;
	[sflag:s30] =	ssyncadd.s32 $0xFFFFE000  }
0x59: {  	[spmem:s2] =	stream.indirect.scatter.add.f32 [tilespmem:s15], [sflag:$0x9], $0x40, s10, s14, $0xb8;
	[tilespmem:$0x1F000] =	vst v63  }
0x5a: {  	_ =	swait.ge [sflag:s31], $0x2000  }
0x5b: {  	[sflag:s31] =	ssyncset.done $0x0  }
0x5c: {  	s10 =	sadd.s32 $0x2880, s13;
	[sflag:s31] =	ssyncadd.s32 $0xFFFFE000  }
0x5d: {  	[spmem:s2] =	stream.indirect.scatter.add.f32 [tilespmem:s16], [sflag:$0xA], $0x40, s10, s14, $0xb8;
	[tilespmem:$0x1F000] =	vst v63  }
0x5e: {  	_ =	swait.ge [sflag:s1], $0x2000  }
0x5f: {  	[sflag:s1] =	ssyncset.done $0x0  }
0x60: {  	s10 =	sadd.s32 $0x2900, s13;
	[sflag:s1] =	ssyncadd.s32 $0xFFFFE000  }
0x61: {  	[spmem:s2] =	stream.indirect.scatter.add.f32 [tilespmem:s18], [sflag:$0xB], $0x40, s10, s14, $0xb8;
	[tilespmem:$0x1F000] =	vst v63  }
0x62: {  	_ =	swait.ge [sflag:s0], $0x2000  }
0x63: {  	[sflag:s0] =	ssyncset.done $0x0  }
0x64: {  	s10 =	sadd.s32 $0x2980, s13;
	[sflag:s0] =	ssyncadd.s32 $0xFFFFE000  }
0x65: {  	[spmem:s2] =	stream.indirect.scatter.add.f32 [tilespmem:s20], [sflag:$0xC], $0x40, s10, s14, $0xb8;
	[tilespmem:$0x1F000] =	vst v63  }
0x66: {  	_ =	swait.ge [sflag:s11], $0x2000  }
0x67: {  	[sflag:s11] =	ssyncset.done $0x0  }
0x68: {  	s10 =	sadd.s32 $0x2A00, s13;
	[sflag:s11] =	ssyncadd.s32 $0xFFFFE000  }
0x69: {  	[spmem:s2] =	stream.indirect.scatter.add.f32 [tilespmem:s22], [sflag:$0xD], $0x40, s10, s14, $0xb8;
	[tilespmem:$0x1F000] =	vst v63  }
0x6a: {  	_ =	swait.ge [sflag:s17], $0x2000  }
0x6b: {  	[sflag:s17] =	ssyncset.done $0x0  }
0x6c: {  	s10 =	sadd.s32 $0x2A80, s13;
	[sflag:s17] =	ssyncadd.s32 $0xFFFFE000  }
0x6d: {  	[spmem:s2] =	stream.indirect.scatter.add.f32 [tilespmem:s24], [sflag:$0xE], $0x40, s10, s14, $0xb8;
	[tilespmem:$0x1F000] =	vst v63  }
0x6e: {  	_ =	swait.ge [sflag:s19], $0x2000  }
0x6f: {  	[sflag:s19] =	ssyncset.done $0x0  }
0x70: {  	s10 =	sadd.s32 $0x2B00, s13;
	[sflag:s19] =	ssyncadd.s32 $0xFFFFE000  }
0x71: {  	[spmem:s2] =	stream.indirect.scatter.add.f32 [tilespmem:s26], [sflag:$0xF], $0x40, s10, s14, $0xb8;
	[tilespmem:$0x1F000] =	vst v63  }
0x72: {  	_ =	swait.ge [sflag:s21], $0x2000  }
0x73: {  	p0 =	sne.s32 s12, $0x9000;
	[sflag:s21] =	ssyncset.done $0x0  }
.Ltmp2:
0x74: {  	s10 =	sadd.s32 $0x2B80, s13;
	[sflag:s21] =	ssyncadd.s32 $0xFFFFE000;
	(pc) =	sbr.rel @!p0 .LBB2_3-.Ltmp2, $4  }
0x75: {  	[spmem:s2] =	stream.indirect.scatter.add.f32 [tilespmem:s29], [sflag:$0x10], $0x40, s10, s14, $0xb8;
	[tilespmem:$0x1F000] =	vst v63  }
0x76: {  	_ =	swait.ge [sflag:s23], $0x2000  }
0x77: {  	[sflag:s23] =	ssyncset.done $0x0  }
0x78: {  	[sflag:s23] =	ssyncadd.s32 $0xFFFFE000  }
0x79: {  	s10 =	sadd.s32 $0x400, s13  }
0x7a: {  	[tilespmem:s15], [sflag:$0x1] =	stream.indirect.gather [hbm4b:s4+s14], $0x40, s10, s14, $0xb8;
	[tilespmem:$0x1F000] =	vst v63  }
0x7b: {  	_ =	swait.ge [sflag:s25], $0x2000  }
0x7c: {  	[sflag:s25] =	ssyncset.done $0x0  }
0x7d: {  	s10 =	sadd.s32 $0x480, s13;
	[sflag:s25] =	ssyncadd.s32 $0xFFFFE000  }
0x7e: {  	[tilespmem:s16], [sflag:$0x2] =	stream.indirect.gather [hbm4b:s4+s14], $0x40, s10, s14, $0xb8;
	[tilespmem:$0x1F000] =	vst v63  }
0x7f: {  	_ =	swait.ge [sflag:s28], $0x2000  }
0x80: {  	[sflag:s28] =	ssyncset.done $0x0  }
0x81: {  	s10 =	sadd.s32 $0x500, s13;
	[sflag:s28] =	ssyncadd.s32 $0xFFFFE000  }
0x82: {  	[tilespmem:s18], [sflag:$0x3] =	stream.indirect.gather [hbm4b:s4+s14], $0x40, s10, s14, $0xb8;
	[tilespmem:$0x1F000] =	vst v63  }
0x83: {  	_ =	swait.ge [sflag:s5], $0x2000  }
0x84: {  	[sflag:s5] =	ssyncset.done $0x0  }
0x85: {  	s10 =	sadd.s32 $0x580, s13;
	[sflag:s5] =	ssyncadd.s32 $0xFFFFE000  }
0x86: {  	[tilespmem:s20], [sflag:$0x4] =	stream.indirect.gather [hbm4b:s4+s14], $0x40, s10, s14, $0xb8;
	[tilespmem:$0x1F000] =	vst v63  }
0x87: {  	_ =	swait.ge [sflag:s6], $0x2000  }
0x88: {  	[sflag:s6] =	ssyncset.done $0x0  }
0x89: {  	s10 =	sadd.s32 $0x600, s13;
	[sflag:s6] =	ssyncadd.s32 $0xFFFFE000  }
0x8a: {  	[tilespmem:s22], [sflag:$0x5] =	stream.indirect.gather [hbm4b:s4+s14], $0x40, s10, s14, $0xb8;
	[tilespmem:$0x1F000] =	vst v63  }
0x8b: {  	_ =	swait.ge [sflag:s7], $0x2000  }
0x8c: {  	[sflag:s7] =	ssyncset.done $0x0  }
0x8d: {  	s10 =	sadd.s32 $0x680, s13;
	[sflag:s7] =	ssyncadd.s32 $0xFFFFE000  }
0x8e: {  	[tilespmem:s24], [sflag:$0x6] =	stream.indirect.gather [hbm4b:s4+s14], $0x40, s10, s14, $0xb8;
	[tilespmem:$0x1F000] =	vst v63  }
0x8f: {  	_ =	swait.ge [sflag:s8], $0x2000  }
0x90: {  	s12 =	sadd.s32 $0x1000, s12;
	[sflag:s8] =	ssyncset.done $0x0  }
0x91: {  	p0 =	sne.s32 s12, $0xA000;
	s10 =	sadd.s32 $0x700, s13;
	[sflag:s8] =	ssyncadd.s32 $0xFFFFE000  }
0x92: {  	[tilespmem:s26], [sflag:$0x7] =	stream.indirect.gather [hbm4b:s4+s14], $0x40, s10, s14, $0xb8;
	[tilespmem:$0x1F000] =	vst v63  }
.Ltmp3:
0x93: {  	_ = 	snop;
	(pc) =	sbr.rel @p0 .LBB2_2-.Ltmp3, $4  }
.Ltmp4:
0x94: {  	_ =	swait.ge [sflag:s9], $0x2000;
	(pc) =	sbr.rel @!p0 .LBB2_5-.Ltmp4, $4  }
0x95: {  	[sflag:s9] =	ssyncset.done $0x0  }
0x96: {  	s13 =	sadd.s32 $0x780, s13;
	[sflag:s9] =	ssyncadd.s32 $0xFFFFE000  }
0x97: {  	[tilespmem:s29], [sflag:$0x8] =	stream.indirect.gather [hbm4b:s4+s14], $0x40, s13, s14, $0xb8;
	[tilespmem:$0x1F000] =	vst v63  }
0x98: {  	_ = 	snop  }
.LBB2_6:
0x99: {  	_ =	sfence.sel $0x180000  }
0x9a: {  	[bflag:$0x0] =	sbarrier.arrive $0xFFFF  }
0x9b: {  	_ =	strace $0x9000004A  }
0x9c: {  	s0 =	stileid.u32;
	[bflag:$0x2] =	sbarrier.arrive $0xFFFF  }
0x9d: {  	p0 =	sne.s32 s0, $0x0;
	s0 =	rddreg [dreg:$0x3]  }
0x9e: {  	s0 =	sadd.s32 @!p0 $0x100000, s0  }
0x9f: {  	[sflag:s0] =	ssyncadd.tile.s32 @!p0 $0x1;
	_ =	shalt  }
.Lfunc_end2:
_tile_overlayer_lowered:
.L_overlay_start_2:
0xa0: {  	(tag) =	ssettag $0x2  }
0xa1: {  	s0 =	rddreg [dreg:$0x0];
	s2 =	stileid.u32  }
0xa2: {  	s1 =	rddreg [dreg:$0x1];
	p0 =	sne.s32 s2, $0x0  }
0xa3: {  	s3 =	rddreg [dreg:$0x2];
	[bflag:$0x3] =	sbarrier.arrive $0xFFFF;
	s2 =	simm.s32 @!p0 $0x1C11  }
0xa4: {  	[timem:s3], [sflag:s2] =	dma.local @!p0 [hbm:s0], s1  }
0xa5: {  	s0 =	simm.s32 @!p0 $0x11  }
0xa6: {  	_ =	swait.ge @!p0 [sflag:s0], s1  }
0xa7: {  	s1 =	ssub.s32 @!p0 $0x0, s1;
	[sflag:s0] =	ssyncset.done @!p0 $0x0  }
0xa8: {  	[sflag:s0] =	ssyncadd.s32 @!p0 s1  }
0xa9: {  	[bflag:$0x3] =	sbarrier.arrive $0xFFFF  }
0xaa: {  	_ =	shalt  }

// kernel: kernel.14.cloned.1.call-start
scs
__scs_entry_jumppad:
0x0: {  	(pc) =	sbr.rel $0x88, $3  }
0x1: {  	(tag) =	ssettag $0x0;
	lr =	simm.s32 $0x1  }
0x2: {  	[smem:$0x3F9B] =	sst lr;
	_ =	strace $0xD0000000  }
0x3: {  	_ = 	snop  }
0x4: {  	_ = 	snop  }
0x5: {  	_ = 	snop  }
0x6: {  	_ = 	snop  }
0x7: {  	_ = 	snop  }
__scs_overlays_trampoline_lowered:
0x8: {  	[smem:$0x3FAA] =	sst s0  }
0x9: {  	[smem:$0x3FAB] =	sst s1  }
0xa: {  	[smem:$0x3FAC] =	sst s2  }
0xb: {  	[smem:$0x3FAD] =	sst s3  }
0xc: {  	[smem:$0x3FAE] =	sst s4  }
0xd: {  	[smem:$0x3FAF] =	sst s5  }
0xe: {  	[smem:$0x3FB0] =	sst s6  }
0xf: {  	[smem:$0x3FB1] =	sst s7  }
0x10: {  	[smem:$0x3FB2] =	sst s8  }
0x11: {  	[smem:$0x3FB3] =	sst s9;
	s0 =	simm.s32 @!p0 $0x0  }
0x12: {  	s1 =	sld [smem:$0x3F99];
	s0 =	simm.s32 @p0 $0x1  }
0x13: {  	[smem:$0x3FB4] =	sst s0;
	s0 =	simm.s32 @!p1 $0x0  }
0x14: {  	s2 =	sld [smem:$0x3F98];
	s0 =	simm.s32 @p1 $0x1  }
0x15: {  	[smem:$0x3FB5] =	sst s0;
	s0 =	simm.s32 @!p2 $0x0  }
0x16: {  	s3 =	sld [smem:$0x3FDB];
	s0 =	simm.s32 @p2 $0x1  }
0x17: {  	s4 =	simm.s32 $0x1BF5;
	[smem:$0x3FB7] =	sst s0  }
0x18: {  	s0 =	sld [smem:$0x3F9A];
	_ =	swait.ge [sflag:s4], $0x0  }
0x19: {  	s7 =	sld [smem:$0x3F9B]  }
0x1a: {  	s8 =	sadd.s32 $0xFFFFE003, lr  }
0x1b: {  	s9 =	sadd.s32 $0xFFFFFEF7, lr;
	s5 =	simm.s32 $0xFFFFFFFF;
	p2 =	slt.u32 s8, $0xFFFFF086  }
0x1c: {  	p1 =	slt.u32 s9, $0xF7A;
	s5 =	simm.s32 @!p2 $0x0  }
0x1d: {  	s5 =	simm.s32 @p1 $0x1;
	p0 =	seq.s32 s7, s2  }
0x1e: {  	s7 =	smul.u32 @!p0 $0xF7A, s2;
	p2 =	seq.s32 @!p0 s5, $0x0  }
0x1f: {  	s9 =	smul.u32 $0xF7A, s1;
	s8 =	simm.s32 @!p0 $0x1BF5;
	p2 =	por !p2, p0  }
0x20: {  	[sflag:s8] =	ssyncset.s32 @!p0 $0xFFFFF086;
	s6 =	sadd.s32 @!p0 s3, s7;
	s7 =	simm.s32 @!p0 $0x108  }
0x21: {  	s3 =	sadd.s32 s3, s9;
	s6 =	sadd.s32 @!p0 $0x88, s6;
	s7 =	simm.s32 @p2 $0x1082  }
0x22: {  	[simem:s7], [sflag:s8] =	dma.local @!p0 [hbm:s6], $0xF7A  }
0x23: {  	s9 =	sor.u32 $0xD0000000, s2;
	s6 =	simm.s32 $0x108;
	_ =	swait.ge @!p0 [sflag:s8], $0x0  }
0x24: {  	s3 =	sadd.s32 $0x88, s3;
	s6 =	simm.s32 @!p1 $0x1082;
	[sflag:s4] =	ssyncset.s32 $0xFFFFF086  }
0x25: {  	[simem:s6], [sflag:s4] =	dma.local [hbm:s3], $0xF7A  }
0x26: {  	[smem:$0x3F9B] =	sst s1;
	(tag) =	ssettag s2;
	_ =	strace s9  }
0x27: {  	s1 =	sld [smem:$0x3FAB]  }
0x28: {  	s2 =	sld [smem:$0x3FAC]  }
0x29: {  	s4 =	sld [smem:$0x3FAE]  }
0x2a: {  	p0 =	seq.s32 s5, $0x0;
	s5 =	sld [smem:$0x3FAF]  }
0x2b: {  	s6 =	sld [smem:$0x3FB0]  }
0x2c: {  	s7 =	sld [smem:$0x3FB1]  }
0x2d: {  	s3 =	simm.s32 $0x108;
	s8 =	sld [smem:$0x3FB2]  }
0x2e: {  	s3 =	simm.s32 @!p0 $0x1082;
	s9 =	sld [smem:$0x3FB3]  }
0x2f: {  	lr =	sadd.s32 s0, s3;
	s0 =	sld [smem:$0x3FAA]  }
0x30: {  	s3 =	sld [smem:$0x3FAD]  }
0x31: {  	[smem:$0x3FB6] =	sst s10  }
0x32: {  	s10 =	sld [smem:$0x3FB4];
	_ =	sdelay $0x3  }
0x33: {  	p0 =	seq.s32 s10, $0x1;
	s10 =	sld [smem:$0x3FB6];
	_ =	sdelay $0x3  }
0x34: {  	[smem:$0x3FB6] =	sst s10  }
0x35: {  	s10 =	sld [smem:$0x3FB5];
	_ =	sdelay $0x3  }
0x36: {  	p1 =	seq.s32 s10, $0x1;
	s10 =	sld [smem:$0x3FB6];
	_ =	sdelay $0x3  }
0x37: {  	[smem:$0x3FB6] =	sst s10  }
0x38: {  	s10 =	sld [smem:$0x3FB7]  }
0x39: {  	_ = 	snop;
	(pc) =	sbr.ind lr, $3  }
0x3a: {  	_ = 	snop  }
0x3b: {  	_ = 	snop  }
0x3c: {  	p2 =	seq.s32 s10, $0x1;
	s10 =	sld [smem:$0x3FB6]  }
0x3d: {  	_ =	shalt  }
0x3e: {  	_ =	shalt  }
0x3f: {  	_ =	shalt  }
0x40: {  	_ =	shalt  }
0x41: {  	_ =	shalt  }
0x42: {  	_ =	shalt  }
0x43: {  	_ =	shalt  }
0x44: {  	_ =	shalt  }
0x45: {  	_ =	shalt  }
0x46: {  	_ =	shalt  }
0x47: {  	_ =	shalt  }
0x48: {  	_ =	shalt  }
0x49: {  	_ =	shalt  }
0x4a: {  	_ =	shalt  }
0x4b: {  	_ =	shalt  }
0x4c: {  	_ =	shalt  }
0x4d: {  	_ =	shalt  }
0x4e: {  	_ =	shalt  }
0x4f: {  	_ =	shalt  }
0x50: {  	_ =	shalt  }
0x51: {  	_ =	shalt  }
0x52: {  	_ =	shalt  }
0x53: {  	_ =	shalt  }
0x54: {  	_ =	shalt  }
0x55: {  	_ =	shalt  }
0x56: {  	_ =	shalt  }
0x57: {  	_ =	shalt  }
0x58: {  	_ =	shalt  }
0x59: {  	_ =	shalt  }
0x5a: {  	_ =	shalt  }
0x5b: {  	_ =	shalt  }
0x5c: {  	_ =	shalt  }
0x5d: {  	_ =	shalt  }
0x5e: {  	_ =	shalt  }
0x5f: {  	_ =	shalt  }
0x60: {  	_ =	shalt  }
0x61: {  	_ =	shalt  }
0x62: {  	_ =	shalt  }
0x63: {  	_ =	shalt  }
0x64: {  	_ =	shalt  }
0x65: {  	_ =	shalt  }
0x66: {  	_ =	shalt  }
0x67: {  	_ =	shalt  }
0x68: {  	_ =	shalt  }
0x69: {  	_ =	shalt  }
0x6a: {  	_ =	shalt  }
0x6b: {  	_ =	shalt  }
0x6c: {  	_ =	shalt  }
0x6d: {  	_ =	shalt  }
0x6e: {  	_ =	shalt  }
0x6f: {  	_ =	shalt  }
0x70: {  	_ =	shalt  }
0x71: {  	_ =	shalt  }
0x72: {  	_ =	shalt  }
0x73: {  	_ =	shalt  }
0x74: {  	_ =	shalt  }
0x75: {  	_ =	shalt  }
0x76: {  	_ =	shalt  }
0x77: {  	_ =	shalt  }
0x78: {  	_ =	shalt  }
0x79: {  	_ =	shalt  }
0x7a: {  	_ =	shalt  }
0x7b: {  	_ =	shalt  }
0x7c: {  	_ =	shalt  }
0x7d: {  	_ =	shalt  }
0x7e: {  	_ =	shalt  }
0x7f: {  	_ =	shalt  }
0x80: {  	_ =	shalt  }
0x81: {  	_ =	shalt  }
0x82: {  	_ =	shalt  }
0x83: {  	_ =	shalt  }
0x84: {  	_ =	shalt  }
0x85: {  	_ =	shalt  }
0x86: {  	_ =	shalt  }
0x87: {  	_ =	shalt  }
.Lfunc_end0:
.L_simem_size_0:
called_computation.2_lowered:
.L_overlay_start_0:
0x88: {  	s2 =	sld [smem:$0x3FD9]  }
0x89: {  	s3 =	sld [smem:$0x3FFE];
	_ =	sdelay $0x1  }
0x8a: {  	s1 =	srdreg.scid  }
0x8b: {  	s0 =	sand.u32 $0x1, s1  }
0x8c: {  	s17 =	sshll.u32 s0, $0xA;
	s2 =	sadd.s32 s3, s2  }
0x8d: {  	s2 =	sadd.s32 s2, s17  }
0x8e: {  	[smem:$0x3FC2] =	sst s2  }
0x8f: {  	_ = 	snop  }
0x90: {  	s2 =	sld [smem:$0x3FD0];
	(tm) =	ssettm $0x1  }
0x91: {  	s18 =	sld [smem:$0x3FFB];
	_ =	sdelay $0x3  }
0x92: {  	_ =	strace s18  }
0x93: {  	s3 =	sld [smem:$0x3FFC];
	_ =	sdelay $0x3  }
0x94: {  	_ =	strace s3  }
0x95: {  	s3 =	sld [smem:$0x3FFD];
	_ =	sdelay $0x3  }
0x96: {  	_ =	strace s3  }
0x97: {  	_ =	strace $0x8FFFFFFF  }
0x98: {  	s19 =	sld [smem:$0x3FDB];
	_ =	sdelay $0x1  }
0x99: {  	s4 =	simm.s32 $_scs_section_size  }
0x9a: {  	s5 =	simm.s32 $_size__tile_overlayer_lowered;
	s6 =	simm.s32 $_tile_overlayer_lowered  }
0x9b: {  	s22 =	simm.s32 $0x1BFF;
	s21 =	sshll.u32 s6, $0x1;
	s3 =	sadd.s32 s4, s19  }
0x9c: {  	s7 =	simm.s32 $0x0;
	s20 =	sshll.u32 s5, $0x1;
	s5 =	sadd.s32 s21, s3  }
0x9d: {  	[timem:s7], [sflag:s22] =	dma.local [hbm:s5], s20  }
0x9e: {  	_ =	swait.ge [sflag:s22], s20  }
0x9f: {  	s4 =	ssub.s32 $0x0, s20;
	[sflag:s22] =	ssyncset.done $0x0  }
0xa0: {  	[sflag:s22] =	ssyncadd.s32 s4;
	_ =	sdelay $0x1  }
0xa1: {  	s23 =	simm.s32 $0x1B8B  }
0xa2: {  	_ =	swait.ge [sflag:s23], $0x1  }
0xa3: {  	[sflag:s23] =	ssyncset.done $0x0  }
0xa4: {  	s25 =	simm.s32 $0x1B8E;
	s24 =	sld [smem:$0x3FFE];
	[sflag:s23] =	ssyncadd.s32 $0xFFFFFFFF  }
0xa5: {  	s26 =	simm.s32 $execute0_lowered;
	[smem:$0x3FD2] =	sst s25  }
0xa6: {  	s5 =	sshll.u32 s26, $0x1;
	_ =	strace $0x8000004C;
	[dreg:$0x1] =	wrdreg $0xFFFFFFFF  }
0xa7: {  	s28 =	simm.s32 $_size_execute0_lowered;
	s3 =	sadd.s32 s3, s5;
	[dreg:$0x0] =	wrdreg $0x0  }
0xa8: {  	s5 =	sshll.u32 s28, $0x1;
	[dreg:$0x2] =	wrdreg s3  }
0xa9: {  	[dreg:$0x3] =	wrdreg s5  }
0xaa: {  	[dreg:$0x4] =	wrdreg $0xC0  }
0xab: {  	_ =	task [dreg:s7], $0x5FFFF  }
0xac: {  	[dreg:$0x1] =	wrdreg $0xFFFFFFFF  }
0xad: {  	[dreg:$0x0] =	wrdreg $0x60  }
0xae: {  	[dreg:$0x2] =	wrdreg s24  }
0xaf: {  	[dreg:$0x3] =	wrdreg s2  }
0xb0: {  	[dreg:$0x4] =	wrdreg $0x150000  }
0xb1: {  	[dreg:$0x5] =	wrdreg $0x9  }
0xb2: {  	_ =	task.clear_ibuf [dreg:s7], $0x6FFFF;
	_ =	strace $0x9000004C  }
0xb3: {  	s29 =	simm.s32 $0x9;
	_ =	strace $0x8000004E  }
0xb4: {  	_ =	swait.ge [sflag:s29], $0x1  }
0xb5: {  	[sflag:s29] =	ssyncadd.s32 $0xFFFFFFFF  }
0xb6: {  	_ =	strace $0x9000004E  }
0xb7: {  	_ =	sfence  }
0xb8: {  	s30 =	sld [smem:$0x0];
	_ =	sdelay $0x2  }
0xb9: {  	s31 =	sshll.u32 s1, $0xD;
	s1 =	sshrl.u32 s1, $0x2  }
0xba: {  	s3 =	sand.u32 $0x4000, s31;
	s1 =	sadd.s32 s1, s30  }
0xbb: {  	s0 =	sor.u32 s3, s0;
	s1 =	sshll.u32 s1, $0x11  }
0xbc: {  	s0 =	sor.u32 s1, s0  }
0xbd: {  	s0 =	sadd.s32 $0x8F2B, s0  }
0xbe: {  	[sflag:s0] =	ssyncadd.remote.s32 $0x1  }
0xbf: {  	_ =	sfence.sel $0xFFFF  }
0xc0: {  	[dreg:$0x0] =	wrdreg $0xFFFFFFFF;
	(pc) =	sbr.abs _section_cstart, $3  }
0xc1: {  	[dreg:$0x1] =	wrdreg $0xFFFFFFFF  }
0xc2: {  	_ =	task.clear_ibuf [dreg:s7], $0x2FFFF;
	_ =	strace $0x9FFFFFFF  }
0xc3: {  	(tm) =	ssettm $0x7FFFFFFF  }
tec
execute0_lowered:
.L_overlay_start_1:
0x0: {  	(tag) =	ssettag $0x1  }
0x1: {  	s0 =	srdreg.scid  }
0x2: {  	s1 =	rddreg [dreg:$0x0];
	s11 =	stileid.u32  }
0x3: {  	s3 =	rddreg [dreg:$0x1];
	s9 =	simm.s32 $0x0;
	s13 =	simm.s32 $0x11  }
0x4: {  	s18 =	simm.s32 $0x9000;
	s20 =	simm.s32 $0xB000;
	s22 =	simm.s32 $0xD000  }
0x5: {  	s24 =	simm.s32 $0xF000;
	s26 =	simm.s32 $0x11000;
	s29 =	simm.s32 $0x13000  }
0x6: {  	s30 =	simm.s32 $0x1;
	s31 =	simm.s32 $0x2;
	s17 =	simm.s32 $0x6  }
0x7: {  	s19 =	simm.s32 $0x7;
	s21 =	simm.s32 $0x8;
	s23 =	simm.s32 $0x9  }
0x8: {  	s25 =	simm.s32 $0xA;
	s28 =	simm.s32 $0xB;
	s16 =	simm.s32 $0x0  }
0x9: {  	s0 =	sand.u32 $0x1, s0;
	s6 =	smul.u32 $0xA000, s11;
	[smem:$0x7FF] =	sst s9  }
0xa: {  	s15 =	sshll.u32 s11, $0x6;
	s2 =	sshll.u32 s0, $0x4;
	s7 =	smul.u32 $0xA0000, s0  }
0xb: {  	s0 =	ssub.s32 $0x2, s0;
	s15 =	sor.u32 $0x1C11, s15;
	s4 =	sor.u32 s11, s2  }
0xc: {  	s2 =	rddreg [dreg:$0x2];
	_ =	strace $0x8000004D;
	s9 =	sshrl.u32 s6, $0x3  }
0xd: {  	s10 =	sshrl.u32 s0, $0x1;
	s11 =	simm.s32 $0x5;
	[dreg:$0xa] =	wrdreg s16  }
0xe: {  	s5 =	smul.u32 $0x500, s4;
	s4 =	sadd.s32 $0xB800, s1;
	s7 =	sadd.s32 s6, s7  }
0xf: {  	s9 =	sadd.s32 s9, s1;
	s0 =	ssub.s32 s0, s10;
	s12 =	sadd.s32 s6, s2  }
0x10: {  	s6 =	simm.s32 $0xD;
	s7 =	sshrl.u32 s7, $0x3;
	s14 =	sadd.s32 $0x1F800, s9  }
0x11: {  	s0 =	smax.u32 s0, $0x1;
	s12 =	sshrl.u32 s12, $0x3;
	s9 =	simm.s32 $0x10  }
0x12: {  	s8 =	sadd.s32 s5, s1;
	s1 =	sadd.s32 s7, s1;
	[dreg:$0x6] =	wrdreg s14  }
.Ltmp0:
0x13: {  	s3 =	sadd.s32 s3, s5;
	[dreg:$0x8] =	wrdreg s0;
	(pc) =	sbr.rel .LBB2_1-.Ltmp0, $4  }
0x14: {  	s14 =	simm.s32 $0x80;
	s0 =	simm.s32 $0x4;
	[dreg:$0x9] =	wrdreg s12  }
0x15: {  	s5 =	simm.s32 $0xC;
	[dreg:$0x4] =	wrdreg s3;
	s10 =	sadd.s32 $0x1800, s8  }
0x16: {  	s7 =	simm.s32 $0xE;
	s1 =	sadd.s32 $0x33800, s1;
	[dreg:$0x5] =	wrdreg s10  }
0x17: {  	s8 =	simm.s32 $0xF;
	[dreg:$0x7] =	wrdreg s1;
	s1 =	simm.s32 $0x3  }
.LBB2_3:
0x18: {  	_ =	swait.ge [sflag:s25], $0x2000  }
0x19: {  	[sflag:s25] =	ssyncset.done $0x0  }
0x1a: {  	[sflag:s25] =	ssyncadd.s32 $0xFFFFE000  }
0x1b: {  	_ =	swait.ge [sflag:s28], $0x2000  }
0x1c: {  	[sflag:s28] =	ssyncset.done $0x0  }
0x1d: {  	[sflag:s28] =	ssyncadd.s32 $0xFFFFE000  }
0x1e: {  	_ =	swait.ge [sflag:s5], $0x2000  }
0x1f: {  	[sflag:s5] =	ssyncset.done $0x0  }
0x20: {  	[sflag:s5] =	ssyncadd.s32 $0xFFFFE000  }
0x21: {  	_ =	swait.ge [sflag:s6], $0x2000  }
0x22: {  	[sflag:s6] =	ssyncset.done $0x0  }
0x23: {  	[sflag:s6] =	ssyncadd.s32 $0xFFFFE000  }
0x24: {  	_ =	swait.ge [sflag:s7], $0x2000  }
0x25: {  	[sflag:s7] =	ssyncset.done $0x0  }
0x26: {  	[sflag:s7] =	ssyncadd.s32 $0xFFFFE000  }
0x27: {  	_ =	swait.ge [sflag:s8], $0x2000  }
0x28: {  	[sflag:s8] =	ssyncset.done $0x0  }
0x29: {  	[sflag:s8] =	ssyncadd.s32 $0xFFFFE000  }
0x2a: {  	_ =	swait.ge [sflag:s9], $0x2000  }
0x2b: {  	[sflag:s9] =	ssyncset.done $0x0  }
0x2c: {  	[sflag:s9] =	ssyncadd.s32 $0xFFFFE000  }
.LBB2_5:
0x2d: {  	[bflag:$0x0] =	sbarrier.arrive $0xFFFF  }
0x2e: {  	s10 =	rddreg [dreg:$0x7]  }
0x2f: {  	s13 =	simm.s32 $0x11;
	s12 =	rddreg [dreg:$0x9]  }
0x30: {  	[hbm:s10], [sflag:s3] =	dma.local [spmem:s12], $0x1400  }
0x31: {  	_ =	swait.ge [sflag:s13], $0x1400  }
0x32: {  	s10 =	rddreg [dreg:$0xa]  }
0x33: {  	s15 =	smov.u32 s3;
	s16 =	rddreg [dreg:$0x8];
	s3 =	sadd.s32 $0x1, s10  }
0x34: {  	p0 =	sne.s32 s3, s16  }
.Ltmp1:
0x35: {  	_ = 	snop;
	(pc) =	sbr.rel @!p0 .LBB2_6-.Ltmp1, $3  }
0x36: {  	_ =	sdelay $0x1  }
0x37: {  	[sflag:s13] =	ssyncset.done $0x0  }
0x38: {  	[sflag:s13] =	ssyncadd.s32 $0xFFFFEC00;
	[dreg:$0xa] =	wrdreg s3  }
.LBB2_1:
0x39: {  	s3 =	simm.s32 $0x0;
	s16 =	rddreg [dreg:$0x4]  }
0x3a: {  	[tilespmem:s3], [sflag:$0x11] =	stream.linear.gather [hbm4b:s16+s3], $0x2800, $0x38;
	[tilespmem:$0x1F000] =	vst v63  }
0x3b: {  	_ =	swait.ge [sflag:s13], $0x2800  }
0x3c: {  	s10 =	smov.u32 s12;
	s3 =	simm.s32 $0x2800;
	[sflag:s13] =	ssyncset.done $0x0  }
0x3d: {  	s16 =	simm.s32 $0x0;
	s12 =	rddreg [dreg:$0x5];
	[sflag:s13] =	ssyncadd.s32 $0xFFFFD800  }
0x3e: {  	[tilespmem:s3], [sflag:$0x11] =	stream.linear.gather [hbm4b:s12+s16], $0x2800, $0x38;
	[tilespmem:$0x1F000] =	vst v63  }
0x3f: {  	_ =	swait.ge [sflag:s13], $0x2800  }
0x40: {  	[sflag:s13] =	ssyncset.done $0x0  }
0x41: {  	s3 =	rddreg [dreg:$0x6];
	[sflag:s13] =	ssyncadd.s32 $0xFFFFD800  }
0x42: {  	[spmem:s10], [sflag:s15] =	dma.local [hbm:s3], $0x1400  }
0x43: {  	_ =	swait.ge [sflag:s13], $0x1400  }
0x44: {  	[sflag:s13] =	ssyncset.done $0x0  }
0x45: {  	[sflag:s13] =	ssyncadd.s32 $0xFFFFEC00  }
0x46: {  	s16 =	simm.s32 $0x0;
	s13 =	simm.s32 $0x5000;
	[bflag:$0x0] =	sbarrier.arrive $0xFFFF  }
0x47: {  	[tilespmem:s13], [sflag:$0x1] =	stream.indirect.gather [hbm4b:s4+s14], $0x40, s16, s14, $0xb8;
	[tilespmem:$0x1F000] =	vst v63  }
0x48: {  	s16 =	simm.s32 $0x7000  }
0x49: {  	[tilespmem:s16], [sflag:$0x2] =	stream.indirect.gather [hbm4b:s4+s14], $0x40, s14, s14, $0xb8;
	[tilespmem:$0x1F000] =	vst v63  }
0x4a: {  	s10 =	simm.s32 $0x100  }
0x4b: {  	[tilespmem:s18], [sflag:$0x3] =	stream.indirect.gather [hbm4b:s4+s14], $0x40, s10, s14, $0xb8;
	[tilespmem:$0x1F000] =	vst v63  }
0x4c: {  	s12 =	simm.s32 $0x180  }
0x4d: {  	[tilespmem:s20], [sflag:$0x4] =	stream.indirect.gather [hbm4b:s4+s14], $0x40, s12, s14, $0xb8;
	[tilespmem:$0x1F000] =	vst v63  }
0x4e: {  	s13 =	simm.s32 $0x200  }
0x4f: {  	[tilespmem:s22], [sflag:$0x5] =	stream.indirect.gather [hbm4b:s4+s14], $0x40, s13, s14, $0xb8;
	[tilespmem:$0x1F000] =	vst v63  }
0x50: {  	s10 =	simm.s32 $0x280  }
0x51: {  	[tilespmem:s24], [sflag:$0x6] =	stream.indirect.gather [hbm4b:s4+s14], $0x40, s10, s14, $0xb8;
	[tilespmem:$0x1F000] =	vst v63  }
0x52: {  	s3 =	smov.u32 s15;
	s12 =	simm.s32 $0x300  }
0x53: {  	[tilespmem:s26], [sflag:$0x7] =	stream.indirect.gather [hbm4b:s4+s14], $0x40, s12, s14, $0xb8;
	[tilespmem:$0x1F000] =	vst v63  }
0x54: {  	s15 =	simm.s32 $0x5000;
	s13 =	simm.s32 $0x380;
	s12 =	simm.s32 $0x0  }
0x55: {  	[tilespmem:s29], [sflag:$0x8] =	stream.indirect.gather [hbm4b:s4+s14], $0x40, s13, s14, $0xb8;
	[tilespmem:$0x1F000] =	vst v63  }
.LBB2_2:
0x56: {  	_ =	swait.ge [sflag:s30], $0x2000  }
0x57: {  	s13 =	sshra.s32 s12, $0x2;
	[sflag:s30] =	ssyncset.done $0x0  }
0x58: {  	s10 =	sadd.s32 $0x2800, s13;
	[sflag:s30] =	ssyncadd.s32 $0xFFFFE000  }
0x59: {  	[spmem:s2] =	stream.indirect.scatter.add.f32 [tilespmem:s15], [sflag:$0x9], $0x40, s10, s14, $0xb8;
	[tilespmem:$0x1F000] =	vst v63  }
0x5a: {  	_ =	swait.ge [sflag:s31], $0x2000  }
0x5b: {  	[sflag:s31] =	ssyncset.done $0x0  }
0x5c: {  	s10 =	sadd.s32 $0x2880, s13;
	[sflag:s31] =	ssyncadd.s32 $0xFFFFE000  }
0x5d: {  	[spmem:s2] =	stream.indirect.scatter.add.f32 [tilespmem:s16], [sflag:$0xA], $0x40, s10, s14, $0xb8;
	[tilespmem:$0x1F000] =	vst v63  }
0x5e: {  	_ =	swait.ge [sflag:s1], $0x2000  }
0x5f: {  	[sflag:s1] =	ssyncset.done $0x0  }
0x60: {  	s10 =	sadd.s32 $0x2900, s13;
	[sflag:s1] =	ssyncadd.s32 $0xFFFFE000  }
0x61: {  	[spmem:s2] =	stream.indirect.scatter.add.f32 [tilespmem:s18], [sflag:$0xB], $0x40, s10, s14, $0xb8;
	[tilespmem:$0x1F000] =	vst v63  }
0x62: {  	_ =	swait.ge [sflag:s0], $0x2000  }
0x63: {  	[sflag:s0] =	ssyncset.done $0x0  }
0x64: {  	s10 =	sadd.s32 $0x2980, s13;
	[sflag:s0] =	ssyncadd.s32 $0xFFFFE000  }
0x65: {  	[spmem:s2] =	stream.indirect.scatter.add.f32 [tilespmem:s20], [sflag:$0xC], $0x40, s10, s14, $0xb8;
	[tilespmem:$0x1F000] =	vst v63  }
0x66: {  	_ =	swait.ge [sflag:s11], $0x2000  }
0x67: {  	[sflag:s11] =	ssyncset.done $0x0  }
0x68: {  	s10 =	sadd.s32 $0x2A00, s13;
	[sflag:s11] =	ssyncadd.s32 $0xFFFFE000  }
0x69: {  	[spmem:s2] =	stream.indirect.scatter.add.f32 [tilespmem:s22], [sflag:$0xD], $0x40, s10, s14, $0xb8;
	[tilespmem:$0x1F000] =	vst v63  }
0x6a: {  	_ =	swait.ge [sflag:s17], $0x2000  }
0x6b: {  	[sflag:s17] =	ssyncset.done $0x0  }
0x6c: {  	s10 =	sadd.s32 $0x2A80, s13;
	[sflag:s17] =	ssyncadd.s32 $0xFFFFE000  }
0x6d: {  	[spmem:s2] =	stream.indirect.scatter.add.f32 [tilespmem:s24], [sflag:$0xE], $0x40, s10, s14, $0xb8;
	[tilespmem:$0x1F000] =	vst v63  }
0x6e: {  	_ =	swait.ge [sflag:s19], $0x2000  }
0x6f: {  	[sflag:s19] =	ssyncset.done $0x0  }
0x70: {  	s10 =	sadd.s32 $0x2B00, s13;
	[sflag:s19] =	ssyncadd.s32 $0xFFFFE000  }
0x71: {  	[spmem:s2] =	stream.indirect.scatter.add.f32 [tilespmem:s26], [sflag:$0xF], $0x40, s10, s14, $0xb8;
	[tilespmem:$0x1F000] =	vst v63  }
0x72: {  	_ =	swait.ge [sflag:s21], $0x2000  }
0x73: {  	p0 =	sne.s32 s12, $0x9000;
	[sflag:s21] =	ssyncset.done $0x0  }
.Ltmp2:
0x74: {  	s10 =	sadd.s32 $0x2B80, s13;
	[sflag:s21] =	ssyncadd.s32 $0xFFFFE000;
	(pc) =	sbr.rel @!p0 .LBB2_3-.Ltmp2, $4  }
0x75: {  	[spmem:s2] =	stream.indirect.scatter.add.f32 [tilespmem:s29], [sflag:$0x10], $0x40, s10, s14, $0xb8;
	[tilespmem:$0x1F000] =	vst v63  }
0x76: {  	_ =	swait.ge [sflag:s23], $0x2000  }
0x77: {  	[sflag:s23] =	ssyncset.done $0x0  }
0x78: {  	[sflag:s23] =	ssyncadd.s32 $0xFFFFE000  }
0x79: {  	s10 =	sadd.s32 $0x400, s13  }
0x7a: {  	[tilespmem:s15], [sflag:$0x1] =	stream.indirect.gather [hbm4b:s4+s14], $0x40, s10, s14, $0xb8;
	[tilespmem:$0x1F000] =	vst v63  }
0x7b: {  	_ =	swait.ge [sflag:s25], $0x2000  }
0x7c: {  	[sflag:s25] =	ssyncset.done $0x0  }
0x7d: {  	s10 =	sadd.s32 $0x480, s13;
	[sflag:s25] =	ssyncadd.s32 $0xFFFFE000  }
0x7e: {  	[tilespmem:s16], [sflag:$0x2] =	stream.indirect.gather [hbm4b:s4+s14], $0x40, s10, s14, $0xb8;
	[tilespmem:$0x1F000] =	vst v63  }
0x7f: {  	_ =	swait.ge [sflag:s28], $0x2000  }
0x80: {  	[sflag:s28] =	ssyncset.done $0x0  }
0x81: {  	s10 =	sadd.s32 $0x500, s13;
	[sflag:s28] =	ssyncadd.s32 $0xFFFFE000  }
0x82: {  	[tilespmem:s18], [sflag:$0x3] =	stream.indirect.gather [hbm4b:s4+s14], $0x40, s10, s14, $0xb8;
	[tilespmem:$0x1F000] =	vst v63  }
0x83: {  	_ =	swait.ge [sflag:s5], $0x2000  }
0x84: {  	[sflag:s5] =	ssyncset.done $0x0  }
0x85: {  	s10 =	sadd.s32 $0x580, s13;
	[sflag:s5] =	ssyncadd.s32 $0xFFFFE000  }
0x86: {  	[tilespmem:s20], [sflag:$0x4] =	stream.indirect.gather [hbm4b:s4+s14], $0x40, s10, s14, $0xb8;
	[tilespmem:$0x1F000] =	vst v63  }
0x87: {  	_ =	swait.ge [sflag:s6], $0x2000  }
0x88: {  	[sflag:s6] =	ssyncset.done $0x0  }
0x89: {  	s10 =	sadd.s32 $0x600, s13;
	[sflag:s6] =	ssyncadd.s32 $0xFFFFE000  }
0x8a: {  	[tilespmem:s22], [sflag:$0x5] =	stream.indirect.gather [hbm4b:s4+s14], $0x40, s10, s14, $0xb8;
	[tilespmem:$0x1F000] =	vst v63  }
0x8b: {  	_ =	swait.ge [sflag:s7], $0x2000  }
0x8c: {  	[sflag:s7] =	ssyncset.done $0x0  }
0x8d: {  	s10 =	sadd.s32 $0x680, s13;
	[sflag:s7] =	ssyncadd.s32 $0xFFFFE000  }
0x8e: {  	[tilespmem:s24], [sflag:$0x6] =	stream.indirect.gather [hbm4b:s4+s14], $0x40, s10, s14, $0xb8;
	[tilespmem:$0x1F000] =	vst v63  }
0x8f: {  	_ =	swait.ge [sflag:s8], $0x2000  }
0x90: {  	s12 =	sadd.s32 $0x1000, s12;
	[sflag:s8] =	ssyncset.done $0x0  }
0x91: {  	p0 =	sne.s32 s12, $0xA000;
	s10 =	sadd.s32 $0x700, s13;
	[sflag:s8] =	ssyncadd.s32 $0xFFFFE000  }
0x92: {  	[tilespmem:s26], [sflag:$0x7] =	stream.indirect.gather [hbm4b:s4+s14], $0x40, s10, s14, $0xb8;
	[tilespmem:$0x1F000] =	vst v63  }
.Ltmp3:
0x93: {  	_ = 	snop;
	(pc) =	sbr.rel @p0 .LBB2_2-.Ltmp3, $4  }
.Ltmp4:
0x94: {  	_ =	swait.ge [sflag:s9], $0x2000;
	(pc) =	sbr.rel @!p0 .LBB2_5-.Ltmp4, $4  }
0x95: {  	[sflag:s9] =	ssyncset.done $0x0  }
0x96: {  	s13 =	sadd.s32 $0x780, s13;
	[sflag:s9] =	ssyncadd.s32 $0xFFFFE000  }
0x97: {  	[tilespmem:s29], [sflag:$0x8] =	stream.indirect.gather [hbm4b:s4+s14], $0x40, s13, s14, $0xb8;
	[tilespmem:$0x1F000] =	vst v63  }
0x98: {  	_ = 	snop  }
.LBB2_6:
0x99: {  	_ =	sfence.sel $0x180000  }
0x9a: {  	[bflag:$0x0] =	sbarrier.arrive $0xFFFF  }
0x9b: {  	_ =	strace $0x9000004D  }
0x9c: {  	s0 =	stileid.u32;
	[bflag:$0x2] =	sbarrier.arrive $0xFFFF  }
0x9d: {  	p0 =	sne.s32 s0, $0x0;
	s0 =	rddreg [dreg:$0x3]  }
0x9e: {  	s0 =	sadd.s32 @!p0 $0x100000, s0  }
0x9f: {  	[sflag:s0] =	ssyncadd.tile.s32 @!p0 $0x1;
	_ =	shalt  }
.Lfunc_end2:
_tile_overlayer_lowered:
.L_overlay_start_2:
0xa0: {  	(tag) =	ssettag $0x2  }
0xa1: {  	s0 =	rddreg [dreg:$0x0];
	s2 =	stileid.u32  }
0xa2: {  	s1 =	rddreg [dreg:$0x1];
	p0 =	sne.s32 s2, $0x0  }
0xa3: {  	s3 =	rddreg [dreg:$0x2];
	[bflag:$0x3] =	sbarrier.arrive $0xFFFF;
	s2 =	simm.s32 @!p0 $0x1C11  }
0xa4: {  	[timem:s3], [sflag:s2] =	dma.local @!p0 [hbm:s0], s1  }
0xa5: {  	s0 =	simm.s32 @!p0 $0x11  }
0xa6: {  	_ =	swait.ge @!p0 [sflag:s0], s1  }
0xa7: {  	s1 =	ssub.s32 @!p0 $0x0, s1;
	[sflag:s0] =	ssyncset.done @!p0 $0x0  }
0xa8: {  	[sflag:s0] =	ssyncadd.s32 @!p0 s1  }
0xa9: {  	[bflag:$0x3] =	sbarrier.arrive $0xFFFF  }
0xaa: {  	_ =	shalt  }

// kernel: kernel.8.cloned.1.call-start
scs
__scs_entry_jumppad:
0x0: {  	(pc) =	sbr.rel $0x88, $3  }
0x1: {  	(tag) =	ssettag $0x0;
	lr =	simm.s32 $0x1  }
0x2: {  	[smem:$0x3F9B] =	sst lr;
	_ =	strace $0xD0000000  }
0x3: {  	_ = 	snop  }
0x4: {  	_ = 	snop  }
0x5: {  	_ = 	snop  }
0x6: {  	_ = 	snop  }
0x7: {  	_ = 	snop  }
__scs_overlays_trampoline_lowered:
0x8: {  	[smem:$0x3FAA] =	sst s0  }
0x9: {  	[smem:$0x3FAB] =	sst s1  }
0xa: {  	[smem:$0x3FAC] =	sst s2  }
0xb: {  	[smem:$0x3FAD] =	sst s3  }
0xc: {  	[smem:$0x3FAE] =	sst s4  }
0xd: {  	[smem:$0x3FAF] =	sst s5  }
0xe: {  	[smem:$0x3FB0] =	sst s6  }
0xf: {  	[smem:$0x3FB1] =	sst s7  }
0x10: {  	[smem:$0x3FB2] =	sst s8  }
0x11: {  	[smem:$0x3FB3] =	sst s9;
	s0 =	simm.s32 @!p0 $0x0  }
0x12: {  	s1 =	sld [smem:$0x3F99];
	s0 =	simm.s32 @p0 $0x1  }
0x13: {  	[smem:$0x3FB4] =	sst s0;
	s0 =	simm.s32 @!p1 $0x0  }
0x14: {  	s2 =	sld [smem:$0x3F98];
	s0 =	simm.s32 @p1 $0x1  }
0x15: {  	[smem:$0x3FB5] =	sst s0;
	s0 =	simm.s32 @!p2 $0x0  }
0x16: {  	s3 =	sld [smem:$0x3FDB];
	s0 =	simm.s32 @p2 $0x1  }
0x17: {  	s4 =	simm.s32 $0x1BF5;
	[smem:$0x3FB7] =	sst s0  }
0x18: {  	s0 =	sld [smem:$0x3F9A];
	_ =	swait.ge [sflag:s4], $0x0  }
0x19: {  	s7 =	sld [smem:$0x3F9B]  }
0x1a: {  	s8 =	sadd.s32 $0xFFFFE003, lr  }
0x1b: {  	s9 =	sadd.s32 $0xFFFFFEF7, lr;
	s5 =	simm.s32 $0xFFFFFFFF;
	p2 =	slt.u32 s8, $0xFFFFF086  }
0x1c: {  	p1 =	slt.u32 s9, $0xF7A;
	s5 =	simm.s32 @!p2 $0x0  }
0x1d: {  	s5 =	simm.s32 @p1 $0x1;
	p0 =	seq.s32 s7, s2  }
0x1e: {  	s7 =	smul.u32 @!p0 $0xF7A, s2;
	p2 =	seq.s32 @!p0 s5, $0x0  }
0x1f: {  	s9 =	smul.u32 $0xF7A, s1;
	s8 =	simm.s32 @!p0 $0x1BF5;
	p2 =	por !p2, p0  }
0x20: {  	[sflag:s8] =	ssyncset.s32 @!p0 $0xFFFFF086;
	s6 =	sadd.s32 @!p0 s3, s7;
	s7 =	simm.s32 @!p0 $0x108  }
0x21: {  	s3 =	sadd.s32 s3, s9;
	s6 =	sadd.s32 @!p0 $0x88, s6;
	s7 =	simm.s32 @p2 $0x1082  }
0x22: {  	[simem:s7], [sflag:s8] =	dma.local @!p0 [hbm:s6], $0xF7A  }
0x23: {  	s9 =	sor.u32 $0xD0000000, s2;
	s6 =	simm.s32 $0x108;
	_ =	swait.ge @!p0 [sflag:s8], $0x0  }
0x24: {  	s3 =	sadd.s32 $0x88, s3;
	s6 =	simm.s32 @!p1 $0x1082;
	[sflag:s4] =	ssyncset.s32 $0xFFFFF086  }
0x25: {  	[simem:s6], [sflag:s4] =	dma.local [hbm:s3], $0xF7A  }
0x26: {  	[smem:$0x3F9B] =	sst s1;
	(tag) =	ssettag s2;
	_ =	strace s9  }
0x27: {  	s1 =	sld [smem:$0x3FAB]  }
0x28: {  	s2 =	sld [smem:$0x3FAC]  }
0x29: {  	s4 =	sld [smem:$0x3FAE]  }
0x2a: {  	p0 =	seq.s32 s5, $0x0;
	s5 =	sld [smem:$0x3FAF]  }
0x2b: {  	s6 =	sld [smem:$0x3FB0]  }
0x2c: {  	s7 =	sld [smem:$0x3FB1]  }
0x2d: {  	s3 =	simm.s32 $0x108;
	s8 =	sld [smem:$0x3FB2]  }
0x2e: {  	s3 =	simm.s32 @!p0 $0x1082;
	s9 =	sld [smem:$0x3FB3]  }
0x2f: {  	lr =	sadd.s32 s0, s3;
	s0 =	sld [smem:$0x3FAA]  }
0x30: {  	s3 =	sld [smem:$0x3FAD]  }
0x31: {  	[smem:$0x3FB6] =	sst s10  }
0x32: {  	s10 =	sld [smem:$0x3FB4];
	_ =	sdelay $0x3  }
0x33: {  	p0 =	seq.s32 s10, $0x1;
	s10 =	sld [smem:$0x3FB6];
	_ =	sdelay $0x3  }
0x34: {  	[smem:$0x3FB6] =	sst s10  }
0x35: {  	s10 =	sld [smem:$0x3FB5];
	_ =	sdelay $0x3  }
0x36: {  	p1 =	seq.s32 s10, $0x1;
	s10 =	sld [smem:$0x3FB6];
	_ =	sdelay $0x3  }
0x37: {  	[smem:$0x3FB6] =	sst s10  }
0x38: {  	s10 =	sld [smem:$0x3FB7]  }
0x39: {  	_ = 	snop;
	(pc) =	sbr.ind lr, $3  }
0x3a: {  	_ = 	snop  }
0x3b: {  	_ = 	snop  }
0x3c: {  	p2 =	seq.s32 s10, $0x1;
	s10 =	sld [smem:$0x3FB6]  }
0x3d: {  	_ =	shalt  }
0x3e: {  	_ =	shalt  }
0x3f: {  	_ =	shalt  }
0x40: {  	_ =	shalt  }
0x41: {  	_ =	shalt  }
0x42: {  	_ =	shalt  }
0x43: {  	_ =	shalt  }
0x44: {  	_ =	shalt  }
0x45: {  	_ =	shalt  }
0x46: {  	_ =	shalt  }
0x47: {  	_ =	shalt  }
0x48: {  	_ =	shalt  }
0x49: {  	_ =	shalt  }
0x4a: {  	_ =	shalt  }
0x4b: {  	_ =	shalt  }
0x4c: {  	_ =	shalt  }
0x4d: {  	_ =	shalt  }
0x4e: {  	_ =	shalt  }
0x4f: {  	_ =	shalt  }
0x50: {  	_ =	shalt  }
0x51: {  	_ =	shalt  }
0x52: {  	_ =	shalt  }
0x53: {  	_ =	shalt  }
0x54: {  	_ =	shalt  }
0x55: {  	_ =	shalt  }
0x56: {  	_ =	shalt  }
0x57: {  	_ =	shalt  }
0x58: {  	_ =	shalt  }
0x59: {  	_ =	shalt  }
0x5a: {  	_ =	shalt  }
0x5b: {  	_ =	shalt  }
0x5c: {  	_ =	shalt  }
0x5d: {  	_ =	shalt  }
0x5e: {  	_ =	shalt  }
0x5f: {  	_ =	shalt  }
0x60: {  	_ =	shalt  }
0x61: {  	_ =	shalt  }
0x62: {  	_ =	shalt  }
0x63: {  	_ =	shalt  }
0x64: {  	_ =	shalt  }
0x65: {  	_ =	shalt  }
0x66: {  	_ =	shalt  }
0x67: {  	_ =	shalt  }
0x68: {  	_ =	shalt  }
0x69: {  	_ =	shalt  }
0x6a: {  	_ =	shalt  }
0x6b: {  	_ =	shalt  }
0x6c: {  	_ =	shalt  }
0x6d: {  	_ =	shalt  }
0x6e: {  	_ =	shalt  }
0x6f: {  	_ =	shalt  }
0x70: {  	_ =	shalt  }
0x71: {  	_ =	shalt  }
0x72: {  	_ =	shalt  }
0x73: {  	_ =	shalt  }
0x74: {  	_ =	shalt  }
0x75: {  	_ =	shalt  }
0x76: {  	_ =	shalt  }
0x77: {  	_ =	shalt  }
0x78: {  	_ =	shalt  }
0x79: {  	_ =	shalt  }
0x7a: {  	_ =	shalt  }
0x7b: {  	_ =	shalt  }
0x7c: {  	_ =	shalt  }
0x7d: {  	_ =	shalt  }
0x7e: {  	_ =	shalt  }
0x7f: {  	_ =	shalt  }
0x80: {  	_ =	shalt  }
0x81: {  	_ =	shalt  }
0x82: {  	_ =	shalt  }
0x83: {  	_ =	shalt  }
0x84: {  	_ =	shalt  }
0x85: {  	_ =	shalt  }
0x86: {  	_ =	shalt  }
0x87: {  	_ =	shalt  }
.Lfunc_end0:
.L_simem_size_0:
called_computation_lowered:
.L_overlay_start_0:
0x88: {  	s2 =	sld [smem:$0x3FD9]  }
0x89: {  	s3 =	sld [smem:$0x3FFE];
	_ =	sdelay $0x1  }
0x8a: {  	s1 =	srdreg.scid  }
0x8b: {  	s0 =	sand.u32 $0x1, s1  }
0x8c: {  	s16 =	sshll.u32 s0, $0xA;
	s2 =	sadd.s32 s3, s2  }
0x8d: {  	s2 =	sadd.s32 s2, s16  }
0x8e: {  	[smem:$0x3FC2] =	sst s2  }
0x8f: {  	_ = 	snop  }
0x90: {  	(tm) =	ssettm $0x1  }
0x91: {  	s17 =	sld [smem:$0x3FFB];
	_ =	sdelay $0x3  }
0x92: {  	_ =	strace s17  }
0x93: {  	s2 =	sld [smem:$0x3FFC];
	_ =	sdelay $0x3  }
0x94: {  	_ =	strace s2  }
0x95: {  	s2 =	sld [smem:$0x3FFD];
	_ =	sdelay $0x3  }
0x96: {  	_ =	strace s2  }
0x97: {  	_ =	strace $0x8FFFFFFF  }
0x98: {  	s18 =	sld [smem:$0x3FDB];
	_ =	sdelay $0x1  }
0x99: {  	s19 =	simm.s32 $_scs_section_size  }
0x9a: {  	s4 =	simm.s32 $_size__tile_overlayer_lowered;
	s5 =	simm.s32 $_tile_overlayer_lowered  }
0x9b: {  	s22 =	simm.s32 $0x1BFF;
	s21 =	sshll.u32 s5, $0x1;
	s2 =	sadd.s32 s19, s18  }
0x9c: {  	s6 =	simm.s32 $0x0;
	s20 =	sshll.u32 s4, $0x1;
	s4 =	sadd.s32 s21, s2  }
0x9d: {  	[timem:s6], [sflag:s22] =	dma.local [hbm:s4], s20  }
0x9e: {  	_ =	swait.ge [sflag:s22], s20  }
0x9f: {  	s3 =	ssub.s32 $0x0, s20;
	[sflag:s22] =	ssyncset.done $0x0  }
0xa0: {  	[sflag:s22] =	ssyncadd.s32 s3;
	_ =	sdelay $0x1  }
0xa1: {  	s23 =	simm.s32 $0x1B8B  }
0xa2: {  	_ =	swait.ge [sflag:s23], $0x1  }
0xa3: {  	[sflag:s23] =	ssyncset.done $0x0  }
0xa4: {  	s25 =	simm.s32 $0x1B8E;
	s24 =	sld [smem:$0x3FFE];
	[sflag:s23] =	ssyncadd.s32 $0xFFFFFFFF  }
0xa5: {  	s26 =	simm.s32 $execute0_lowered;
	[smem:$0x3FD2] =	sst s25  }
0xa6: {  	s4 =	sshll.u32 s26, $0x1;
	_ =	strace $0x80000046;
	[dreg:$0x1] =	wrdreg $0xFFFFFFFF  }
0xa7: {  	s28 =	simm.s32 $_size_execute0_lowered;
	s2 =	sadd.s32 s2, s4;
	[dreg:$0x0] =	wrdreg $0x0  }
0xa8: {  	s4 =	sshll.u32 s28, $0x1;
	[dreg:$0x2] =	wrdreg s2  }
0xa9: {  	[dreg:$0x3] =	wrdreg s4  }
0xaa: {  	[dreg:$0x4] =	wrdreg $0xC0  }
0xab: {  	_ =	task [dreg:s6], $0x5FFFF  }
0xac: {  	[dreg:$0x1] =	wrdreg $0xFFFFFFFF  }
0xad: {  	[dreg:$0x0] =	wrdreg $0x60  }
0xae: {  	[dreg:$0x2] =	wrdreg s24  }
0xaf: {  	[dreg:$0x3] =	wrdreg $0x28800  }
0xb0: {  	[dreg:$0x4] =	wrdreg $0x9  }
0xb1: {  	_ =	task.clear_ibuf [dreg:s6], $0x5FFFF;
	_ =	strace $0x90000046  }
0xb2: {  	s29 =	simm.s32 $0x9;
	_ =	strace $0x80000048  }
0xb3: {  	_ =	swait.ge [sflag:s29], $0x1  }
0xb4: {  	[sflag:s29] =	ssyncadd.s32 $0xFFFFFFFF  }
0xb5: {  	_ =	strace $0x90000048  }
0xb6: {  	_ =	sfence  }
0xb7: {  	s30 =	sld [smem:$0x0];
	_ =	sdelay $0x2  }
0xb8: {  	s31 =	sshll.u32 s1, $0xD;
	s1 =	sshrl.u32 s1, $0x2  }
0xb9: {  	s3 =	sand.u32 $0x4000, s31;
	s1 =	sadd.s32 s1, s30  }
0xba: {  	s0 =	sor.u32 s3, s0;
	s1 =	sshll.u32 s1, $0x11  }
0xbb: {  	s0 =	sor.u32 s1, s0  }
0xbc: {  	s0 =	sadd.s32 $0x8F2B, s0  }
0xbd: {  	[sflag:s0] =	ssyncadd.remote.s32 $0x1  }
0xbe: {  	_ =	sfence.sel $0xFFFF  }
0xbf: {  	[dreg:$0x0] =	wrdreg $0xFFFFFFFF;
	(pc) =	sbr.abs _section_cstart, $3  }
0xc0: {  	[dreg:$0x1] =	wrdreg $0xFFFFFFFF  }
0xc1: {  	_ =	task.clear_ibuf [dreg:s6], $0x2FFFF;
	_ =	strace $0x9FFFFFFF  }
0xc2: {  	(tm) =	ssettm $0x7FFFFFFF  }
0xc3: {  	_ =	shalt  }
tec
execute0_lowered:
.L_overlay_start_1:
0x0: {  	(tag) =	ssettag $0x1  }
0x1: {  	s0 =	rddreg [dreg:$0x0]  }
0x2: {  	s2 =	rddreg [dreg:$0x1]  }
0x3: {  	s1 =	srdreg.scid;
	s9 =	stileid.u32  }
0x4: {  	s3 =	simm.s32 $0x0;
	s8 =	simm.s32 $0x9;
	s10 =	simm.s32 $0x80  }
0x5: {  	s11 =	simm.s32 $0x2800;
	s12 =	simm.s32 $0x100;
	s13 =	simm.s32 $0x180  }
0x6: {  	s14 =	simm.s32 $0x200;
	s15 =	simm.s32 $0x280;
	s16 =	simm.s32 $0x300  }
0x7: {  	s17 =	simm.s32 $0x380;
	s18 =	simm.s32 $0x1;
	s19 =	simm.s32 $0x2  }
0x8: {  	s20 =	simm.s32 $0x3;
	s21 =	simm.s32 $0x4;
	s22 =	simm.s32 $0x5  }
0x9: {  	s29 =	simm.s32 $0x20;
	s30 =	simm.s32 $0x10;
	s31 =	simm.s32 $0x0  }
0xa: {  	s1 =	sand.u32 $0x1, s1;
	s5 =	smul.u32 $0x500, s9;
	[smem:$0x7FF] =	sst s3  }
0xb: {  	s23 =	smul.u32 $0xA00, s9;
	s26 =	sshll.u32 s9, $0x6;
	s4 =	sshll.u32 s1, $0x4  }
0xc: {  	s6 =	sshll.u32 s1, $0x7;
	_ =	strace $0x80000047;
	s1 =	ssub.s32 $0x2, s1  }
0xd: {  	s4 =	sor.u32 s9, s4;
	s5 =	sor.u32 s6, s5;
	s24 =	sshrl.u32 s1, $0x1  }
0xe: {  	s25 =	sshrl.u32 s23, $0x2;
	s23 =	simm.s32 $0x6;
	s4 =	smul.u32 $0x500, s4  }
0xf: {  	s5 =	sshrl.u32 s5, $0x3;
	s1 =	ssub.s32 s1, s24;
	s24 =	simm.s32 $0x7  }
0x10: {  	s7 =	smax.u32 s1, $0x1;
	s4 =	sadd.s32 s4, s0;
	s0 =	sadd.s32 s5, s0  }
0x11: {  	s5 =	sadd.s32 s25, s2;
	s25 =	sor.u32 $0x1C09, s26;
	s26 =	simm.s32 $0x8  }
0x12: {  	v0 =	vimm.f32 $1.000000000e+00;
	v1 =	vimm.f32 $0.0e+00;
	s4 =	sadd.s32 $0x1800, s4;
	s6 =	sadd.s32 $0xB800, s0;
	s28 =	sshrl.u32 s5, $0x3  }
.LBB2_1:
0x13: {  	[tilespmem:$0x2800] =	vst v0  }
0x14: {  	[tilespmem:$0x2810] =	vst v0  }
0x15: {  	[tilespmem:$0x2820] =	vst v0  }
0x16: {  	[tilespmem:$0x2830] =	vst v0  }
0x17: {  	[tilespmem:$0x2840] =	vst v0  }
0x18: {  	[tilespmem:$0x2850] =	vst v0  }
0x19: {  	[tilespmem:$0x2860] =	vst v0  }
0x1a: {  	[tilespmem:$0x2870] =	vst v0  }
0x1b: {  	[tilespmem:$0x2B00] =	vst v1  }
0x1c: {  	[tilespmem:$0x2B10] =	vst v1  }
0x1d: {  	[tilespmem:$0x2B20] =	vst v1  }
0x1e: {  	[tilespmem:$0x2B30] =	vst v1  }
0x1f: {  	[tilespmem:$0x2B40] =	vst v1  }
0x20: {  	[tilespmem:$0x2B50] =	vst v1  }
0x21: {  	[tilespmem:$0x2B60] =	vst v1  }
0x22: {  	[tilespmem:$0x2B70] =	vst v1  }
0x23: {  	[tilespmem:$0x2B80] =	vst v1  }
0x24: {  	[tilespmem:$0x2B90] =	vst v1  }
0x25: {  	[tilespmem:$0x2BA0] =	vst v1  }
0x26: {  	[tilespmem:$0x2BB0] =	vst v1  }
0x27: {  	[tilespmem:$0x2BC0] =	vst v1  }
0x28: {  	[tilespmem:$0x2BD0] =	vst v1  }
0x29: {  	[tilespmem:$0x2BE0] =	vst v1  }
0x2a: {  	[tilespmem:$0x2BF0] =	vst v1  }
0x2b: {  	[tilespmem:$0x2C00] =	vst v1  }
0x2c: {  	[tilespmem:$0x2C10] =	vst v1  }
0x2d: {  	[tilespmem:$0x2C20] =	vst v1  }
0x2e: {  	[tilespmem:$0x2C30] =	vst v1  }
0x2f: {  	[tilespmem:$0x2C40] =	vst v1  }
0x30: {  	[tilespmem:$0x2C50] =	vst v1  }
0x31: {  	[tilespmem:$0x2C60] =	vst v1  }
0x32: {  	[tilespmem:$0x2C70] =	vst v1  }
0x33: {  	[tilespmem:$0x2C80] =	vst v1  }
0x34: {  	[tilespmem:$0x2C90] =	vst v1  }
0x35: {  	[tilespmem:$0x2CA0] =	vst v1  }
0x36: {  	[tilespmem:$0x2CB0] =	vst v1  }
0x37: {  	[tilespmem:$0x2CC0] =	vst v1  }
0x38: {  	[tilespmem:$0x2CD0] =	vst v1  }
0x39: {  	[tilespmem:$0x2CE0] =	vst v1  }
0x3a: {  	[tilespmem:$0x2CF0] =	vst v1  }
0x3b: {  	[tilespmem:$0x2D00] =	vst v1  }
0x3c: {  	[tilespmem:$0x2D10] =	vst v1  }
0x3d: {  	[tilespmem:$0x2D20] =	vst v1  }
0x3e: {  	[tilespmem:$0x2D30] =	vst v1  }
0x3f: {  	[tilespmem:$0x2D40] =	vst v1  }
0x40: {  	[tilespmem:$0x2D50] =	vst v1  }
0x41: {  	[tilespmem:$0x2D60] =	vst v1  }
0x42: {  	[tilespmem:$0x2D70] =	vst v1  }
0x43: {  	[tilespmem:s3], [sflag:$0x9] =	stream.linear.gather [hbm4b:s4+s3], $0x2800, $0x38;
	[tilespmem:$0x2D80] =	vst v63  }
0x44: {  	_ =	swait.ge [sflag:s8], $0x2800  }
0x45: {  	[sflag:s8] =	ssyncset.done $0x0  }
0x46: {  	s0 =	simm.s32 $0x2B00;
	[sflag:s8] =	ssyncadd.s32 $0xFFFFD800  }
0x47: {  	[spmem:s5] =	stream.linear.scatter [tilespmem:s0], [sflag:$0x9], $0x280, $0x38;
	[tilespmem:$0x2D80] =	vst v63  }
0x48: {  	_ =	swait.ge [sflag:s8], $0x280  }
0x49: {  	[sflag:s8] =	ssyncset.done $0x0  }
0x4a: {  	[sflag:s8] =	ssyncadd.s32 $0xFFFFFD80  }
0x4b: {  	[bflag:$0x0] =	sbarrier.arrive $0xFFFF  }
0x4c: {  	[spmem:s2] =	stream.indirect.scatter.add.f32 [tilespmem:s11], [sflag:$0x1], $0x1, s3, s10, $0xb8;
	[tilespmem:$0x2D80] =	vst v63  }
0x4d: {  	_ = 	snop  }
0x4e: {  	[spmem:s2] =	stream.indirect.scatter.add.f32 [tilespmem:s11], [sflag:$0x2], $0x1, s10, s10, $0xb8;
	[tilespmem:$0x2D80] =	vst v63  }
0x4f: {  	_ = 	snop  }
0x50: {  	[spmem:s2] =	stream.indirect.scatter.add.f32 [tilespmem:s11], [sflag:$0x3], $0x1, s12, s10, $0xb8;
	[tilespmem:$0x2D80] =	vst v63  }
0x51: {  	_ = 	snop  }
0x52: {  	[spmem:s2] =	stream.indirect.scatter.add.f32 [tilespmem:s11], [sflag:$0x4], $0x1, s13, s10, $0xb8;
	[tilespmem:$0x2D80] =	vst v63  }
0x53: {  	_ = 	snop  }
0x54: {  	[spmem:s2] =	stream.indirect.scatter.add.f32 [tilespmem:s11], [sflag:$0x5], $0x1, s14, s10, $0xb8;
	[tilespmem:$0x2D80] =	vst v63  }
0x55: {  	_ = 	snop  }
0x56: {  	[spmem:s2] =	stream.indirect.scatter.add.f32 [tilespmem:s11], [sflag:$0x6], $0x1, s15, s10, $0xb8;
	[tilespmem:$0x2D80] =	vst v63  }
0x57: {  	_ = 	snop  }
0x58: {  	[spmem:s2] =	stream.indirect.scatter.add.f32 [tilespmem:s11], [sflag:$0x7], $0x1, s16, s10, $0xb8;
	[tilespmem:$0x2D80] =	vst v63  }
0x59: {  	_ = 	snop  }
0x5a: {  	[spmem:s2] =	stream.indirect.scatter.add.f32 [tilespmem:s11], [sflag:$0x8], $0x1, s17, s10, $0xb8;
	[tilespmem:$0x2D80] =	vst v63  }
0x5b: {  	_ =	swait.ge [sflag:s18], $0x80  }
0x5c: {  	[sflag:s18] =	ssyncset.done $0x0  }
0x5d: {  	s9 =	simm.s32 $0x400;
	[sflag:s18] =	ssyncadd.s32 $0xFFFFFF80  }
0x5e: {  	[spmem:s2] =	stream.indirect.scatter.add.f32 [tilespmem:s11], [sflag:$0x1], $0x1, s9, s10, $0xb8;
	[tilespmem:$0x2D80] =	vst v63  }
0x5f: {  	_ =	swait.ge [sflag:s19], $0x80  }
0x60: {  	[sflag:s19] =	ssyncset.done $0x0  }
0x61: {  	s1 =	simm.s32 $0x480;
	[sflag:s19] =	ssyncadd.s32 $0xFFFFFF80  }
0x62: {  	[spmem:s2] =	stream.indirect.scatter.add.f32 [tilespmem:s11], [sflag:$0x2], $0x1, s1, s10, $0xb8;
	[tilespmem:$0x2D80] =	vst v63  }
0x63: {  	_ =	swait.ge [sflag:s20], $0x80  }
0x64: {  	[sflag:s20] =	ssyncset.done $0x0  }
0x65: {  	s9 =	simm.s32 $0x500;
	[sflag:s20] =	ssyncadd.s32 $0xFFFFFF80  }
0x66: {  	[spmem:s2] =	stream.indirect.scatter.add.f32 [tilespmem:s11], [sflag:$0x3], $0x1, s9, s10, $0xb8;
	[tilespmem:$0x2D80] =	vst v63  }
0x67: {  	_ =	swait.ge [sflag:s21], $0x80  }
0x68: {  	[sflag:s21] =	ssyncset.done $0x0  }
0x69: {  	s1 =	simm.s32 $0x580;
	[sflag:s21] =	ssyncadd.s32 $0xFFFFFF80  }
0x6a: {  	[spmem:s2] =	stream.indirect.scatter.add.f32 [tilespmem:s11], [sflag:$0x4], $0x1, s1, s10, $0xb8;
	[tilespmem:$0x2D80] =	vst v63  }
0x6b: {  	_ =	swait.ge [sflag:s22], $0x80  }
0x6c: {  	[sflag:s22] =	ssyncset.done $0x0  }
0x6d: {  	s9 =	simm.s32 $0x600;
	[sflag:s22] =	ssyncadd.s32 $0xFFFFFF80  }
0x6e: {  	[spmem:s2] =	stream.indirect.scatter.add.f32 [tilespmem:s11], [sflag:$0x5], $0x1, s9, s10, $0xb8;
	[tilespmem:$0x2D80] =	vst v63  }
0x6f: {  	_ =	swait.ge [sflag:s23], $0x80  }
0x70: {  	[sflag:s23] =	ssyncset.done $0x0  }
0x71: {  	s1 =	simm.s32 $0x680;
	[sflag:s23] =	ssyncadd.s32 $0xFFFFFF80  }
0x72: {  	[spmem:s2] =	stream.indirect.scatter.add.f32 [tilespmem:s11], [sflag:$0x6], $0x1, s1, s10, $0xb8;
	[tilespmem:$0x2D80] =	vst v63  }
0x73: {  	_ =	swait.ge [sflag:s24], $0x80  }
0x74: {  	[sflag:s24] =	ssyncset.done $0x0  }
0x75: {  	s9 =	simm.s32 $0x700;
	[sflag:s24] =	ssyncadd.s32 $0xFFFFFF80  }
0x76: {  	[spmem:s2] =	stream.indirect.scatter.add.f32 [tilespmem:s11], [sflag:$0x7], $0x1, s9, s10, $0xb8;
	[tilespmem:$0x2D80] =	vst v63  }
0x77: {  	_ =	swait.ge [sflag:s26], $0x80  }
0x78: {  	[sflag:s26] =	ssyncset.done $0x0  }
0x79: {  	s0 =	simm.s32 $0x1000;
	s1 =	simm.s32 $0x780;
	[sflag:s26] =	ssyncadd.s32 $0xFFFFFF80  }
.LBB2_2:
0x7a: {  	[spmem:s2] =	stream.indirect.scatter.add.f32 [tilespmem:s11], [sflag:$0x8], $0x1, s1, s10, $0xb8;
	[tilespmem:$0x2D80] =	vst v63  }
0x7b: {  	s1 =	smov.u32 s0  }
0x7c: {  	p0 =	sne.s32 s0, $0x8000;
	s0 =	sadd.s32 $0x1000, s0;
	_ =	swait.ge [sflag:s18], $0x80  }
0x7d: {  	s1 =	sshra.s32 s1, $0x2;
	[sflag:s18] =	ssyncset.done $0x0  }
0x7e: {  	s9 =	sadd.s32 $0x400, s1;
	[sflag:s18] =	ssyncadd.s32 $0xFFFFFF80  }
0x7f: {  	[spmem:s2] =	stream.indirect.scatter.add.f32 [tilespmem:s11], [sflag:$0x1], $0x1, s9, s10, $0xb8;
	[tilespmem:$0x2D80] =	vst v63  }
0x80: {  	_ =	swait.ge [sflag:s19], $0x80  }
0x81: {  	[sflag:s19] =	ssyncset.done $0x0  }
0x82: {  	s9 =	sadd.s32 $0x480, s1;
	[sflag:s19] =	ssyncadd.s32 $0xFFFFFF80  }
0x83: {  	[spmem:s2] =	stream.indirect.scatter.add.f32 [tilespmem:s11], [sflag:$0x2], $0x1, s9, s10, $0xb8;
	[tilespmem:$0x2D80] =	vst v63  }
0x84: {  	_ =	swait.ge [sflag:s20], $0x80  }
0x85: {  	[sflag:s20] =	ssyncset.done $0x0  }
0x86: {  	s9 =	sadd.s32 $0x500, s1;
	[sflag:s20] =	ssyncadd.s32 $0xFFFFFF80  }
0x87: {  	[spmem:s2] =	stream.indirect.scatter.add.f32 [tilespmem:s11], [sflag:$0x3], $0x1, s9, s10, $0xb8;
	[tilespmem:$0x2D80] =	vst v63  }
0x88: {  	_ =	swait.ge [sflag:s21], $0x80  }
0x89: {  	[sflag:s21] =	ssyncset.done $0x0  }
0x8a: {  	s9 =	sadd.s32 $0x580, s1;
	[sflag:s21] =	ssyncadd.s32 $0xFFFFFF80  }
0x8b: {  	[spmem:s2] =	stream.indirect.scatter.add.f32 [tilespmem:s11], [sflag:$0x4], $0x1, s9, s10, $0xb8;
	[tilespmem:$0x2D80] =	vst v63  }
0x8c: {  	_ =	swait.ge [sflag:s22], $0x80  }
0x8d: {  	[sflag:s22] =	ssyncset.done $0x0  }
0x8e: {  	s9 =	sadd.s32 $0x600, s1;
	[sflag:s22] =	ssyncadd.s32 $0xFFFFFF80  }
0x8f: {  	[spmem:s2] =	stream.indirect.scatter.add.f32 [tilespmem:s11], [sflag:$0x5], $0x1, s9, s10, $0xb8;
	[tilespmem:$0x2D80] =	vst v63  }
0x90: {  	_ =	swait.ge [sflag:s23], $0x80  }
0x91: {  	[sflag:s23] =	ssyncset.done $0x0  }
0x92: {  	s9 =	sadd.s32 $0x680, s1;
	[sflag:s23] =	ssyncadd.s32 $0xFFFFFF80  }
0x93: {  	[spmem:s2] =	stream.indirect.scatter.add.f32 [tilespmem:s11], [sflag:$0x6], $0x1, s9, s10, $0xb8;
	[tilespmem:$0x2D80] =	vst v63  }
0x94: {  	_ =	swait.ge [sflag:s24], $0x80  }
0x95: {  	[sflag:s24] =	ssyncset.done $0x0  }
.Ltmp0:
0x96: {  	s9 =	sadd.s32 $0x700, s1;
	[sflag:s24] =	ssyncadd.s32 $0xFFFFFF80;
	(pc) =	sbr.rel @p0 .LBB2_2-.Ltmp0, $4  }
0x97: {  	[spmem:s2] =	stream.indirect.scatter.add.f32 [tilespmem:s11], [sflag:$0x7], $0x1, s9, s10, $0xb8;
	[tilespmem:$0x2D80] =	vst v63  }
0x98: {  	_ =	swait.ge [sflag:s26], $0x80  }
0x99: {  	[sflag:s26] =	ssyncset.done $0x0  }
0x9a: {  	s1 =	sadd.s32 $0x780, s1;
	[sflag:s26] =	ssyncadd.s32 $0xFFFFFF80  }
0x9b: {  	[spmem:s2] =	stream.indirect.scatter.add.f32 [tilespmem:s11], [sflag:$0x8], $0x1, s1, s10, $0xb8;
	[tilespmem:$0x2D80] =	vst v63  }
0x9c: {  	_ =	swait.ge [sflag:s18], $0x80  }
0x9d: {  	[sflag:s18] =	ssyncset.done $0x0  }
0x9e: {  	[sflag:s18] =	ssyncadd.s32 $0xFFFFFF80  }
0x9f: {  	_ =	swait.ge [sflag:s19], $0x80  }
0xa0: {  	[sflag:s19] =	ssyncset.done $0x0  }
0xa1: {  	[sflag:s19] =	ssyncadd.s32 $0xFFFFFF80  }
0xa2: {  	_ =	swait.ge [sflag:s20], $0x80  }
0xa3: {  	[sflag:s20] =	ssyncset.done $0x0  }
0xa4: {  	[sflag:s20] =	ssyncadd.s32 $0xFFFFFF80  }
0xa5: {  	_ =	swait.ge [sflag:s21], $0x80  }
0xa6: {  	[sflag:s21] =	ssyncset.done $0x0  }
0xa7: {  	[sflag:s21] =	ssyncadd.s32 $0xFFFFFF80  }
0xa8: {  	_ =	swait.ge [sflag:s22], $0x80  }
0xa9: {  	[sflag:s22] =	ssyncset.done $0x0  }
0xaa: {  	[sflag:s22] =	ssyncadd.s32 $0xFFFFFF80  }
0xab: {  	_ =	swait.ge [sflag:s23], $0x80  }
0xac: {  	[sflag:s23] =	ssyncset.done $0x0  }
0xad: {  	[sflag:s23] =	ssyncadd.s32 $0xFFFFFF80  }
0xae: {  	_ =	swait.ge [sflag:s24], $0x80  }
0xaf: {  	[sflag:s24] =	ssyncset.done $0x0  }
0xb0: {  	[sflag:s24] =	ssyncadd.s32 $0xFFFFFF80  }
0xb1: {  	_ =	swait.ge [sflag:s26], $0x80  }
0xb2: {  	s31 =	sadd.s32 $0x1, s31;
	[sflag:s26] =	ssyncset.done $0x0  }
0xb3: {  	p0 =	sne.s32 s31, s7;
	[sflag:s26] =	ssyncadd.s32 $0xFFFFFF80  }
.Ltmp1:
0xb4: {  	[bflag:$0x0] =	sbarrier.arrive $0xFFFF;
	(pc) =	sbr.rel @p0 .LBB2_1-.Ltmp1, $4  }
0xb5: {  	[hbm:s6@s29], [sflag:s25] =	dma.strided [spmem:s28@s30], $0x50, s18, $0x10   }
0xb6: {  	_ =	swait.ge [sflag:s8], $0x50  }
0xb7: {  	[sflag:s8] =	ssyncset.done $0x0  }
0xb8: {  	[sflag:s8] =	ssyncadd.s32 $0xFFFFFFB0  }
0xb9: {  	_ =	sfence.sel $0x180000  }
0xba: {  	[bflag:$0x0] =	sbarrier.arrive $0xFFFF  }
0xbb: {  	_ =	strace $0x90000047  }
0xbc: {  	s0 =	stileid.u32;
	[bflag:$0x2] =	sbarrier.arrive $0xFFFF  }
0xbd: {  	p0 =	sne.s32 s0, $0x0;
	s0 =	rddreg [dreg:$0x2]  }
0xbe: {  	s0 =	sadd.s32 @!p0 $0x100000, s0  }
0xbf: {  	[sflag:s0] =	ssyncadd.tile.s32 @!p0 $0x1;
	_ =	shalt  }
.Lfunc_end2:
_tile_overlayer_lowered:
.L_overlay_start_2:
0xc0: {  	(tag) =	ssettag $0x2  }
0xc1: {  	s0 =	rddreg [dreg:$0x0];
	s2 =	stileid.u32  }
0xc2: {  	s1 =	rddreg [dreg:$0x1];
	p0 =	sne.s32 s2, $0x0  }
0xc3: {  	s3 =	rddreg [dreg:$0x2];
	[bflag:$0x3] =	sbarrier.arrive $0xFFFF;
	s2 =	simm.s32 @!p0 $0x1C09  }
0xc4: {  	[timem:s3], [sflag:s2] =	dma.local @!p0 [hbm:s0], s1  }
0xc5: {  	s0 =	simm.s32 @!p0 $0x9  }
0xc6: {  	_ =	swait.ge @!p0 [sflag:s0], s1  }
0xc7: {  	s1 =	ssub.s32 @!p0 $0x0, s1;
	[sflag:s0] =	ssyncset.done @!p0 $0x0  }
0xc8: {  	[sflag:s0] =	ssyncadd.s32 @!p0 s1  }
0xc9: {  	[bflag:$0x3] =	sbarrier.arrive $0xFFFF  }
0xca: {  	_ =	shalt  }

</sc_bundles>
